<compile_context>
chip_gen: v7x
topology: tpu7x:2x2x1
jax: 0.10.2.dev20260603
libtpu: 0.0.44.dev20260713+nightly
codegen_flags: <defaults>
</compile_context>

<pallas_src>
import functools

import jax
import jax.numpy as jnp
from jax import lax
from jax.experimental import pallas as pl
from jax.experimental.pallas import tpu as pltpu
from jax.experimental.pallas import tpu_sc as plsc

N = 10000
E = 320000
D = 128

NC = 2
NS = 16
NW = NC * NS

RPT = 632
RPT_LAST = N - (NS - 1) * RPT

EPW = E // NW
CA = 16
RA = EPW // CA
NB = 11
LK = 9
KJ = (RA - LK) // NB

_mesh = plsc.VectorSubcoreMesh(core_axis_name="c", subcore_axis_name="s")


def _tile_sliced_copy(sid, make_src, make_dst):

    @pl.when(sid < NS - 1)
    def _():
        off = sid * RPT
        pltpu.sync_copy(make_src(off, RPT), make_dst(off, RPT))

    @pl.when(sid == NS - 1)
    def _():
        off = (NS - 1) * RPT
        pltpu.sync_copy(make_src(off, RPT_LAST), make_dst(off, RPT_LAST))


EPT = E // NW


@functools.partial(
    pl.kernel,
    out_type=jax.ShapeDtypeStruct((NC, NS, 1, N), jnp.float32),
    mesh=_mesh,
    compiler_params=pltpu.CompilerParams(needs_layout_passes=False),
    scratch_types=[
        pltpu.VMEM((EPT,), jnp.int32),
        pltpu.VMEM((1, N), jnp.float32),
    ],
)
def _deg_kernel(dst_hbm, out_hbm, idx_v, acc_v):
    cid = lax.axis_index("c")
    sid = lax.axis_index("s")

    zero16 = jnp.zeros((16,), jnp.float32)
    zero16i = jnp.zeros((16,), jnp.int32)
    one16 = jnp.full((16,), 1.0, jnp.float32)

    def zfill(i, _):
        acc_v[0, pl.ds(i * 16, 16)] = zero16
        return 0

    lax.fori_loop(0, N // 16, zfill, 0)

    wid = cid * NS + sid
    pltpu.sync_copy(dst_hbm.at[pl.ds(wid * EPT, EPT)], idx_v)

    def body(j, _):
        idx = idx_v[pl.ds(j * 16, 16)]
        plsc.addupdate_scatter(acc_v, [zero16i, idx], one16)
        return 0

    lax.fori_loop(0, EPT // 16, body, 0)

    pltpu.sync_copy(acc_v, out_hbm.at[cid, sid])


@functools.partial(
    pl.kernel,
    out_type=jax.ShapeDtypeStruct((NC, N, D), jnp.float32),
    mesh=_mesh,
    scratch_types=[
        pltpu.VMEM((EPW,), jnp.int32),
        pltpu.VMEM((EPW,), jnp.int32),
        *([pltpu.VMEM((CA, D), jnp.float32)] * NB),
        *([pltpu.SemaphoreType.DMA] * (2 * NB)),
        pltpu.VMEM_SHARED((N, D), jnp.float32),
    ],
)
def _agg_kernel(y_hbm, src_hbm, dst_hbm, out_hbm, idx_s, idx_d, *bufs):
    rows = list(bufs[:NB])
    gsem = list(bufs[NB:2 * NB])
    ssem = list(bufs[2 * NB:3 * NB])
    z_sh = bufs[3 * NB]
    cid = lax.axis_index("c")
    sid = lax.axis_index("s")

    wid = cid * NS + sid
    pltpu.sync_copy(src_hbm.at[wid], idx_s)
    pltpu.sync_copy(dst_hbm.at[wid], idx_d)

    _tile_sliced_copy(
        sid,
        lambda off, n: y_hbm.at[pl.ds(off, n)],
        lambda off, n: z_sh.at[pl.ds(off, n)],
    )
    plsc.subcore_barrier()

    def g_start(r, q):
        pltpu.async_copy(
            y_hbm.at[idx_s.at[pl.ds(r * CA, CA)]], rows[q], gsem[q]
        )

    def s_start(r, q):
        pltpu.async_copy(
            rows[q], z_sh.at[idx_d.at[pl.ds(r * CA, CA)]], ssem[q], add=True
        )

    def g_wait(r, q):
        pltpu.make_async_copy(
            y_hbm.at[idx_s.at[pl.ds(r * CA, CA)]], rows[q], gsem[q]
        ).wait()

    def s_wait(r, q):
        pltpu.make_async_copy(
            rows[q], z_sh.at[idx_d.at[pl.ds(r * CA, CA)]], ssem[q]
        ).wait()

    for q in range(LK):
        g_start(q, q)

    def hex_body(j, _):
        r0 = NB * j
        for i in range(NB):
            ri = r0 + i
            qn = (i + LK) % NB
            g_wait(ri, i)
            s_start(ri, i)
            if i + LK >= NB:
                s_wait(ri + LK - NB, qn)
                g_start(ri + LK, qn)
            else:

                @pl.when(j > 0)
                def _(ri=ri, qn=qn):
                    s_wait(ri + LK - NB, qn)

                g_start(ri + LK, qn)
        return 0

    lax.fori_loop(0, KJ, hex_body, 0)

    for t in range(LK):
        g_wait(RA - LK + t, t)
        s_start(RA - LK + t, t)
    s_wait(RA - LK - 2, NB - 2)
    s_wait(RA - LK - 1, NB - 1)
    for t in range(LK):
        s_wait(RA - LK + t, t)
    plsc.subcore_barrier()

    _tile_sliced_copy(
        sid,
        lambda off, n: z_sh.at[pl.ds(off, n)],
        lambda off, n: out_hbm.at[cid, pl.ds(off, n)],
    )


_BR = 1000
_GRID = N // _BR


def _dinv_body(degp_ref, dinv_ref):
    deg = jnp.sum(degp_ref[...], axis=(0, 1, 2)) + 1.0
    dinv_ref[...] = lax.rsqrt(deg)[:, None]


def _lin1_body(x_ref, w_ref, dinv_ref, y_ref):
    y = jnp.dot(x_ref[...], w_ref[...], preferred_element_type=jnp.float32)
    y_ref[...] = y * dinv_ref[...]


def _lin2_body(z_ref, y_ref, dinv_ref, b_ref, w_ref, y2_ref):
    dinv = dinv_ref[...]
    z = z_ref[0] + z_ref[1] - y_ref[...]
    h = jnp.tanh(z * dinv + b_ref[...])
    y = jnp.dot(h, w_ref[...], preferred_element_type=jnp.float32)
    y2_ref[...] = y * dinv


def _head_body(z_ref, y_ref, dinv_ref, b_ref, wlt_ref, bl_ref, out_ref, lsm_ref):
    z = z_ref[0] + z_ref[1] - y_ref[...]
    h = jnp.tanh(z * dinv_ref[...] + b_ref[...])
    o = jnp.dot(h, wlt_ref[...], preferred_element_type=jnp.float32) + bl_ref[...]
    m = jnp.max(o, axis=1, keepdims=True)
    lse = jnp.log(jnp.sum(jnp.exp(o - m), axis=1, keepdims=True)) + m
    out_ref[...] = o
    lsm_ref[...] = o - lse


def _row_spec(width):
    return pl.BlockSpec((_BR, width), lambda i: (i, 0))


def _full_spec(shape):
    nz = len(shape)
    return pl.BlockSpec(shape, lambda i, _n=nz: (0,) * _n)


def _z_spec():
    return pl.BlockSpec((NC, _BR, D), lambda i: (0, i, 0))


def kernel(x, edge_index, W1, b1, W2, b2, Wl, bl):
    src = edge_index[0]
    dst = edge_index[1]
    src2 = src.reshape(NW, EPW)
    dst2 = dst.reshape(NW, EPW)
    b1r = b1.reshape(1, D)
    b2r = b2.reshape(1, D)
    blr = bl.reshape(1, D)
    wlt = Wl.T

    degp = _deg_kernel(dst)

    dinv = pl.pallas_call(
        _dinv_body,
        out_shape=jax.ShapeDtypeStruct((N, 1), jnp.float32),
    )(degp)

    y1 = pl.pallas_call(
        _lin1_body,
        grid=(_GRID,),
        in_specs=[_row_spec(D), _full_spec((D, D)), _row_spec(1)],
        out_specs=_row_spec(D),
        out_shape=jax.ShapeDtypeStruct((N, D), jnp.float32),
    )(x, W1, dinv)

    z1 = _agg_kernel(y1, src2, dst2)

    y2 = pl.pallas_call(
        _lin2_body,
        grid=(_GRID,),
        in_specs=[
            _z_spec(),
            _row_spec(D),
            _row_spec(1),
            _full_spec((1, D)),
            _full_spec((D, D)),
        ],
        out_specs=_row_spec(D),
        out_shape=jax.ShapeDtypeStruct((N, D), jnp.float32),
    )(z1, y1, dinv, b1r, W2)

    z2 = _agg_kernel(y2, src2, dst2)

    out, lsm = pl.pallas_call(
        _head_body,
        grid=(_GRID,),
        in_specs=[
            _z_spec(),
            _row_spec(D),
            _row_spec(1),
            _full_spec((1, D)),
            _full_spec((D, D)),
            _full_spec((1, D)),
        ],
        out_specs=[_row_spec(D), _row_spec(D)],
        out_shape=[
            jax.ShapeDtypeStruct((N, D), jnp.float32),
            jax.ShapeDtypeStruct((N, D), jnp.float32),
        ],
    )(z2, y2, dinv, b2r, wlt, blr)

    return (out, lsm)

# --- scband reference (transcript-rebuilt; emitter-appended) ---
"""Pipeline reference for scband-qgcn-25494925869657 (READ-ONLY COPY).

The authoritative reference and input builder live on the scoring server;
editing this copy changes nothing except your own understanding.
"""

import jax, jax.numpy as jnp
import numpy as np

N_NODES = 10000
N_EDGES = 320000
D_IN = 128
D_H = 128
D_OUT = 128


def setup_inputs(seed: int = 0) -> dict:
    key = jax.random.key(seed)
    ks = jax.random.split(key, 10)
    x = jax.random.normal(ks[0], (N_NODES, D_IN), dtype=jnp.float32)
    edge_index = jax.random.randint(ks[1], (2, N_EDGES), 0, N_NODES)
    s1 = 1.0 / np.sqrt(D_IN)
    s2 = 1.0 / np.sqrt(D_H)
    W1 = jax.random.normal(ks[2], (D_IN, D_H), dtype=jnp.float32) * s1
    b1 = jnp.zeros((D_H,), dtype=jnp.float32)
    W2 = jax.random.normal(ks[3], (D_H, D_H), dtype=jnp.float32) * s2
    b2 = jnp.zeros((D_H,), dtype=jnp.float32)
    Wl = jax.random.normal(ks[4], (D_OUT, D_H), dtype=jnp.float32) * s2
    bl = jnp.zeros((D_OUT,), dtype=jnp.float32)
    return {"x": x, "edge_index": edge_index, "W1": W1, "b1": b1, "W2": W2, "b2": b2, "Wl": Wl, "bl": bl}


def _gcn_conv(x, src, dst, W, b, num_nodes):
    # GCNConv: add-self-loops done by caller; symmetric normalization D^-1/2 A D^-1/2
    h = x @ W
    ones = jnp.ones(src.shape[0], dtype=x.dtype)
    deg = jax.ops.segment_sum(ones, dst, num_segments=num_nodes)
    dinv = jnp.where(deg > 0, deg ** -0.5, 0.0)
    norm = dinv[src] * dinv[dst]
    msg = h[src] * norm[:, None]
    out = jax.ops.segment_sum(msg, dst, num_segments=num_nodes)
    return out + b


def reference(x, edge_index, W1, b1, W2, b2, Wl, bl):
    n = x.shape[0]
    loops = jnp.arange(n, dtype=edge_index.dtype)
    ei = jnp.concatenate([edge_index, jnp.stack([loops, loops])], axis=1)
    src, dst = ei[0], ei[1]
    h = jnp.tanh(_gcn_conv(x, src, dst, W1, b1, n))
    h = jnp.tanh(_gcn_conv(h, src, dst, W2, b2, n))
    out = h @ Wl.T + bl
    return (out, jax.nn.log_softmax(out, axis=1))

if __name__ == "__main__":
    import jax
    _d = setup_inputs()
    print(jax.jit(kernel)(*tuple(_d.values())))

</pallas_src>

<mosaic_0001>
#map = affine_map<(d0, d1) -> (0, 0)>
#map1 = affine_map<(d0, d1) -> (0, 0, 0)>
module attributes {stable_mosaic.version = 14 : i64} {
  func.func @_agg_kernel(%arg0: i32, %arg1: i32, %arg2: memref<10000x128xf32, #tpu.memory_space<hbm>>, %arg3: memref<32x10000xi32, #tpu.memory_space<hbm>>, %arg4: memref<32x10000xi32, #tpu.memory_space<hbm>>, %arg5: memref<2x10000x128xf32, #tpu.memory_space<hbm>>, %arg6: memref<10000xi32, #tpu.memory_space<vmem>>, %arg7: memref<10000xi32, #tpu.memory_space<vmem>>, %arg8: memref<16x128xf32, #tpu.memory_space<vmem>>, %arg9: memref<16x128xf32, #tpu.memory_space<vmem>>, %arg10: memref<16x128xf32, #tpu.memory_space<vmem>>, %arg11: memref<16x128xf32, #tpu.memory_space<vmem>>, %arg12: memref<16x128xf32, #tpu.memory_space<vmem>>, %arg13: memref<16x128xf32, #tpu.memory_space<vmem>>, %arg14: memref<16x128xf32, #tpu.memory_space<vmem>>, %arg15: memref<16x128xf32, #tpu.memory_space<vmem>>, %arg16: memref<16x128xf32, #tpu.memory_space<vmem>>, %arg17: memref<16x128xf32, #tpu.memory_space<vmem>>, %arg18: memref<16x128xf32, #tpu.memory_space<vmem>>, %arg19: memref<!tpu.dma_semaphore, #tpu.memory_space<semaphore_mem>>, %arg20: memref<!tpu.dma_semaphore, #tpu.memory_space<semaphore_mem>>, %arg21: memref<!tpu.dma_semaphore, #tpu.memory_space<semaphore_mem>>, %arg22: memref<!tpu.dma_semaphore, #tpu.memory_space<semaphore_mem>>, %arg23: memref<!tpu.dma_semaphore, #tpu.memory_space<semaphore_mem>>, %arg24: memref<!tpu.dma_semaphore, #tpu.memory_space<semaphore_mem>>, %arg25: memref<!tpu.dma_semaphore, #tpu.memory_space<semaphore_mem>>, %arg26: memref<!tpu.dma_semaphore, #tpu.memory_space<semaphore_mem>>, %arg27: memref<!tpu.dma_semaphore, #tpu.memory_space<semaphore_mem>>, %arg28: memref<!tpu.dma_semaphore, #tpu.memory_space<semaphore_mem>>, %arg29: memref<!tpu.dma_semaphore, #tpu.memory_space<semaphore_mem>>, %arg30: memref<!tpu.dma_semaphore, #tpu.memory_space<semaphore_mem>>, %arg31: memref<!tpu.dma_semaphore, #tpu.memory_space<semaphore_mem>>, %arg32: memref<!tpu.dma_semaphore, #tpu.memory_space<semaphore_mem>>, %arg33: memref<!tpu.dma_semaphore, #tpu.memory_space<semaphore_mem>>, %arg34: memref<!tpu.dma_semaphore, #tpu.memory_space<semaphore_mem>>, %arg35: memref<!tpu.dma_semaphore, #tpu.memory_space<semaphore_mem>>, %arg36: memref<!tpu.dma_semaphore, #tpu.memory_space<semaphore_mem>>, %arg37: memref<!tpu.dma_semaphore, #tpu.memory_space<semaphore_mem>>, %arg38: memref<!tpu.dma_semaphore, #tpu.memory_space<semaphore_mem>>, %arg39: memref<!tpu.dma_semaphore, #tpu.memory_space<semaphore_mem>>, %arg40: memref<!tpu.dma_semaphore, #tpu.memory_space<semaphore_mem>>, %arg41: memref<10000x128xf32, #tpu.memory_space<vmem_shared>>) attributes {dimension_semantics = [#tpu.dimension_semantics<core_parallel>, #tpu.dimension_semantics<subcore_parallel>], iteration_bounds = array<i64: 2, 16>, scalar_prefetch = 0 : i64, scratch_operands = 36 : i64, tpu.core_type = #tpu.core_type<sc_vector_subcore>, window_params = [{transform_indices = #map}, {transform_indices = #map}, {transform_indices = #map}, {transform_indices = #map1}]} {
    %mul3A = arith.constant 16 : i32
    %mul3A_0 = arith.muli %arg0, %mul3A : i32
    %add3A = arith.addi %mul3A_0, %arg1 : i32
    "tpu.region"() ({
      %run_scoped3A = tpu.sem_alloc : memref<!tpu.dma_semaphore, #tpu.memory_space<semaphore_mem>>
      %dma_start3A_212 = arith.constant 0 : i32
      %dma_start3A_213 = tpu.memref_slice %arg3[%add3A, %dma_start3A_212] : memref<32x10000xi32, #tpu.memory_space<hbm>> -> memref<1x10000xi32, #tpu.memory_space<hbm>>
      %dma_start3A_214 = tpu.memref_squeeze %dma_start3A_213 : memref<1x10000xi32, #tpu.memory_space<hbm>> -> memref<10000xi32, #tpu.memory_space<hbm>>
      %dma_start3A_215 = arith.constant 0 : i32
      %dma_start3A_216 = tpu.memref_slice %arg3[%add3A, %dma_start3A_215] : memref<32x10000xi32, #tpu.memory_space<hbm>> -> memref<1x10000xi32, #tpu.memory_space<hbm>>
      %dma_start3A_217 = tpu.memref_squeeze %dma_start3A_216 : memref<1x10000xi32, #tpu.memory_space<hbm>> -> memref<10000xi32, #tpu.memory_space<hbm>>
      tpu.enqueue_dma source(%dma_start3A_217 : memref<10000xi32, #tpu.memory_space<hbm>>) target(%arg6 : memref<10000xi32, #tpu.memory_space<vmem>>) target_semaphore(%run_scoped3A : memref<!tpu.dma_semaphore, #tpu.memory_space<semaphore_mem>>)
      %dma_wait3A_218 = arith.constant 0 : i32
      %dma_wait3A_219 = tpu.memref_slice %arg3[%add3A, %dma_wait3A_218] : memref<32x10000xi32, #tpu.memory_space<hbm>> -> memref<1x10000xi32, #tpu.memory_space<hbm>>
      %dma_wait3A_220 = tpu.memref_squeeze %dma_wait3A_219 : memref<1x10000xi32, #tpu.memory_space<hbm>> -> memref<10000xi32, #tpu.memory_space<hbm>>
      %dma_wait3A_221 = arith.constant 0 : i32
      %dma_wait3A_222 = tpu.memref_slice %arg3[%add3A, %dma_wait3A_221] : memref<32x10000xi32, #tpu.memory_space<hbm>> -> memref<1x10000xi32, #tpu.memory_space<hbm>>
      %dma_wait3A_223 = tpu.memref_squeeze %dma_wait3A_222 : memref<1x10000xi32, #tpu.memory_space<hbm>> -> memref<10000xi32, #tpu.memory_space<hbm>>
      tpu.wait_dma2 semaphore(%run_scoped3A : memref<!tpu.dma_semaphore, #tpu.memory_space<semaphore_mem>>) src(%dma_wait3A_223 : memref<10000xi32, #tpu.memory_space<hbm>>) dst(%arg6 : memref<10000xi32, #tpu.memory_space<vmem>>)
      tpu.yield
    }) : () -> ()
    "tpu.region"() ({
      %run_scoped3A = tpu.sem_alloc : memref<!tpu.dma_semaphore, #tpu.memory_space<semaphore_mem>>
      %dma_start3A_212 = arith.constant 0 : i32
      %dma_start3A_213 = tpu.memref_slice %arg4[%add3A, %dma_start3A_212] : memref<32x10000xi32, #tpu.memory_space<hbm>> -> memref<1x10000xi32, #tpu.memory_space<hbm>>
      %dma_start3A_214 = tpu.memref_squeeze %dma_start3A_213 : memref<1x10000xi32, #tpu.memory_space<hbm>> -> memref<10000xi32, #tpu.memory_space<hbm>>
      %dma_start3A_215 = arith.constant 0 : i32
      %dma_start3A_216 = tpu.memref_slice %arg4[%add3A, %dma_start3A_215] : memref<32x10000xi32, #tpu.memory_space<hbm>> -> memref<1x10000xi32, #tpu.memory_space<hbm>>
      %dma_start3A_217 = tpu.memref_squeeze %dma_start3A_216 : memref<1x10000xi32, #tpu.memory_space<hbm>> -> memref<10000xi32, #tpu.memory_space<hbm>>
      tpu.enqueue_dma source(%dma_start3A_217 : memref<10000xi32, #tpu.memory_space<hbm>>) target(%arg7 : memref<10000xi32, #tpu.memory_space<vmem>>) target_semaphore(%run_scoped3A : memref<!tpu.dma_semaphore, #tpu.memory_space<semaphore_mem>>)
      %dma_wait3A_218 = arith.constant 0 : i32
      %dma_wait3A_219 = tpu.memref_slice %arg4[%add3A, %dma_wait3A_218] : memref<32x10000xi32, #tpu.memory_space<hbm>> -> memref<1x10000xi32, #tpu.memory_space<hbm>>
      %dma_wait3A_220 = tpu.memref_squeeze %dma_wait3A_219 : memref<1x10000xi32, #tpu.memory_space<hbm>> -> memref<10000xi32, #tpu.memory_space<hbm>>
      %dma_wait3A_221 = arith.constant 0 : i32
      %dma_wait3A_222 = tpu.memref_slice %arg4[%add3A, %dma_wait3A_221] : memref<32x10000xi32, #tpu.memory_space<hbm>> -> memref<1x10000xi32, #tpu.memory_space<hbm>>
      %dma_wait3A_223 = tpu.memref_squeeze %dma_wait3A_222 : memref<1x10000xi32, #tpu.memory_space<hbm>> -> memref<10000xi32, #tpu.memory_space<hbm>>
      tpu.wait_dma2 semaphore(%run_scoped3A : memref<!tpu.dma_semaphore, #tpu.memory_space<semaphore_mem>>) src(%dma_wait3A_223 : memref<10000xi32, #tpu.memory_space<hbm>>) dst(%arg7 : memref<10000xi32, #tpu.memory_space<vmem>>)
      tpu.yield
    }) : () -> ()
    %lt3A = arith.constant 15 : i32
    %lt3A_1 = arith.cmpi slt, %arg1, %lt3A : i32
    %convert_element_type3A = arith.extui %lt3A_1 : i1 to i32
    %cond3A = arith.constant 0 : i32
    %cond3A_2 = arith.cmpi ne, %convert_element_type3A, %cond3A : i32
    scf.if %cond3A_2 {
      %mul3A_212 = arith.constant 632 : i32
      %mul3A_213 = arith.muli %arg1, %mul3A_212 : i32
      "tpu.region"() ({
        %run_scoped3A = tpu.sem_alloc : memref<!tpu.dma_semaphore, #tpu.memory_space<semaphore_mem>>
        %dma_start3A_214 = arith.constant 0 : i32
        %dma_start3A_215 = tpu.memref_slice %arg41[%mul3A_213, %dma_start3A_214] : memref<10000x128xf32, #tpu.memory_space<vmem_shared>> -> memref<632x128xf32, #tpu.memory_space<vmem_shared>>
        %dma_start3A_216 = arith.constant 0 : i32
        %dma_start3A_217 = tpu.memref_slice %arg2[%mul3A_213, %dma_start3A_216] : memref<10000x128xf32, #tpu.memory_space<hbm>> -> memref<632x128xf32, #tpu.memory_space<hbm>>
        tpu.enqueue_dma source(%dma_start3A_217 : memref<632x128xf32, #tpu.memory_space<hbm>>) target(%dma_start3A_215 : memref<632x128xf32, #tpu.memory_space<vmem_shared>>) target_semaphore(%run_scoped3A : memref<!tpu.dma_semaphore, #tpu.memory_space<semaphore_mem>>)
        %dma_wait3A_218 = arith.constant 0 : i32
        %dma_wait3A_219 = tpu.memref_slice %arg41[%mul3A_213, %dma_wait3A_218] : memref<10000x128xf32, #tpu.memory_space<vmem_shared>> -> memref<632x128xf32, #tpu.memory_space<vmem_shared>>
        %dma_wait3A_220 = arith.constant 0 : i32
        %dma_wait3A_221 = tpu.memref_slice %arg2[%mul3A_213, %dma_wait3A_220] : memref<10000x128xf32, #tpu.memory_space<hbm>> -> memref<632x128xf32, #tpu.memory_space<hbm>>
        tpu.wait_dma2 semaphore(%run_scoped3A : memref<!tpu.dma_semaphore, #tpu.memory_space<semaphore_mem>>) src(%dma_wait3A_221 : memref<632x128xf32, #tpu.memory_space<hbm>>) dst(%dma_wait3A_219 : memref<632x128xf32, #tpu.memory_space<vmem_shared>>)
        tpu.yield
      }) : () -> ()
    } else {
    }
    %eq3A = arith.constant 15 : i32
    %eq3A_3 = arith.cmpi eq, %arg1, %eq3A : i32
    %convert_element_type3A_4 = arith.extui %eq3A_3 : i1 to i32
    %cond3A_5 = arith.constant 0 : i32
    %cond3A_6 = arith.cmpi ne, %convert_element_type3A_4, %cond3A_5 : i32
    scf.if %cond3A_6 {
      "tpu.region"() ({
        %run_scoped3A = tpu.sem_alloc : memref<!tpu.dma_semaphore, #tpu.memory_space<semaphore_mem>>
        %dma_start3A_212 = arith.constant 9480 : i32
        %dma_start3A_213 = arith.constant 0 : i32
        %dma_start3A_214 = tpu.memref_slice %arg41[%dma_start3A_212, %dma_start3A_213] : memref<10000x128xf32, #tpu.memory_space<vmem_shared>> -> memref<520x128xf32, #tpu.memory_space<vmem_shared>>
        %dma_start3A_215 = arith.constant 9480 : i32
        %dma_start3A_216 = arith.constant 0 : i32
        %dma_start3A_217 = tpu.memref_slice %arg2[%dma_start3A_215, %dma_start3A_216] : memref<10000x128xf32, #tpu.memory_space<hbm>> -> memref<520x128xf32, #tpu.memory_space<hbm>>
        tpu.enqueue_dma source(%dma_start3A_217 : memref<520x128xf32, #tpu.memory_space<hbm>>) target(%dma_start3A_214 : memref<520x128xf32, #tpu.memory_space<vmem_shared>>) target_semaphore(%run_scoped3A : memref<!tpu.dma_semaphore, #tpu.memory_space<semaphore_mem>>)
        %dma_wait3A_218 = arith.constant 9480 : i32
        %dma_wait3A_219 = arith.constant 0 : i32
        %dma_wait3A_220 = tpu.memref_slice %arg41[%dma_wait3A_218, %dma_wait3A_219] : memref<10000x128xf32, #tpu.memory_space<vmem_shared>> -> memref<520x128xf32, #tpu.memory_space<vmem_shared>>
        %dma_wait3A_221 = arith.constant 9480 : i32
        %dma_wait3A_222 = arith.constant 0 : i32
        %dma_wait3A_223 = tpu.memref_slice %arg2[%dma_wait3A_221, %dma_wait3A_222] : memref<10000x128xf32, #tpu.memory_space<hbm>> -> memref<520x128xf32, #tpu.memory_space<hbm>>
        tpu.wait_dma2 semaphore(%run_scoped3A : memref<!tpu.dma_semaphore, #tpu.memory_space<semaphore_mem>>) src(%dma_wait3A_223 : memref<520x128xf32, #tpu.memory_space<hbm>>) dst(%dma_wait3A_220 : memref<520x128xf32, #tpu.memory_space<vmem_shared>>)
        tpu.yield
      }) : () -> ()
    } else {
    }
    %barrier3A = arith.constant 0 : index
    tpu.barrier barrier_id(%barrier3A)
    %dma_start3A = arith.constant 0 : i32
    %dma_start3A_7 = tpu.memref_slice %arg6[%dma_start3A] : memref<10000xi32, #tpu.memory_space<vmem>> -> memref<16xi32, #tpu.memory_space<vmem>>
    %dma_start3A_8 = arith.constant 0 : i32
    %dma_start3A_9 = arith.constant 0 : i32
    %dma_start3A_10 = tpu.memref_slice %arg2[%dma_start3A_8, %dma_start3A_9] : memref<10000x128xf32, #tpu.memory_space<hbm>> -> memref<10000x128xf32, #tpu.memory_space<hbm>>
    tpu.enqueue_indirect_dma source(%dma_start3A_10 : memref<10000x128xf32, #tpu.memory_space<hbm>>) target(%arg8 : memref<16x128xf32, #tpu.memory_space<vmem>>) offsets(%dma_start3A_7 : memref<16xi32, #tpu.memory_space<vmem>>) semaphore(%arg19 : memref<!tpu.dma_semaphore, #tpu.memory_space<semaphore_mem>>)
    %dma_start3A_11 = arith.constant 16 : i32
    %dma_start3A_12 = tpu.memref_slice %arg6[%dma_start3A_11] : memref<10000xi32, #tpu.memory_space<vmem>> -> memref<16xi32, #tpu.memory_space<vmem>>
    %dma_start3A_13 = arith.constant 0 : i32
    %dma_start3A_14 = arith.constant 0 : i32
    %dma_start3A_15 = tpu.memref_slice %arg2[%dma_start3A_13, %dma_start3A_14] : memref<10000x128xf32, #tpu.memory_space<hbm>> -> memref<10000x128xf32, #tpu.memory_space<hbm>>
    tpu.enqueue_indirect_dma source(%dma_start3A_15 : memref<10000x128xf32, #tpu.memory_space<hbm>>) target(%arg9 : memref<16x128xf32, #tpu.memory_space<vmem>>) offsets(%dma_start3A_12 : memref<16xi32, #tpu.memory_space<vmem>>) semaphore(%arg20 : memref<!tpu.dma_semaphore, #tpu.memory_space<semaphore_mem>>)
    %dma_start3A_16 = arith.constant 32 : i32
    %dma_start3A_17 = tpu.memref_slice %arg6[%dma_start3A_16] : memref<10000xi32, #tpu.memory_space<vmem>> -> memref<16xi32, #tpu.memory_space<vmem>>
    %dma_start3A_18 = arith.constant 0 : i32
    %dma_start3A_19 = arith.constant 0 : i32
    %dma_start3A_20 = tpu.memref_slice %arg2[%dma_start3A_18, %dma_start3A_19] : memref<10000x128xf32, #tpu.memory_space<hbm>> -> memref<10000x128xf32, #tpu.memory_space<hbm>>
    tpu.enqueue_indirect_dma source(%dma_start3A_20 : memref<10000x128xf32, #tpu.memory_space<hbm>>) target(%arg10 : memref<16x128xf32, #tpu.memory_space<vmem>>) offsets(%dma_start3A_17 : memref<16xi32, #tpu.memory_space<vmem>>) semaphore(%arg21 : memref<!tpu.dma_semaphore, #tpu.memory_space<semaphore_mem>>)
    %dma_start3A_21 = arith.constant 48 : i32
    %dma_start3A_22 = tpu.memref_slice %arg6[%dma_start3A_21] : memref<10000xi32, #tpu.memory_space<vmem>> -> memref<16xi32, #tpu.memory_space<vmem>>
    %dma_start3A_23 = arith.constant 0 : i32
    %dma_start3A_24 = arith.constant 0 : i32
    %dma_start3A_25 = tpu.memref_slice %arg2[%dma_start3A_23, %dma_start3A_24] : memref<10000x128xf32, #tpu.memory_space<hbm>> -> memref<10000x128xf32, #tpu.memory_space<hbm>>
    tpu.enqueue_indirect_dma source(%dma_start3A_25 : memref<10000x128xf32, #tpu.memory_space<hbm>>) target(%arg11 : memref<16x128xf32, #tpu.memory_space<vmem>>) offsets(%dma_start3A_22 : memref<16xi32, #tpu.memory_space<vmem>>) semaphore(%arg22 : memref<!tpu.dma_semaphore, #tpu.memory_space<semaphore_mem>>)
    %dma_start3A_26 = arith.constant 64 : i32
    %dma_start3A_27 = tpu.memref_slice %arg6[%dma_start3A_26] : memref<10000xi32, #tpu.memory_space<vmem>> -> memref<16xi32, #tpu.memory_space<vmem>>
    %dma_start3A_28 = arith.constant 0 : i32
    %dma_start3A_29 = arith.constant 0 : i32
    %dma_start3A_30 = tpu.memref_slice %arg2[%dma_start3A_28, %dma_start3A_29] : memref<10000x128xf32, #tpu.memory_space<hbm>> -> memref<10000x128xf32, #tpu.memory_space<hbm>>
    tpu.enqueue_indirect_dma source(%dma_start3A_30 : memref<10000x128xf32, #tpu.memory_space<hbm>>) target(%arg12 : memref<16x128xf32, #tpu.memory_space<vmem>>) offsets(%dma_start3A_27 : memref<16xi32, #tpu.memory_space<vmem>>) semaphore(%arg23 : memref<!tpu.dma_semaphore, #tpu.memory_space<semaphore_mem>>)
    %dma_start3A_31 = arith.constant 80 : i32
    %dma_start3A_32 = tpu.memref_slice %arg6[%dma_start3A_31] : memref<10000xi32, #tpu.memory_space<vmem>> -> memref<16xi32, #tpu.memory_space<vmem>>
    %dma_start3A_33 = arith.constant 0 : i32
    %dma_start3A_34 = arith.constant 0 : i32
    %dma_start3A_35 = tpu.memref_slice %arg2[%dma_start3A_33, %dma_start3A_34] : memref<10000x128xf32, #tpu.memory_space<hbm>> -> memref<10000x128xf32, #tpu.memory_space<hbm>>
    tpu.enqueue_indirect_dma source(%dma_start3A_35 : memref<10000x128xf32, #tpu.memory_space<hbm>>) target(%arg13 : memref<16x128xf32, #tpu.memory_space<vmem>>) offsets(%dma_start3A_32 : memref<16xi32, #tpu.memory_space<vmem>>) semaphore(%arg24 : memref<!tpu.dma_semaphore, #tpu.memory_space<semaphore_mem>>)
    %dma_start3A_36 = arith.constant 96 : i32
    %dma_start3A_37 = tpu.memref_slice %arg6[%dma_start3A_36] : memref<10000xi32, #tpu.memory_space<vmem>> -> memref<16xi32, #tpu.memory_space<vmem>>
    %dma_start3A_38 = arith.constant 0 : i32
    %dma_start3A_39 = arith.constant 0 : i32
    %dma_start3A_40 = tpu.memref_slice %arg2[%dma_start3A_38, %dma_start3A_39] : memref<10000x128xf32, #tpu.memory_space<hbm>> -> memref<10000x128xf32, #tpu.memory_space<hbm>>
    tpu.enqueue_indirect_dma source(%dma_start3A_40 : memref<10000x128xf32, #tpu.memory_space<hbm>>) target(%arg14 : memref<16x128xf32, #tpu.memory_space<vmem>>) offsets(%dma_start3A_37 : memref<16xi32, #tpu.memory_space<vmem>>) semaphore(%arg25 : memref<!tpu.dma_semaphore, #tpu.memory_space<semaphore_mem>>)
    %dma_start3A_41 = arith.constant 112 : i32
    %dma_start3A_42 = tpu.memref_slice %arg6[%dma_start3A_41] : memref<10000xi32, #tpu.memory_space<vmem>> -> memref<16xi32, #tpu.memory_space<vmem>>
    %dma_start3A_43 = arith.constant 0 : i32
    %dma_start3A_44 = arith.constant 0 : i32
    %dma_start3A_45 = tpu.memref_slice %arg2[%dma_start3A_43, %dma_start3A_44] : memref<10000x128xf32, #tpu.memory_space<hbm>> -> memref<10000x128xf32, #tpu.memory_space<hbm>>
    tpu.enqueue_indirect_dma source(%dma_start3A_45 : memref<10000x128xf32, #tpu.memory_space<hbm>>) target(%arg15 : memref<16x128xf32, #tpu.memory_space<vmem>>) offsets(%dma_start3A_42 : memref<16xi32, #tpu.memory_space<vmem>>) semaphore(%arg26 : memref<!tpu.dma_semaphore, #tpu.memory_space<semaphore_mem>>)
    %dma_start3A_46 = arith.constant 128 : i32
    %dma_start3A_47 = tpu.memref_slice %arg6[%dma_start3A_46] : memref<10000xi32, #tpu.memory_space<vmem>> -> memref<16xi32, #tpu.memory_space<vmem>>
    %dma_start3A_48 = arith.constant 0 : i32
    %dma_start3A_49 = arith.constant 0 : i32
    %dma_start3A_50 = tpu.memref_slice %arg2[%dma_start3A_48, %dma_start3A_49] : memref<10000x128xf32, #tpu.memory_space<hbm>> -> memref<10000x128xf32, #tpu.memory_space<hbm>>
    tpu.enqueue_indirect_dma source(%dma_start3A_50 : memref<10000x128xf32, #tpu.memory_space<hbm>>) target(%arg16 : memref<16x128xf32, #tpu.memory_space<vmem>>) offsets(%dma_start3A_47 : memref<16xi32, #tpu.memory_space<vmem>>) semaphore(%arg27 : memref<!tpu.dma_semaphore, #tpu.memory_space<semaphore_mem>>)
    %scan3A = arith.constant 0 : i32
    %scan3A_51 = arith.constant 0 : i32
    %scan3A_52 = arith.constant 56 : i32
    %scan3A_53 = arith.addi %scan3A_51, %scan3A_52 : i32
    %scan3A_54 = arith.constant 1 : i32
    %scan3A_55 = scf.for %scan3A_212 = %scan3A_51 to %scan3A_53 step %scan3A_54 iter_args(%scan3A_213 = %scan3A) -> (i32)  : i32 {
      %mul3A_214 = arith.constant 11 : i32
      %mul3A_215 = arith.muli %mul3A_214, %scan3A_212 : i32
      %add3A_216 = arith.constant 0 : i32
      %add3A_217 = arith.addi %mul3A_215, %add3A_216 : i32
      %mul3A_218 = arith.constant 16 : i32
      %mul3A_219 = arith.muli %add3A_217, %mul3A_218 : i32
      %dma_wait3A_220 = tpu.memref_slice %arg6[%mul3A_219] : memref<10000xi32, #tpu.memory_space<vmem>> -> memref<16xi32, #tpu.memory_space<vmem>>
      %dma_wait3A_221 = arith.constant 0 : i32
      %dma_wait3A_222 = arith.constant 0 : i32
      %dma_wait3A_223 = tpu.memref_slice %arg2[%dma_wait3A_221, %dma_wait3A_222] : memref<10000x128xf32, #tpu.memory_space<hbm>> -> memref<10000x128xf32, #tpu.memory_space<hbm>>
      tpu.wait_indirect_dma semaphore(%arg19 : memref<!tpu.dma_semaphore, #tpu.memory_space<semaphore_mem>>) src(%dma_wait3A_223 : memref<10000x128xf32, #tpu.memory_space<hbm>>) dst(%arg8 : memref<16x128xf32, #tpu.memory_space<vmem>>)
      %mul3A_224 = arith.constant 16 : i32
      %mul3A_225 = arith.muli %add3A_217, %mul3A_224 : i32
      %dma_start3A_226 = tpu.memref_slice %arg7[%mul3A_225] : memref<10000xi32, #tpu.memory_space<vmem>> -> memref<16xi32, #tpu.memory_space<vmem>>
      %dma_start3A_227 = arith.constant 0 : i32
      %dma_start3A_228 = arith.constant 0 : i32
      %dma_start3A_229 = tpu.memref_slice %arg41[%dma_start3A_227, %dma_start3A_228] : memref<10000x128xf32, #tpu.memory_space<vmem_shared>> -> memref<10000x128xf32, #tpu.memory_space<vmem_shared>>
      tpu.enqueue_indirect_dma source(%arg8 : memref<16x128xf32, #tpu.memory_space<vmem>>) target(%dma_start3A_229 : memref<10000x128xf32, #tpu.memory_space<vmem_shared>>) offsets(%dma_start3A_226 : memref<16xi32, #tpu.memory_space<vmem>>) semaphore(%arg30 : memref<!tpu.dma_semaphore, #tpu.memory_space<semaphore_mem>>) {add = true}
      %gt3A = arith.constant 0 : i32
      %gt3A_230 = arith.cmpi sgt, %scan3A_212, %gt3A : i32
      %convert_element_type3A_231 = arith.extui %gt3A_230 : i1 to i32
      %cond3A_232 = arith.constant 0 : i32
      %cond3A_233 = arith.cmpi ne, %convert_element_type3A_231, %cond3A_232 : i32
      scf.if %cond3A_233 {
        %add3A_557 = arith.constant 9 : i32
        %add3A_558 = arith.addi %add3A_217, %add3A_557 : i32
        %sub3A_559 = arith.constant 11 : i32
        %sub3A_560 = arith.subi %add3A_558, %sub3A_559 : i32
        %mul3A_561 = arith.constant 16 : i32
        %mul3A_562 = arith.muli %sub3A_560, %mul3A_561 : i32
        %dma_wait3A_563 = tpu.memref_slice %arg7[%mul3A_562] : memref<10000xi32, #tpu.memory_space<vmem>> -> memref<16xi32, #tpu.memory_space<vmem>>
        %dma_wait3A_564 = arith.constant 0 : i32
        %dma_wait3A_565 = arith.constant 0 : i32
        %dma_wait3A_566 = tpu.memref_slice %arg41[%dma_wait3A_564, %dma_wait3A_565] : memref<10000x128xf32, #tpu.memory_space<vmem_shared>> -> memref<10000x128xf32, #tpu.memory_space<vmem_shared>>
        tpu.wait_indirect_dma semaphore(%arg39 : memref<!tpu.dma_semaphore, #tpu.memory_space<semaphore_mem>>) src(%arg17 : memref<16x128xf32, #tpu.memory_space<vmem>>) dst(%dma_wait3A_566 : memref<10000x128xf32, #tpu.memory_space<vmem_shared>>)
      } else {
      }
      %add3A_234 = arith.constant 9 : i32
      %add3A_235 = arith.addi %add3A_217, %add3A_234 : i32
      %mul3A_236 = arith.constant 16 : i32
      %mul3A_237 = arith.muli %add3A_235, %mul3A_236 : i32
      %dma_start3A_238 = tpu.memref_slice %arg6[%mul3A_237] : memref<10000xi32, #tpu.memory_space<vmem>> -> memref<16xi32, #tpu.memory_space<vmem>>
      %dma_start3A_239 = arith.constant 0 : i32
      %dma_start3A_240 = arith.constant 0 : i32
      %dma_start3A_241 = tpu.memref_slice %arg2[%dma_start3A_239, %dma_start3A_240] : memref<10000x128xf32, #tpu.memory_space<hbm>> -> memref<10000x128xf32, #tpu.memory_space<hbm>>
      tpu.enqueue_indirect_dma source(%dma_start3A_241 : memref<10000x128xf32, #tpu.memory_space<hbm>>) target(%arg17 : memref<16x128xf32, #tpu.memory_space<vmem>>) offsets(%dma_start3A_238 : memref<16xi32, #tpu.memory_space<vmem>>) semaphore(%arg28 : memref<!tpu.dma_semaphore, #tpu.memory_space<semaphore_mem>>)
      %add3A_242 = arith.constant 1 : i32
      %add3A_243 = arith.addi %mul3A_215, %add3A_242 : i32
      %mul3A_244 = arith.constant 16 : i32
      %mul3A_245 = arith.muli %add3A_243, %mul3A_244 : i32
      %dma_wait3A_246 = tpu.memref_slice %arg6[%mul3A_245] : memref<10000xi32, #tpu.memory_space<vmem>> -> memref<16xi32, #tpu.memory_space<vmem>>
      %dma_wait3A_247 = arith.constant 0 : i32
      %dma_wait3A_248 = arith.constant 0 : i32
      %dma_wait3A_249 = tpu.memref_slice %arg2[%dma_wait3A_247, %dma_wait3A_248] : memref<10000x128xf32, #tpu.memory_space<hbm>> -> memref<10000x128xf32, #tpu.memory_space<hbm>>
      tpu.wait_indirect_dma semaphore(%arg20 : memref<!tpu.dma_semaphore, #tpu.memory_space<semaphore_mem>>) src(%dma_wait3A_249 : memref<10000x128xf32, #tpu.memory_space<hbm>>) dst(%arg9 : memref<16x128xf32, #tpu.memory_space<vmem>>)
      %mul3A_250 = arith.constant 16 : i32
      %mul3A_251 = arith.muli %add3A_243, %mul3A_250 : i32
      %dma_start3A_252 = tpu.memref_slice %arg7[%mul3A_251] : memref<10000xi32, #tpu.memory_space<vmem>> -> memref<16xi32, #tpu.memory_space<vmem>>
      %dma_start3A_253 = arith.constant 0 : i32
      %dma_start3A_254 = arith.constant 0 : i32
      %dma_start3A_255 = tpu.memref_slice %arg41[%dma_start3A_253, %dma_start3A_254] : memref<10000x128xf32, #tpu.memory_space<vmem_shared>> -> memref<10000x128xf32, #tpu.memory_space<vmem_shared>>
      tpu.enqueue_indirect_dma source(%arg9 : memref<16x128xf32, #tpu.memory_space<vmem>>) target(%dma_start3A_255 : memref<10000x128xf32, #tpu.memory_space<vmem_shared>>) offsets(%dma_start3A_252 : memref<16xi32, #tpu.memory_space<vmem>>) semaphore(%arg31 : memref<!tpu.dma_semaphore, #tpu.memory_space<semaphore_mem>>) {add = true}
      %gt3A_256 = arith.constant 0 : i32
      %gt3A_257 = arith.cmpi sgt, %scan3A_212, %gt3A_256 : i32
      %convert_element_type3A_258 = arith.extui %gt3A_257 : i1 to i32
      %cond3A_259 = arith.constant 0 : i32
      %cond3A_260 = arith.cmpi ne, %convert_element_type3A_258, %cond3A_259 : i32
      scf.if %cond3A_260 {
        %add3A_557 = arith.constant 9 : i32
        %add3A_558 = arith.addi %add3A_243, %add3A_557 : i32
        %sub3A_559 = arith.constant 11 : i32
        %sub3A_560 = arith.subi %add3A_558, %sub3A_559 : i32
        %mul3A_561 = arith.constant 16 : i32
        %mul3A_562 = arith.muli %sub3A_560, %mul3A_561 : i32
        %dma_wait3A_563 = tpu.memref_slice %arg7[%mul3A_562] : memref<10000xi32, #tpu.memory_space<vmem>> -> memref<16xi32, #tpu.memory_space<vmem>>
        %dma_wait3A_564 = arith.constant 0 : i32
        %dma_wait3A_565 = arith.constant 0 : i32
        %dma_wait3A_566 = tpu.memref_slice %arg41[%dma_wait3A_564, %dma_wait3A_565] : memref<10000x128xf32, #tpu.memory_space<vmem_shared>> -> memref<10000x128xf32, #tpu.memory_space<vmem_shared>>
        tpu.wait_indirect_dma semaphore(%arg40 : memref<!tpu.dma_semaphore, #tpu.memory_space<semaphore_mem>>) src(%arg18 : memref<16x128xf32, #tpu.memory_space<vmem>>) dst(%dma_wait3A_566 : memref<10000x128xf32, #tpu.memory_space<vmem_shared>>)
      } else {
      }
      %add3A_261 = arith.constant 9 : i32
      %add3A_262 = arith.addi %add3A_243, %add3A_261 : i32
      %mul3A_263 = arith.constant 16 : i32
      %mul3A_264 = arith.muli %add3A_262, %mul3A_263 : i32
      %dma_start3A_265 = tpu.memref_slice %arg6[%mul3A_264] : memref<10000xi32, #tpu.memory_space<vmem>> -> memref<16xi32, #tpu.memory_space<vmem>>
      %dma_start3A_266 = arith.constant 0 : i32
      %dma_start3A_267 = arith.constant 0 : i32
      %dma_start3A_268 = tpu.memref_slice %arg2[%dma_start3A_266, %dma_start3A_267] : memref<10000x128xf32, #tpu.memory_space<hbm>> -> memref<10000x128xf32, #tpu.memory_space<hbm>>
      tpu.enqueue_indirect_dma source(%dma_start3A_268 : memref<10000x128xf32, #tpu.memory_space<hbm>>) target(%arg18 : memref<16x128xf32, #tpu.memory_space<vmem>>) offsets(%dma_start3A_265 : memref<16xi32, #tpu.memory_space<vmem>>) semaphore(%arg29 : memref<!tpu.dma_semaphore, #tpu.memory_space<semaphore_mem>>)
      %add3A_269 = arith.constant 2 : i32
      %add3A_270 = arith.addi %mul3A_215, %add3A_269 : i32
      %mul3A_271 = arith.constant 16 : i32
      %mul3A_272 = arith.muli %add3A_270, %mul3A_271 : i32
      %dma_wait3A_273 = tpu.memref_slice %arg6[%mul3A_272] : memref<10000xi32, #tpu.memory_space<vmem>> -> memref<16xi32, #tpu.memory_space<vmem>>
      %dma_wait3A_274 = arith.constant 0 : i32
      %dma_wait3A_275 = arith.constant 0 : i32
      %dma_wait3A_276 = tpu.memref_slice %arg2[%dma_wait3A_274, %dma_wait3A_275] : memref<10000x128xf32, #tpu.memory_space<hbm>> -> memref<10000x128xf32, #tpu.memory_space<hbm>>
      tpu.wait_indirect_dma semaphore(%arg21 : memref<!tpu.dma_semaphore, #tpu.memory_space<semaphore_mem>>) src(%dma_wait3A_276 : memref<10000x128xf32, #tpu.memory_space<hbm>>) dst(%arg10 : memref<16x128xf32, #tpu.memory_space<vmem>>)
      %mul3A_277 = arith.constant 16 : i32
      %mul3A_278 = arith.muli %add3A_270, %mul3A_277 : i32
      %dma_start3A_279 = tpu.memref_slice %arg7[%mul3A_278] : memref<10000xi32, #tpu.memory_space<vmem>> -> memref<16xi32, #tpu.memory_space<vmem>>
      %dma_start3A_280 = arith.constant 0 : i32
      %dma_start3A_281 = arith.constant 0 : i32
      %dma_start3A_282 = tpu.memref_slice %arg41[%dma_start3A_280, %dma_start3A_281] : memref<10000x128xf32, #tpu.memory_space<vmem_shared>> -> memref<10000x128xf32, #tpu.memory_space<vmem_shared>>
      tpu.enqueue_indirect_dma source(%arg10 : memref<16x128xf32, #tpu.memory_space<vmem>>) target(%dma_start3A_282 : memref<10000x128xf32, #tpu.memory_space<vmem_shared>>) offsets(%dma_start3A_279 : memref<16xi32, #tpu.memory_space<vmem>>) semaphore(%arg32 : memref<!tpu.dma_semaphore, #tpu.memory_space<semaphore_mem>>) {add = true}
      %add3A_283 = arith.constant 9 : i32
      %add3A_284 = arith.addi %add3A_270, %add3A_283 : i32
      %sub3A = arith.constant 11 : i32
      %sub3A_285 = arith.subi %add3A_284, %sub3A : i32
      %mul3A_286 = arith.constant 16 : i32
      %mul3A_287 = arith.muli %sub3A_285, %mul3A_286 : i32
      %dma_wait3A_288 = tpu.memref_slice %arg7[%mul3A_287] : memref<10000xi32, #tpu.memory_space<vmem>> -> memref<16xi32, #tpu.memory_space<vmem>>
      %dma_wait3A_289 = arith.constant 0 : i32
      %dma_wait3A_290 = arith.constant 0 : i32
      %dma_wait3A_291 = tpu.memref_slice %arg41[%dma_wait3A_289, %dma_wait3A_290] : memref<10000x128xf32, #tpu.memory_space<vmem_shared>> -> memref<10000x128xf32, #tpu.memory_space<vmem_shared>>
      tpu.wait_indirect_dma semaphore(%arg30 : memref<!tpu.dma_semaphore, #tpu.memory_space<semaphore_mem>>) src(%arg8 : memref<16x128xf32, #tpu.memory_space<vmem>>) dst(%dma_wait3A_291 : memref<10000x128xf32, #tpu.memory_space<vmem_shared>>)
      %add3A_292 = arith.constant 9 : i32
      %add3A_293 = arith.addi %add3A_270, %add3A_292 : i32
      %mul3A_294 = arith.constant 16 : i32
      %mul3A_295 = arith.muli %add3A_293, %mul3A_294 : i32
      %dma_start3A_296 = tpu.memref_slice %arg6[%mul3A_295] : memref<10000xi32, #tpu.memory_space<vmem>> -> memref<16xi32, #tpu.memory_space<vmem>>
      %dma_start3A_297 = arith.constant 0 : i32
      %dma_start3A_298 = arith.constant 0 : i32
      %dma_start3A_299 = tpu.memref_slice %arg2[%dma_start3A_297, %dma_start3A_298] : memref<10000x128xf32, #tpu.memory_space<hbm>> -> memref<10000x128xf32, #tpu.memory_space<hbm>>
      tpu.enqueue_indirect_dma source(%dma_start3A_299 : memref<10000x128xf32, #tpu.memory_space<hbm>>) target(%arg8 : memref<16x128xf32, #tpu.memory_space<vmem>>) offsets(%dma_start3A_296 : memref<16xi32, #tpu.memory_space<vmem>>) semaphore(%arg19 : memref<!tpu.dma_semaphore, #tpu.memory_space<semaphore_mem>>)
      %add3A_300 = arith.constant 3 : i32
      %add3A_301 = arith.addi %mul3A_215, %add3A_300 : i32
      %mul3A_302 = arith.constant 16 : i32
      %mul3A_303 = arith.muli %add3A_301, %mul3A_302 : i32
      %dma_wait3A_304 = tpu.memref_slice %arg6[%mul3A_303] : memref<10000xi32, #tpu.memory_space<vmem>> -> memref<16xi32, #tpu.memory_space<vmem>>
      %dma_wait3A_305 = arith.constant 0 : i32
      %dma_wait3A_306 = arith.constant 0 : i32
      %dma_wait3A_307 = tpu.memref_slice %arg2[%dma_wait3A_305, %dma_wait3A_306] : memref<10000x128xf32, #tpu.memory_space<hbm>> -> memref<10000x128xf32, #tpu.memory_space<hbm>>
      tpu.wait_indirect_dma semaphore(%arg22 : memref<!tpu.dma_semaphore, #tpu.memory_space<semaphore_mem>>) src(%dma_wait3A_307 : memref<10000x128xf32, #tpu.memory_space<hbm>>) dst(%arg11 : memref<16x128xf32, #tpu.memory_space<vmem>>)
      %mul3A_308 = arith.constant 16 : i32
      %mul3A_309 = arith.muli %add3A_301, %mul3A_308 : i32
      %dma_start3A_310 = tpu.memref_slice %arg7[%mul3A_309] : memref<10000xi32, #tpu.memory_space<vmem>> -> memref<16xi32, #tpu.memory_space<vmem>>
      %dma_start3A_311 = arith.constant 0 : i32
      %dma_start3A_312 = arith.constant 0 : i32
      %dma_start3A_313 = tpu.memref_slice %arg41[%dma_start3A_311, %dma_start3A_312] : memref<10000x128xf32, #tpu.memory_space<vmem_shared>> -> memref<10000x128xf32, #tpu.memory_space<vmem_shared>>
      tpu.enqueue_indirect_dma source(%arg11 : memref<16x128xf32, #tpu.memory_space<vmem>>) target(%dma_start3A_313 : memref<10000x128xf32, #tpu.memory_space<vmem_shared>>) offsets(%dma_start3A_310 : memref<16xi32, #tpu.memory_space<vmem>>) semaphore(%arg33 : memref<!tpu.dma_semaphore, #tpu.memory_space<semaphore_mem>>) {add = true}
      %add3A_314 = arith.constant 9 : i32
      %add3A_315 = arith.addi %add3A_301, %add3A_314 : i32
      %sub3A_316 = arith.constant 11 : i32
      %sub3A_317 = arith.subi %add3A_315, %sub3A_316 : i32
      %mul3A_318 = arith.constant 16 : i32
      %mul3A_319 = arith.muli %sub3A_317, %mul3A_318 : i32
      %dma_wait3A_320 = tpu.memref_slice %arg7[%mul3A_319] : memref<10000xi32, #tpu.memory_space<vmem>> -> memref<16xi32, #tpu.memory_space<vmem>>
      %dma_wait3A_321 = arith.constant 0 : i32
      %dma_wait3A_322 = arith.constant 0 : i32
      %dma_wait3A_323 = tpu.memref_slice %arg41[%dma_wait3A_321, %dma_wait3A_322] : memref<10000x128xf32, #tpu.memory_space<vmem_shared>> -> memref<10000x128xf32, #tpu.memory_space<vmem_shared>>
      tpu.wait_indirect_dma semaphore(%arg31 : memref<!tpu.dma_semaphore, #tpu.memory_space<semaphore_mem>>) src(%arg9 : memref<16x128xf32, #tpu.memory_space<vmem>>) dst(%dma_wait3A_323 : memref<10000x128xf32, #tpu.memory_space<vmem_shared>>)
      %add3A_324 = arith.constant 9 : i32
      %add3A_325 = arith.addi %add3A_301, %add3A_324 : i32
      %mul3A_326 = arith.constant 16 : i32
      %mul3A_327 = arith.muli %add3A_325, %mul3A_326 : i32
      %dma_start3A_328 = tpu.memref_slice %arg6[%mul3A_327] : memref<10000xi32, #tpu.memory_space<vmem>> -> memref<16xi32, #tpu.memory_space<vmem>>
      %dma_start3A_329 = arith.constant 0 : i32
      %dma_start3A_330 = arith.constant 0 : i32
      %dma_start3A_331 = tpu.memref_slice %arg2[%dma_start3A_329, %dma_start3A_330] : memref<10000x128xf32, #tpu.memory_space<hbm>> -> memref<10000x128xf32, #tpu.memory_space<hbm>>
      tpu.enqueue_indirect_dma source(%dma_start3A_331 : memref<10000x128xf32, #tpu.memory_space<hbm>>) target(%arg9 : memref<16x128xf32, #tpu.memory_space<vmem>>) offsets(%dma_start3A_328 : memref<16xi32, #tpu.memory_space<vmem>>) semaphore(%arg20 : memref<!tpu.dma_semaphore, #tpu.memory_space<semaphore_mem>>)
      %add3A_332 = arith.constant 4 : i32
      %add3A_333 = arith.addi %mul3A_215, %add3A_332 : i32
      %mul3A_334 = arith.constant 16 : i32
      %mul3A_335 = arith.muli %add3A_333, %mul3A_334 : i32
      %dma_wait3A_336 = tpu.memref_slice %arg6[%mul3A_335] : memref<10000xi32, #tpu.memory_space<vmem>> -> memref<16xi32, #tpu.memory_space<vmem>>
      %dma_wait3A_337 = arith.constant 0 : i32
      %dma_wait3A_338 = arith.constant 0 : i32
      %dma_wait3A_339 = tpu.memref_slice %arg2[%dma_wait3A_337, %dma_wait3A_338] : memref<10000x128xf32, #tpu.memory_space<hbm>> -> memref<10000x128xf32, #tpu.memory_space<hbm>>
      tpu.wait_indirect_dma semaphore(%arg23 : memref<!tpu.dma_semaphore, #tpu.memory_space<semaphore_mem>>) src(%dma_wait3A_339 : memref<10000x128xf32, #tpu.memory_space<hbm>>) dst(%arg12 : memref<16x128xf32, #tpu.memory_space<vmem>>)
      %mul3A_340 = arith.constant 16 : i32
      %mul3A_341 = arith.muli %add3A_333, %mul3A_340 : i32
      %dma_start3A_342 = tpu.memref_slice %arg7[%mul3A_341] : memref<10000xi32, #tpu.memory_space<vmem>> -> memref<16xi32, #tpu.memory_space<vmem>>
      %dma_start3A_343 = arith.constant 0 : i32
      %dma_start3A_344 = arith.constant 0 : i32
      %dma_start3A_345 = tpu.memref_slice %arg41[%dma_start3A_343, %dma_start3A_344] : memref<10000x128xf32, #tpu.memory_space<vmem_shared>> -> memref<10000x128xf32, #tpu.memory_space<vmem_shared>>
      tpu.enqueue_indirect_dma source(%arg12 : memref<16x128xf32, #tpu.memory_space<vmem>>) target(%dma_start3A_345 : memref<10000x128xf32, #tpu.memory_space<vmem_shared>>) offsets(%dma_start3A_342 : memref<16xi32, #tpu.memory_space<vmem>>) semaphore(%arg34 : memref<!tpu.dma_semaphore, #tpu.memory_space<semaphore_mem>>) {add = true}
      %add3A_346 = arith.constant 9 : i32
      %add3A_347 = arith.addi %add3A_333, %add3A_346 : i32
      %sub3A_348 = arith.constant 11 : i32
      %sub3A_349 = arith.subi %add3A_347, %sub3A_348 : i32
      %mul3A_350 = arith.constant 16 : i32
      %mul3A_351 = arith.muli %sub3A_349, %mul3A_350 : i32
      %dma_wait3A_352 = tpu.memref_slice %arg7[%mul3A_351] : memref<10000xi32, #tpu.memory_space<vmem>> -> memref<16xi32, #tpu.memory_space<vmem>>
      %dma_wait3A_353 = arith.constant 0 : i32
      %dma_wait3A_354 = arith.constant 0 : i32
      %dma_wait3A_355 = tpu.memref_slice %arg41[%dma_wait3A_353, %dma_wait3A_354] : memref<10000x128xf32, #tpu.memory_space<vmem_shared>> -> memref<10000x128xf32, #tpu.memory_space<vmem_shared>>
      tpu.wait_indirect_dma semaphore(%arg32 : memref<!tpu.dma_semaphore, #tpu.memory_space<semaphore_mem>>) src(%arg10 : memref<16x128xf32, #tpu.memory_space<vmem>>) dst(%dma_wait3A_355 : memref<10000x128xf32, #tpu.memory_space<vmem_shared>>)
      %add3A_356 = arith.constant 9 : i32
      %add3A_357 = arith.addi %add3A_333, %add3A_356 : i32
      %mul3A_358 = arith.constant 16 : i32
      %mul3A_359 = arith.muli %add3A_357, %mul3A_358 : i32
      %dma_start3A_360 = tpu.memref_slice %arg6[%mul3A_359] : memref<10000xi32, #tpu.memory_space<vmem>> -> memref<16xi32, #tpu.memory_space<vmem>>
      %dma_start3A_361 = arith.constant 0 : i32
      %dma_start3A_362 = arith.constant 0 : i32
      %dma_start3A_363 = tpu.memref_slice %arg2[%dma_start3A_361, %dma_start3A_362] : memref<10000x128xf32, #tpu.memory_space<hbm>> -> memref<10000x128xf32, #tpu.memory_space<hbm>>
      tpu.enqueue_indirect_dma source(%dma_start3A_363 : memref<10000x128xf32, #tpu.memory_space<hbm>>) target(%arg10 : memref<16x128xf32, #tpu.memory_space<vmem>>) offsets(%dma_start3A_360 : memref<16xi32, #tpu.memory_space<vmem>>) semaphore(%arg21 : memref<!tpu.dma_semaphore, #tpu.memory_space<semaphore_mem>>)
      %add3A_364 = arith.constant 5 : i32
      %add3A_365 = arith.addi %mul3A_215, %add3A_364 : i32
      %mul3A_366 = arith.constant 16 : i32
      %mul3A_367 = arith.muli %add3A_365, %mul3A_366 : i32
      %dma_wait3A_368 = tpu.memref_slice %arg6[%mul3A_367] : memref<10000xi32, #tpu.memory_space<vmem>> -> memref<16xi32, #tpu.memory_space<vmem>>
      %dma_wait3A_369 = arith.constant 0 : i32
      %dma_wait3A_370 = arith.constant 0 : i32
      %dma_wait3A_371 = tpu.memref_slice %arg2[%dma_wait3A_369, %dma_wait3A_370] : memref<10000x128xf32, #tpu.memory_space<hbm>> -> memref<10000x128xf32, #tpu.memory_space<hbm>>
      tpu.wait_indirect_dma semaphore(%arg24 : memref<!tpu.dma_semaphore, #tpu.memory_space<semaphore_mem>>) src(%dma_wait3A_371 : memref<10000x128xf32, #tpu.memory_space<hbm>>) dst(%arg13 : memref<16x128xf32, #tpu.memory_space<vmem>>)
      %mul3A_372 = arith.constant 16 : i32
      %mul3A_373 = arith.muli %add3A_365, %mul3A_372 : i32
      %dma_start3A_374 = tpu.memref_slice %arg7[%mul3A_373] : memref<10000xi32, #tpu.memory_space<vmem>> -> memref<16xi32, #tpu.memory_space<vmem>>
      %dma_start3A_375 = arith.constant 0 : i32
      %dma_start3A_376 = arith.constant 0 : i32
      %dma_start3A_377 = tpu.memref_slice %arg41[%dma_start3A_375, %dma_start3A_376] : memref<10000x128xf32, #tpu.memory_space<vmem_shared>> -> memref<10000x128xf32, #tpu.memory_space<vmem_shared>>
      tpu.enqueue_indirect_dma source(%arg13 : memref<16x128xf32, #tpu.memory_space<vmem>>) target(%dma_start3A_377 : memref<10000x128xf32, #tpu.memory_space<vmem_shared>>) offsets(%dma_start3A_374 : memref<16xi32, #tpu.memory_space<vmem>>) semaphore(%arg35 : memref<!tpu.dma_semaphore, #tpu.memory_space<semaphore_mem>>) {add = true}
      %add3A_378 = arith.constant 9 : i32
      %add3A_379 = arith.addi %add3A_365, %add3A_378 : i32
      %sub3A_380 = arith.constant 11 : i32
      %sub3A_381 = arith.subi %add3A_379, %sub3A_380 : i32
      %mul3A_382 = arith.constant 16 : i32
      %mul3A_383 = arith.muli %sub3A_381, %mul3A_382 : i32
      %dma_wait3A_384 = tpu.memref_slice %arg7[%mul3A_383] : memref<10000xi32, #tpu.memory_space<vmem>> -> memref<16xi32, #tpu.memory_space<vmem>>
      %dma_wait3A_385 = arith.constant 0 : i32
      %dma_wait3A_386 = arith.constant 0 : i32
      %dma_wait3A_387 = tpu.memref_slice %arg41[%dma_wait3A_385, %dma_wait3A_386] : memref<10000x128xf32, #tpu.memory_space<vmem_shared>> -> memref<10000x128xf32, #tpu.memory_space<vmem_shared>>
      tpu.wait_indirect_dma semaphore(%arg33 : memref<!tpu.dma_semaphore, #tpu.memory_space<semaphore_mem>>) src(%arg11 : memref<16x128xf32, #tpu.memory_space<vmem>>) dst(%dma_wait3A_387 : memref<10000x128xf32, #tpu.memory_space<vmem_shared>>)
      %add3A_388 = arith.constant 9 : i32
      %add3A_389 = arith.addi %add3A_365, %add3A_388 : i32
      %mul3A_390 = arith.constant 16 : i32
      %mul3A_391 = arith.muli %add3A_389, %mul3A_390 : i32
      %dma_start3A_392 = tpu.memref_slice %arg6[%mul3A_391] : memref<10000xi32, #tpu.memory_space<vmem>> -> memref<16xi32, #tpu.memory_space<vmem>>
      %dma_start3A_393 = arith.constant 0 : i32
      %dma_start3A_394 = arith.constant 0 : i32
      %dma_start3A_395 = tpu.memref_slice %arg2[%dma_start3A_393, %dma_start3A_394] : memref<10000x128xf32, #tpu.memory_space<hbm>> -> memref<10000x128xf32, #tpu.memory_space<hbm>>
      tpu.enqueue_indirect_dma source(%dma_start3A_395 : memref<10000x128xf32, #tpu.memory_space<hbm>>) target(%arg11 : memref<16x128xf32, #tpu.memory_space<vmem>>) offsets(%dma_start3A_392 : memref<16xi32, #tpu.memory_space<vmem>>) semaphore(%arg22 : memref<!tpu.dma_semaphore, #tpu.memory_space<semaphore_mem>>)
      %add3A_396 = arith.constant 6 : i32
      %add3A_397 = arith.addi %mul3A_215, %add3A_396 : i32
      %mul3A_398 = arith.constant 16 : i32
      %mul3A_399 = arith.muli %add3A_397, %mul3A_398 : i32
      %dma_wait3A_400 = tpu.memref_slice %arg6[%mul3A_399] : memref<10000xi32, #tpu.memory_space<vmem>> -> memref<16xi32, #tpu.memory_space<vmem>>
      %dma_wait3A_401 = arith.constant 0 : i32
      %dma_wait3A_402 = arith.constant 0 : i32
      %dma_wait3A_403 = tpu.memref_slice %arg2[%dma_wait3A_401, %dma_wait3A_402] : memref<10000x128xf32, #tpu.memory_space<hbm>> -> memref<10000x128xf32, #tpu.memory_space<hbm>>
      tpu.wait_indirect_dma semaphore(%arg25 : memref<!tpu.dma_semaphore, #tpu.memory_space<semaphore_mem>>) src(%dma_wait3A_403 : memref<10000x128xf32, #tpu.memory_space<hbm>>) dst(%arg14 : memref<16x128xf32, #tpu.memory_space<vmem>>)
      %mul3A_404 = arith.constant 16 : i32
      %mul3A_405 = arith.muli %add3A_397, %mul3A_404 : i32
      %dma_start3A_406 = tpu.memref_slice %arg7[%mul3A_405] : memref<10000xi32, #tpu.memory_space<vmem>> -> memref<16xi32, #tpu.memory_space<vmem>>
      %dma_start3A_407 = arith.constant 0 : i32
      %dma_start3A_408 = arith.constant 0 : i32
      %dma_start3A_409 = tpu.memref_slice %arg41[%dma_start3A_407, %dma_start3A_408] : memref<10000x128xf32, #tpu.memory_space<vmem_shared>> -> memref<10000x128xf32, #tpu.memory_space<vmem_shared>>
      tpu.enqueue_indirect_dma source(%arg14 : memref<16x128xf32, #tpu.memory_space<vmem>>) target(%dma_start3A_409 : memref<10000x128xf32, #tpu.memory_space<vmem_shared>>) offsets(%dma_start3A_406 : memref<16xi32, #tpu.memory_space<vmem>>) semaphore(%arg36 : memref<!tpu.dma_semaphore, #tpu.memory_space<semaphore_mem>>) {add = true}
      %add3A_410 = arith.constant 9 : i32
      %add3A_411 = arith.addi %add3A_397, %add3A_410 : i32
      %sub3A_412 = arith.constant 11 : i32
      %sub3A_413 = arith.subi %add3A_411, %sub3A_412 : i32
      %mul3A_414 = arith.constant 16 : i32
      %mul3A_415 = arith.muli %sub3A_413, %mul3A_414 : i32
      %dma_wait3A_416 = tpu.memref_slice %arg7[%mul3A_415] : memref<10000xi32, #tpu.memory_space<vmem>> -> memref<16xi32, #tpu.memory_space<vmem>>
      %dma_wait3A_417 = arith.constant 0 : i32
      %dma_wait3A_418 = arith.constant 0 : i32
      %dma_wait3A_419 = tpu.memref_slice %arg41[%dma_wait3A_417, %dma_wait3A_418] : memref<10000x128xf32, #tpu.memory_space<vmem_shared>> -> memref<10000x128xf32, #tpu.memory_space<vmem_shared>>
      tpu.wait_indirect_dma semaphore(%arg34 : memref<!tpu.dma_semaphore, #tpu.memory_space<semaphore_mem>>) src(%arg12 : memref<16x128xf32, #tpu.memory_space<vmem>>) dst(%dma_wait3A_419 : memref<10000x128xf32, #tpu.memory_space<vmem_shared>>)
      %add3A_420 = arith.constant 9 : i32
      %add3A_421 = arith.addi %add3A_397, %add3A_420 : i32
      %mul3A_422 = arith.constant 16 : i32
      %mul3A_423 = arith.muli %add3A_421, %mul3A_422 : i32
      %dma_start3A_424 = tpu.memref_slice %arg6[%mul3A_423] : memref<10000xi32, #tpu.memory_space<vmem>> -> memref<16xi32, #tpu.memory_space<vmem>>
      %dma_start3A_425 = arith.constant 0 : i32
      %dma_start3A_426 = arith.constant 0 : i32
      %dma_start3A_427 = tpu.memref_slice %arg2[%dma_start3A_425, %dma_start3A_426] : memref<10000x128xf32, #tpu.memory_space<hbm>> -> memref<10000x128xf32, #tpu.memory_space<hbm>>
      tpu.enqueue_indirect_dma source(%dma_start3A_427 : memref<10000x128xf32, #tpu.memory_space<hbm>>) target(%arg12 : memref<16x128xf32, #tpu.memory_space<vmem>>) offsets(%dma_start3A_424 : memref<16xi32, #tpu.memory_space<vmem>>) semaphore(%arg23 : memref<!tpu.dma_semaphore, #tpu.memory_space<semaphore_mem>>)
      %add3A_428 = arith.constant 7 : i32
      %add3A_429 = arith.addi %mul3A_215, %add3A_428 : i32
      %mul3A_430 = arith.constant 16 : i32
      %mul3A_431 = arith.muli %add3A_429, %mul3A_430 : i32
      %dma_wait3A_432 = tpu.memref_slice %arg6[%mul3A_431] : memref<10000xi32, #tpu.memory_space<vmem>> -> memref<16xi32, #tpu.memory_space<vmem>>
      %dma_wait3A_433 = arith.constant 0 : i32
      %dma_wait3A_434 = arith.constant 0 : i32
      %dma_wait3A_435 = tpu.memref_slice %arg2[%dma_wait3A_433, %dma_wait3A_434] : memref<10000x128xf32, #tpu.memory_space<hbm>> -> memref<10000x128xf32, #tpu.memory_space<hbm>>
      tpu.wait_indirect_dma semaphore(%arg26 : memref<!tpu.dma_semaphore, #tpu.memory_space<semaphore_mem>>) src(%dma_wait3A_435 : memref<10000x128xf32, #tpu.memory_space<hbm>>) dst(%arg15 : memref<16x128xf32, #tpu.memory_space<vmem>>)
      %mul3A_436 = arith.constant 16 : i32
      %mul3A_437 = arith.muli %add3A_429, %mul3A_436 : i32
      %dma_start3A_438 = tpu.memref_slice %arg7[%mul3A_437] : memref<10000xi32, #tpu.memory_space<vmem>> -> memref<16xi32, #tpu.memory_space<vmem>>
      %dma_start3A_439 = arith.constant 0 : i32
      %dma_start3A_440 = arith.constant 0 : i32
      %dma_start3A_441 = tpu.memref_slice %arg41[%dma_start3A_439, %dma_start3A_440] : memref<10000x128xf32, #tpu.memory_space<vmem_shared>> -> memref<10000x128xf32, #tpu.memory_space<vmem_shared>>
      tpu.enqueue_indirect_dma source(%arg15 : memref<16x128xf32, #tpu.memory_space<vmem>>) target(%dma_start3A_441 : memref<10000x128xf32, #tpu.memory_space<vmem_shared>>) offsets(%dma_start3A_438 : memref<16xi32, #tpu.memory_space<vmem>>) semaphore(%arg37 : memref<!tpu.dma_semaphore, #tpu.memory_space<semaphore_mem>>) {add = true}
      %add3A_442 = arith.constant 9 : i32
      %add3A_443 = arith.addi %add3A_429, %add3A_442 : i32
      %sub3A_444 = arith.constant 11 : i32
      %sub3A_445 = arith.subi %add3A_443, %sub3A_444 : i32
      %mul3A_446 = arith.constant 16 : i32
      %mul3A_447 = arith.muli %sub3A_445, %mul3A_446 : i32
      %dma_wait3A_448 = tpu.memref_slice %arg7[%mul3A_447] : memref<10000xi32, #tpu.memory_space<vmem>> -> memref<16xi32, #tpu.memory_space<vmem>>
      %dma_wait3A_449 = arith.constant 0 : i32
      %dma_wait3A_450 = arith.constant 0 : i32
      %dma_wait3A_451 = tpu.memref_slice %arg41[%dma_wait3A_449, %dma_wait3A_450] : memref<10000x128xf32, #tpu.memory_space<vmem_shared>> -> memref<10000x128xf32, #tpu.memory_space<vmem_shared>>
      tpu.wait_indirect_dma semaphore(%arg35 : memref<!tpu.dma_semaphore, #tpu.memory_space<semaphore_mem>>) src(%arg13 : memref<16x128xf32, #tpu.memory_space<vmem>>) dst(%dma_wait3A_451 : memref<10000x128xf32, #tpu.memory_space<vmem_shared>>)
      %add3A_452 = arith.constant 9 : i32
      %add3A_453 = arith.addi %add3A_429, %add3A_452 : i32
      %mul3A_454 = arith.constant 16 : i32
      %mul3A_455 = arith.muli %add3A_453, %mul3A_454 : i32
      %dma_start3A_456 = tpu.memref_slice %arg6[%mul3A_455] : memref<10000xi32, #tpu.memory_space<vmem>> -> memref<16xi32, #tpu.memory_space<vmem>>
      %dma_start3A_457 = arith.constant 0 : i32
      %dma_start3A_458 = arith.constant 0 : i32
      %dma_start3A_459 = tpu.memref_slice %arg2[%dma_start3A_457, %dma_start3A_458] : memref<10000x128xf32, #tpu.memory_space<hbm>> -> memref<10000x128xf32, #tpu.memory_space<hbm>>
      tpu.enqueue_indirect_dma source(%dma_start3A_459 : memref<10000x128xf32, #tpu.memory_space<hbm>>) target(%arg13 : memref<16x128xf32, #tpu.memory_space<vmem>>) offsets(%dma_start3A_456 : memref<16xi32, #tpu.memory_space<vmem>>) semaphore(%arg24 : memref<!tpu.dma_semaphore, #tpu.memory_space<semaphore_mem>>)
      %add3A_460 = arith.constant 8 : i32
      %add3A_461 = arith.addi %mul3A_215, %add3A_460 : i32
      %mul3A_462 = arith.constant 16 : i32
      %mul3A_463 = arith.muli %add3A_461, %mul3A_462 : i32
      %dma_wait3A_464 = tpu.memref_slice %arg6[%mul3A_463] : memref<10000xi32, #tpu.memory_space<vmem>> -> memref<16xi32, #tpu.memory_space<vmem>>
      %dma_wait3A_465 = arith.constant 0 : i32
      %dma_wait3A_466 = arith.constant 0 : i32
      %dma_wait3A_467 = tpu.memref_slice %arg2[%dma_wait3A_465, %dma_wait3A_466] : memref<10000x128xf32, #tpu.memory_space<hbm>> -> memref<10000x128xf32, #tpu.memory_space<hbm>>
      tpu.wait_indirect_dma semaphore(%arg27 : memref<!tpu.dma_semaphore, #tpu.memory_space<semaphore_mem>>) src(%dma_wait3A_467 : memref<10000x128xf32, #tpu.memory_space<hbm>>) dst(%arg16 : memref<16x128xf32, #tpu.memory_space<vmem>>)
      %mul3A_468 = arith.constant 16 : i32
      %mul3A_469 = arith.muli %add3A_461, %mul3A_468 : i32
      %dma_start3A_470 = tpu.memref_slice %arg7[%mul3A_469] : memref<10000xi32, #tpu.memory_space<vmem>> -> memref<16xi32, #tpu.memory_space<vmem>>
      %dma_start3A_471 = arith.constant 0 : i32
      %dma_start3A_472 = arith.constant 0 : i32
      %dma_start3A_473 = tpu.memref_slice %arg41[%dma_start3A_471, %dma_start3A_472] : memref<10000x128xf32, #tpu.memory_space<vmem_shared>> -> memref<10000x128xf32, #tpu.memory_space<vmem_shared>>
      tpu.enqueue_indirect_dma source(%arg16 : memref<16x128xf32, #tpu.memory_space<vmem>>) target(%dma_start3A_473 : memref<10000x128xf32, #tpu.memory_space<vmem_shared>>) offsets(%dma_start3A_470 : memref<16xi32, #tpu.memory_space<vmem>>) semaphore(%arg38 : memref<!tpu.dma_semaphore, #tpu.memory_space<semaphore_mem>>) {add = true}
      %add3A_474 = arith.constant 9 : i32
      %add3A_475 = arith.addi %add3A_461, %add3A_474 : i32
      %sub3A_476 = arith.constant 11 : i32
      %sub3A_477 = arith.subi %add3A_475, %sub3A_476 : i32
      %mul3A_478 = arith.constant 16 : i32
      %mul3A_479 = arith.muli %sub3A_477, %mul3A_478 : i32
      %dma_wait3A_480 = tpu.memref_slice %arg7[%mul3A_479] : memref<10000xi32, #tpu.memory_space<vmem>> -> memref<16xi32, #tpu.memory_space<vmem>>
      %dma_wait3A_481 = arith.constant 0 : i32
      %dma_wait3A_482 = arith.constant 0 : i32
      %dma_wait3A_483 = tpu.memref_slice %arg41[%dma_wait3A_481, %dma_wait3A_482] : memref<10000x128xf32, #tpu.memory_space<vmem_shared>> -> memref<10000x128xf32, #tpu.memory_space<vmem_shared>>
      tpu.wait_indirect_dma semaphore(%arg36 : memref<!tpu.dma_semaphore, #tpu.memory_space<semaphore_mem>>) src(%arg14 : memref<16x128xf32, #tpu.memory_space<vmem>>) dst(%dma_wait3A_483 : memref<10000x128xf32, #tpu.memory_space<vmem_shared>>)
      %add3A_484 = arith.constant 9 : i32
      %add3A_485 = arith.addi %add3A_461, %add3A_484 : i32
      %mul3A_486 = arith.constant 16 : i32
      %mul3A_487 = arith.muli %add3A_485, %mul3A_486 : i32
      %dma_start3A_488 = tpu.memref_slice %arg6[%mul3A_487] : memref<10000xi32, #tpu.memory_space<vmem>> -> memref<16xi32, #tpu.memory_space<vmem>>
      %dma_start3A_489 = arith.constant 0 : i32
      %dma_start3A_490 = arith.constant 0 : i32
      %dma_start3A_491 = tpu.memref_slice %arg2[%dma_start3A_489, %dma_start3A_490] : memref<10000x128xf32, #tpu.memory_space<hbm>> -> memref<10000x128xf32, #tpu.memory_space<hbm>>
      tpu.enqueue_indirect_dma source(%dma_start3A_491 : memref<10000x128xf32, #tpu.memory_space<hbm>>) target(%arg14 : memref<16x128xf32, #tpu.memory_space<vmem>>) offsets(%dma_start3A_488 : memref<16xi32, #tpu.memory_space<vmem>>) semaphore(%arg25 : memref<!tpu.dma_semaphore, #tpu.memory_space<semaphore_mem>>)
      %add3A_492 = arith.constant 9 : i32
      %add3A_493 = arith.addi %mul3A_215, %add3A_492 : i32
      %mul3A_494 = arith.constant 16 : i32
      %mul3A_495 = arith.muli %add3A_493, %mul3A_494 : i32
      %dma_wait3A_496 = tpu.memref_slice %arg6[%mul3A_495] : memref<10000xi32, #tpu.memory_space<vmem>> -> memref<16xi32, #tpu.memory_space<vmem>>
      %dma_wait3A_497 = arith.constant 0 : i32
      %dma_wait3A_498 = arith.constant 0 : i32
      %dma_wait3A_499 = tpu.memref_slice %arg2[%dma_wait3A_497, %dma_wait3A_498] : memref<10000x128xf32, #tpu.memory_space<hbm>> -> memref<10000x128xf32, #tpu.memory_space<hbm>>
      tpu.wait_indirect_dma semaphore(%arg28 : memref<!tpu.dma_semaphore, #tpu.memory_space<semaphore_mem>>) src(%dma_wait3A_499 : memref<10000x128xf32, #tpu.memory_space<hbm>>) dst(%arg17 : memref<16x128xf32, #tpu.memory_space<vmem>>)
      %mul3A_500 = arith.constant 16 : i32
      %mul3A_501 = arith.muli %add3A_493, %mul3A_500 : i32
      %dma_start3A_502 = tpu.memref_slice %arg7[%mul3A_501] : memref<10000xi32, #tpu.memory_space<vmem>> -> memref<16xi32, #tpu.memory_space<vmem>>
      %dma_start3A_503 = arith.constant 0 : i32
      %dma_start3A_504 = arith.constant 0 : i32
      %dma_start3A_505 = tpu.memref_slice %arg41[%dma_start3A_503, %dma_start3A_504] : memref<10000x128xf32, #tpu.memory_space<vmem_shared>> -> memref<10000x128xf32, #tpu.memory_space<vmem_shared>>
      tpu.enqueue_indirect_dma source(%arg17 : memref<16x128xf32, #tpu.memory_space<vmem>>) target(%dma_start3A_505 : memref<10000x128xf32, #tpu.memory_space<vmem_shared>>) offsets(%dma_start3A_502 : memref<16xi32, #tpu.memory_space<vmem>>) semaphore(%arg39 : memref<!tpu.dma_semaphore, #tpu.memory_space<semaphore_mem>>) {add = true}
      %add3A_506 = arith.constant 9 : i32
      %add3A_507 = arith.addi %add3A_493, %add3A_506 : i32
      %sub3A_508 = arith.constant 11 : i32
      %sub3A_509 = arith.subi %add3A_507, %sub3A_508 : i32
      %mul3A_510 = arith.constant 16 : i32
      %mul3A_511 = arith.muli %sub3A_509, %mul3A_510 : i32
      %dma_wait3A_512 = tpu.memref_slice %arg7[%mul3A_511] : memref<10000xi32, #tpu.memory_space<vmem>> -> memref<16xi32, #tpu.memory_space<vmem>>
      %dma_wait3A_513 = arith.constant 0 : i32
      %dma_wait3A_514 = arith.constant 0 : i32
      %dma_wait3A_515 = tpu.memref_slice %arg41[%dma_wait3A_513, %dma_wait3A_514] : memref<10000x128xf32, #tpu.memory_space<vmem_shared>> -> memref<10000x128xf32, #tpu.memory_space<vmem_shared>>
      tpu.wait_indirect_dma semaphore(%arg37 : memref<!tpu.dma_semaphore, #tpu.memory_space<semaphore_mem>>) src(%arg15 : memref<16x128xf32, #tpu.memory_space<vmem>>) dst(%dma_wait3A_515 : memref<10000x128xf32, #tpu.memory_space<vmem_shared>>)
      %add3A_516 = arith.constant 9 : i32
      %add3A_517 = arith.addi %add3A_493, %add3A_516 : i32
      %mul3A_518 = arith.constant 16 : i32
      %mul3A_519 = arith.muli %add3A_517, %mul3A_518 : i32
      %dma_start3A_520 = tpu.memref_slice %arg6[%mul3A_519] : memref<10000xi32, #tpu.memory_space<vmem>> -> memref<16xi32, #tpu.memory_space<vmem>>
      %dma_start3A_521 = arith.constant 0 : i32
      %dma_start3A_522 = arith.constant 0 : i32
      %dma_start3A_523 = tpu.memref_slice %arg2[%dma_start3A_521, %dma_start3A_522] : memref<10000x128xf32, #tpu.memory_space<hbm>> -> memref<10000x128xf32, #tpu.memory_space<hbm>>
      tpu.enqueue_indirect_dma source(%dma_start3A_523 : memref<10000x128xf32, #tpu.memory_space<hbm>>) target(%arg15 : memref<16x128xf32, #tpu.memory_space<vmem>>) offsets(%dma_start3A_520 : memref<16xi32, #tpu.memory_space<vmem>>) semaphore(%arg26 : memref<!tpu.dma_semaphore, #tpu.memory_space<semaphore_mem>>)
      %add3A_524 = arith.constant 10 : i32
      %add3A_525 = arith.addi %mul3A_215, %add3A_524 : i32
      %mul3A_526 = arith.constant 16 : i32
      %mul3A_527 = arith.muli %add3A_525, %mul3A_526 : i32
      %dma_wait3A_528 = tpu.memref_slice %arg6[%mul3A_527] : memref<10000xi32, #tpu.memory_space<vmem>> -> memref<16xi32, #tpu.memory_space<vmem>>
      %dma_wait3A_529 = arith.constant 0 : i32
      %dma_wait3A_530 = arith.constant 0 : i32
      %dma_wait3A_531 = tpu.memref_slice %arg2[%dma_wait3A_529, %dma_wait3A_530] : memref<10000x128xf32, #tpu.memory_space<hbm>> -> memref<10000x128xf32, #tpu.memory_space<hbm>>
      tpu.wait_indirect_dma semaphore(%arg29 : memref<!tpu.dma_semaphore, #tpu.memory_space<semaphore_mem>>) src(%dma_wait3A_531 : memref<10000x128xf32, #tpu.memory_space<hbm>>) dst(%arg18 : memref<16x128xf32, #tpu.memory_space<vmem>>)
      %mul3A_532 = arith.constant 16 : i32
      %mul3A_533 = arith.muli %add3A_525, %mul3A_532 : i32
      %dma_start3A_534 = tpu.memref_slice %arg7[%mul3A_533] : memref<10000xi32, #tpu.memory_space<vmem>> -> memref<16xi32, #tpu.memory_space<vmem>>
      %dma_start3A_535 = arith.constant 0 : i32
      %dma_start3A_536 = arith.constant 0 : i32
      %dma_start3A_537 = tpu.memref_slice %arg41[%dma_start3A_535, %dma_start3A_536] : memref<10000x128xf32, #tpu.memory_space<vmem_shared>> -> memref<10000x128xf32, #tpu.memory_space<vmem_shared>>
      tpu.enqueue_indirect_dma source(%arg18 : memref<16x128xf32, #tpu.memory_space<vmem>>) target(%dma_start3A_537 : memref<10000x128xf32, #tpu.memory_space<vmem_shared>>) offsets(%dma_start3A_534 : memref<16xi32, #tpu.memory_space<vmem>>) semaphore(%arg40 : memref<!tpu.dma_semaphore, #tpu.memory_space<semaphore_mem>>) {add = true}
      %add3A_538 = arith.constant 9 : i32
      %add3A_539 = arith.addi %add3A_525, %add3A_538 : i32
      %sub3A_540 = arith.constant 11 : i32
      %sub3A_541 = arith.subi %add3A_539, %sub3A_540 : i32
      %mul3A_542 = arith.constant 16 : i32
      %mul3A_543 = arith.muli %sub3A_541, %mul3A_542 : i32
      %dma_wait3A_544 = tpu.memref_slice %arg7[%mul3A_543] : memref<10000xi32, #tpu.memory_space<vmem>> -> memref<16xi32, #tpu.memory_space<vmem>>
      %dma_wait3A_545 = arith.constant 0 : i32
      %dma_wait3A_546 = arith.constant 0 : i32
      %dma_wait3A_547 = tpu.memref_slice %arg41[%dma_wait3A_545, %dma_wait3A_546] : memref<10000x128xf32, #tpu.memory_space<vmem_shared>> -> memref<10000x128xf32, #tpu.memory_space<vmem_shared>>
      tpu.wait_indirect_dma semaphore(%arg38 : memref<!tpu.dma_semaphore, #tpu.memory_space<semaphore_mem>>) src(%arg16 : memref<16x128xf32, #tpu.memory_space<vmem>>) dst(%dma_wait3A_547 : memref<10000x128xf32, #tpu.memory_space<vmem_shared>>)
      %add3A_548 = arith.constant 9 : i32
      %add3A_549 = arith.addi %add3A_525, %add3A_548 : i32
      %mul3A_550 = arith.constant 16 : i32
      %mul3A_551 = arith.muli %add3A_549, %mul3A_550 : i32
      %dma_start3A_552 = tpu.memref_slice %arg6[%mul3A_551] : memref<10000xi32, #tpu.memory_space<vmem>> -> memref<16xi32, #tpu.memory_space<vmem>>
      %dma_start3A_553 = arith.constant 0 : i32
      %dma_start3A_554 = arith.constant 0 : i32
      %dma_start3A_555 = tpu.memref_slice %arg2[%dma_start3A_553, %dma_start3A_554] : memref<10000x128xf32, #tpu.memory_space<hbm>> -> memref<10000x128xf32, #tpu.memory_space<hbm>>
      tpu.enqueue_indirect_dma source(%dma_start3A_555 : memref<10000x128xf32, #tpu.memory_space<hbm>>) target(%arg16 : memref<16x128xf32, #tpu.memory_space<vmem>>) offsets(%dma_start3A_552 : memref<16xi32, #tpu.memory_space<vmem>>) semaphore(%arg27 : memref<!tpu.dma_semaphore, #tpu.memory_space<semaphore_mem>>)
      %scan3A_556 = arith.constant 0 : i32
      scf.yield %scan3A_556 : i32
    }
    %scan3A_56 = arith.constant 56 : i32
    %dma_wait3A = arith.constant 9856 : i32
    %dma_wait3A_57 = tpu.memref_slice %arg6[%dma_wait3A] : memref<10000xi32, #tpu.memory_space<vmem>> -> memref<16xi32, #tpu.memory_space<vmem>>
    %dma_wait3A_58 = arith.constant 0 : i32
    %dma_wait3A_59 = arith.constant 0 : i32
    %dma_wait3A_60 = tpu.memref_slice %arg2[%dma_wait3A_58, %dma_wait3A_59] : memref<10000x128xf32, #tpu.memory_space<hbm>> -> memref<10000x128xf32, #tpu.memory_space<hbm>>
    tpu.wait_indirect_dma semaphore(%arg19 : memref<!tpu.dma_semaphore, #tpu.memory_space<semaphore_mem>>) src(%dma_wait3A_60 : memref<10000x128xf32, #tpu.memory_space<hbm>>) dst(%arg8 : memref<16x128xf32, #tpu.memory_space<vmem>>)
    %dma_start3A_61 = arith.constant 9856 : i32
    %dma_start3A_62 = tpu.memref_slice %arg7[%dma_start3A_61] : memref<10000xi32, #tpu.memory_space<vmem>> -> memref<16xi32, #tpu.memory_space<vmem>>
    %dma_start3A_63 = arith.constant 0 : i32
    %dma_start3A_64 = arith.constant 0 : i32
    %dma_start3A_65 = tpu.memref_slice %arg41[%dma_start3A_63, %dma_start3A_64] : memref<10000x128xf32, #tpu.memory_space<vmem_shared>> -> memref<10000x128xf32, #tpu.memory_space<vmem_shared>>
    tpu.enqueue_indirect_dma source(%arg8 : memref<16x128xf32, #tpu.memory_space<vmem>>) target(%dma_start3A_65 : memref<10000x128xf32, #tpu.memory_space<vmem_shared>>) offsets(%dma_start3A_62 : memref<16xi32, #tpu.memory_space<vmem>>) semaphore(%arg30 : memref<!tpu.dma_semaphore, #tpu.memory_space<semaphore_mem>>) {add = true}
    %dma_wait3A_66 = arith.constant 9872 : i32
    %dma_wait3A_67 = tpu.memref_slice %arg6[%dma_wait3A_66] : memref<10000xi32, #tpu.memory_space<vmem>> -> memref<16xi32, #tpu.memory_space<vmem>>
    %dma_wait3A_68 = arith.constant 0 : i32
    %dma_wait3A_69 = arith.constant 0 : i32
    %dma_wait3A_70 = tpu.memref_slice %arg2[%dma_wait3A_68, %dma_wait3A_69] : memref<10000x128xf32, #tpu.memory_space<hbm>> -> memref<10000x128xf32, #tpu.memory_space<hbm>>
    tpu.wait_indirect_dma semaphore(%arg20 : memref<!tpu.dma_semaphore, #tpu.memory_space<semaphore_mem>>) src(%dma_wait3A_70 : memref<10000x128xf32, #tpu.memory_space<hbm>>) dst(%arg9 : memref<16x128xf32, #tpu.memory_space<vmem>>)
    %dma_start3A_71 = arith.constant 9872 : i32
    %dma_start3A_72 = tpu.memref_slice %arg7[%dma_start3A_71] : memref<10000xi32, #tpu.memory_space<vmem>> -> memref<16xi32, #tpu.memory_space<vmem>>
    %dma_start3A_73 = arith.constant 0 : i32
    %dma_start3A_74 = arith.constant 0 : i32
    %dma_start3A_75 = tpu.memref_slice %arg41[%dma_start3A_73, %dma_start3A_74] : memref<10000x128xf32, #tpu.memory_space<vmem_shared>> -> memref<10000x128xf32, #tpu.memory_space<vmem_shared>>
    tpu.enqueue_indirect_dma source(%arg9 : memref<16x128xf32, #tpu.memory_space<vmem>>) target(%dma_start3A_75 : memref<10000x128xf32, #tpu.memory_space<vmem_shared>>) offsets(%dma_start3A_72 : memref<16xi32, #tpu.memory_space<vmem>>) semaphore(%arg31 : memref<!tpu.dma_semaphore, #tpu.memory_space<semaphore_mem>>) {add = true}
    %dma_wait3A_76 = arith.constant 9888 : i32
    %dma_wait3A_77 = tpu.memref_slice %arg6[%dma_wait3A_76] : memref<10000xi32, #tpu.memory_space<vmem>> -> memref<16xi32, #tpu.memory_space<vmem>>
    %dma_wait3A_78 = arith.constant 0 : i32
    %dma_wait3A_79 = arith.constant 0 : i32
    %dma_wait3A_80 = tpu.memref_slice %arg2[%dma_wait3A_78, %dma_wait3A_79] : memref<10000x128xf32, #tpu.memory_space<hbm>> -> memref<10000x128xf32, #tpu.memory_space<hbm>>
    tpu.wait_indirect_dma semaphore(%arg21 : memref<!tpu.dma_semaphore, #tpu.memory_space<semaphore_mem>>) src(%dma_wait3A_80 : memref<10000x128xf32, #tpu.memory_space<hbm>>) dst(%arg10 : memref<16x128xf32, #tpu.memory_space<vmem>>)
    %dma_start3A_81 = arith.constant 9888 : i32
    %dma_start3A_82 = tpu.memref_slice %arg7[%dma_start3A_81] : memref<10000xi32, #tpu.memory_space<vmem>> -> memref<16xi32, #tpu.memory_space<vmem>>
    %dma_start3A_83 = arith.constant 0 : i32
    %dma_start3A_84 = arith.constant 0 : i32
    %dma_start3A_85 = tpu.memref_slice %arg41[%dma_start3A_83, %dma_start3A_84] : memref<10000x128xf32, #tpu.memory_space<vmem_shared>> -> memref<10000x128xf32, #tpu.memory_space<vmem_shared>>
    tpu.enqueue_indirect_dma source(%arg10 : memref<16x128xf32, #tpu.memory_space<vmem>>) target(%dma_start3A_85 : memref<10000x128xf32, #tpu.memory_space<vmem_shared>>) offsets(%dma_start3A_82 : memref<16xi32, #tpu.memory_space<vmem>>) semaphore(%arg32 : memref<!tpu.dma_semaphore, #tpu.memory_space<semaphore_mem>>) {add = true}
    %dma_wait3A_86 = arith.constant 9904 : i32
    %dma_wait3A_87 = tpu.memref_slice %arg6[%dma_wait3A_86] : memref<10000xi32, #tpu.memory_space<vmem>> -> memref<16xi32, #tpu.memory_space<vmem>>
    %dma_wait3A_88 = arith.constant 0 : i32
    %dma_wait3A_89 = arith.constant 0 : i32
    %dma_wait3A_90 = tpu.memref_slice %arg2[%dma_wait3A_88, %dma_wait3A_89] : memref<10000x128xf32, #tpu.memory_space<hbm>> -> memref<10000x128xf32, #tpu.memory_space<hbm>>
    tpu.wait_indirect_dma semaphore(%arg22 : memref<!tpu.dma_semaphore, #tpu.memory_space<semaphore_mem>>) src(%dma_wait3A_90 : memref<10000x128xf32, #tpu.memory_space<hbm>>) dst(%arg11 : memref<16x128xf32, #tpu.memory_space<vmem>>)
    %dma_start3A_91 = arith.constant 9904 : i32
    %dma_start3A_92 = tpu.memref_slice %arg7[%dma_start3A_91] : memref<10000xi32, #tpu.memory_space<vmem>> -> memref<16xi32, #tpu.memory_space<vmem>>
    %dma_start3A_93 = arith.constant 0 : i32
    %dma_start3A_94 = arith.constant 0 : i32
    %dma_start3A_95 = tpu.memref_slice %arg41[%dma_start3A_93, %dma_start3A_94] : memref<10000x128xf32, #tpu.memory_space<vmem_shared>> -> memref<10000x128xf32, #tpu.memory_space<vmem_shared>>
    tpu.enqueue_indirect_dma source(%arg11 : memref<16x128xf32, #tpu.memory_space<vmem>>) target(%dma_start3A_95 : memref<10000x128xf32, #tpu.memory_space<vmem_shared>>) offsets(%dma_start3A_92 : memref<16xi32, #tpu.memory_space<vmem>>) semaphore(%arg33 : memref<!tpu.dma_semaphore, #tpu.memory_space<semaphore_mem>>) {add = true}
    %dma_wait3A_96 = arith.constant 9920 : i32
    %dma_wait3A_97 = tpu.memref_slice %arg6[%dma_wait3A_96] : memref<10000xi32, #tpu.memory_space<vmem>> -> memref<16xi32, #tpu.memory_space<vmem>>
    %dma_wait3A_98 = arith.constant 0 : i32
    %dma_wait3A_99 = arith.constant 0 : i32
    %dma_wait3A_100 = tpu.memref_slice %arg2[%dma_wait3A_98, %dma_wait3A_99] : memref<10000x128xf32, #tpu.memory_space<hbm>> -> memref<10000x128xf32, #tpu.memory_space<hbm>>
    tpu.wait_indirect_dma semaphore(%arg23 : memref<!tpu.dma_semaphore, #tpu.memory_space<semaphore_mem>>) src(%dma_wait3A_100 : memref<10000x128xf32, #tpu.memory_space<hbm>>) dst(%arg12 : memref<16x128xf32, #tpu.memory_space<vmem>>)
    %dma_start3A_101 = arith.constant 9920 : i32
    %dma_start3A_102 = tpu.memref_slice %arg7[%dma_start3A_101] : memref<10000xi32, #tpu.memory_space<vmem>> -> memref<16xi32, #tpu.memory_space<vmem>>
    %dma_start3A_103 = arith.constant 0 : i32
    %dma_start3A_104 = arith.constant 0 : i32
    %dma_start3A_105 = tpu.memref_slice %arg41[%dma_start3A_103, %dma_start3A_104] : memref<10000x128xf32, #tpu.memory_space<vmem_shared>> -> memref<10000x128xf32, #tpu.memory_space<vmem_shared>>
    tpu.enqueue_indirect_dma source(%arg12 : memref<16x128xf32, #tpu.memory_space<vmem>>) target(%dma_start3A_105 : memref<10000x128xf32, #tpu.memory_space<vmem_shared>>) offsets(%dma_start3A_102 : memref<16xi32, #tpu.memory_space<vmem>>) semaphore(%arg34 : memref<!tpu.dma_semaphore, #tpu.memory_space<semaphore_mem>>) {add = true}
    %dma_wait3A_106 = arith.constant 9936 : i32
    %dma_wait3A_107 = tpu.memref_slice %arg6[%dma_wait3A_106] : memref<10000xi32, #tpu.memory_space<vmem>> -> memref<16xi32, #tpu.memory_space<vmem>>
    %dma_wait3A_108 = arith.constant 0 : i32
    %dma_wait3A_109 = arith.constant 0 : i32
    %dma_wait3A_110 = tpu.memref_slice %arg2[%dma_wait3A_108, %dma_wait3A_109] : memref<10000x128xf32, #tpu.memory_space<hbm>> -> memref<10000x128xf32, #tpu.memory_space<hbm>>
    tpu.wait_indirect_dma semaphore(%arg24 : memref<!tpu.dma_semaphore, #tpu.memory_space<semaphore_mem>>) src(%dma_wait3A_110 : memref<10000x128xf32, #tpu.memory_space<hbm>>) dst(%arg13 : memref<16x128xf32, #tpu.memory_space<vmem>>)
    %dma_start3A_111 = arith.constant 9936 : i32
    %dma_start3A_112 = tpu.memref_slice %arg7[%dma_start3A_111] : memref<10000xi32, #tpu.memory_space<vmem>> -> memref<16xi32, #tpu.memory_space<vmem>>
    %dma_start3A_113 = arith.constant 0 : i32
    %dma_start3A_114 = arith.constant 0 : i32
    %dma_start3A_115 = tpu.memref_slice %arg41[%dma_start3A_113, %dma_start3A_114] : memref<10000x128xf32, #tpu.memory_space<vmem_shared>> -> memref<10000x128xf32, #tpu.memory_space<vmem_shared>>
    tpu.enqueue_indirect_dma source(%arg13 : memref<16x128xf32, #tpu.memory_space<vmem>>) target(%dma_start3A_115 : memref<10000x128xf32, #tpu.memory_space<vmem_shared>>) offsets(%dma_start3A_112 : memref<16xi32, #tpu.memory_space<vmem>>) semaphore(%arg35 : memref<!tpu.dma_semaphore, #tpu.memory_space<semaphore_mem>>) {add = true}
    %dma_wait3A_116 = arith.constant 9952 : i32
    %dma_wait3A_117 = tpu.memref_slice %arg6[%dma_wait3A_116] : memref<10000xi32, #tpu.memory_space<vmem>> -> memref<16xi32, #tpu.memory_space<vmem>>
    %dma_wait3A_118 = arith.constant 0 : i32
    %dma_wait3A_119 = arith.constant 0 : i32
    %dma_wait3A_120 = tpu.memref_slice %arg2[%dma_wait3A_118, %dma_wait3A_119] : memref<10000x128xf32, #tpu.memory_space<hbm>> -> memref<10000x128xf32, #tpu.memory_space<hbm>>
    tpu.wait_indirect_dma semaphore(%arg25 : memref<!tpu.dma_semaphore, #tpu.memory_space<semaphore_mem>>) src(%dma_wait3A_120 : memref<10000x128xf32, #tpu.memory_space<hbm>>) dst(%arg14 : memref<16x128xf32, #tpu.memory_space<vmem>>)
    %dma_start3A_121 = arith.constant 9952 : i32
    %dma_start3A_122 = tpu.memref_slice %arg7[%dma_start3A_121] : memref<10000xi32, #tpu.memory_space<vmem>> -> memref<16xi32, #tpu.memory_space<vmem>>
    %dma_start3A_123 = arith.constant 0 : i32
    %dma_start3A_124 = arith.constant 0 : i32
    %dma_start3A_125 = tpu.memref_slice %arg41[%dma_start3A_123, %dma_start3A_124] : memref<10000x128xf32, #tpu.memory_space<vmem_shared>> -> memref<10000x128xf32, #tpu.memory_space<vmem_shared>>
    tpu.enqueue_indirect_dma source(%arg14 : memref<16x128xf32, #tpu.memory_space<vmem>>) target(%dma_start3A_125 : memref<10000x128xf32, #tpu.memory_space<vmem_shared>>) offsets(%dma_start3A_122 : memref<16xi32, #tpu.memory_space<vmem>>) semaphore(%arg36 : memref<!tpu.dma_semaphore, #tpu.memory_space<semaphore_mem>>) {add = true}
    %dma_wait3A_126 = arith.constant 9968 : i32
    %dma_wait3A_127 = tpu.memref_slice %arg6[%dma_wait3A_126] : memref<10000xi32, #tpu.memory_space<vmem>> -> memref<16xi32, #tpu.memory_space<vmem>>
    %dma_wait3A_128 = arith.constant 0 : i32
    %dma_wait3A_129 = arith.constant 0 : i32
    %dma_wait3A_130 = tpu.memref_slice %arg2[%dma_wait3A_128, %dma_wait3A_129] : memref<10000x128xf32, #tpu.memory_space<hbm>> -> memref<10000x128xf32, #tpu.memory_space<hbm>>
    tpu.wait_indirect_dma semaphore(%arg26 : memref<!tpu.dma_semaphore, #tpu.memory_space<semaphore_mem>>) src(%dma_wait3A_130 : memref<10000x128xf32, #tpu.memory_space<hbm>>) dst(%arg15 : memref<16x128xf32, #tpu.memory_space<vmem>>)
    %dma_start3A_131 = arith.constant 9968 : i32
    %dma_start3A_132 = tpu.memref_slice %arg7[%dma_start3A_131] : memref<10000xi32, #tpu.memory_space<vmem>> -> memref<16xi32, #tpu.memory_space<vmem>>
    %dma_start3A_133 = arith.constant 0 : i32
    %dma_start3A_134 = arith.constant 0 : i32
    %dma_start3A_135 = tpu.memref_slice %arg41[%dma_start3A_133, %dma_start3A_134] : memref<10000x128xf32, #tpu.memory_space<vmem_shared>> -> memref<10000x128xf32, #tpu.memory_space<vmem_shared>>
    tpu.enqueue_indirect_dma source(%arg15 : memref<16x128xf32, #tpu.memory_space<vmem>>) target(%dma_start3A_135 : memref<10000x128xf32, #tpu.memory_space<vmem_shared>>) offsets(%dma_start3A_132 : memref<16xi32, #tpu.memory_space<vmem>>) semaphore(%arg37 : memref<!tpu.dma_semaphore, #tpu.memory_space<semaphore_mem>>) {add = true}
    %dma_wait3A_136 = arith.constant 9984 : i32
    %dma_wait3A_137 = tpu.memref_slice %arg6[%dma_wait3A_136] : memref<10000xi32, #tpu.memory_space<vmem>> -> memref<16xi32, #tpu.memory_space<vmem>>
    %dma_wait3A_138 = arith.constant 0 : i32
    %dma_wait3A_139 = arith.constant 0 : i32
    %dma_wait3A_140 = tpu.memref_slice %arg2[%dma_wait3A_138, %dma_wait3A_139] : memref<10000x128xf32, #tpu.memory_space<hbm>> -> memref<10000x128xf32, #tpu.memory_space<hbm>>
    tpu.wait_indirect_dma semaphore(%arg27 : memref<!tpu.dma_semaphore, #tpu.memory_space<semaphore_mem>>) src(%dma_wait3A_140 : memref<10000x128xf32, #tpu.memory_space<hbm>>) dst(%arg16 : memref<16x128xf32, #tpu.memory_space<vmem>>)
    %dma_start3A_141 = arith.constant 9984 : i32
    %dma_start3A_142 = tpu.memref_slice %arg7[%dma_start3A_141] : memref<10000xi32, #tpu.memory_space<vmem>> -> memref<16xi32, #tpu.memory_space<vmem>>
    %dma_start3A_143 = arith.constant 0 : i32
    %dma_start3A_144 = arith.constant 0 : i32
    %dma_start3A_145 = tpu.memref_slice %arg41[%dma_start3A_143, %dma_start3A_144] : memref<10000x128xf32, #tpu.memory_space<vmem_shared>> -> memref<10000x128xf32, #tpu.memory_space<vmem_shared>>
    tpu.enqueue_indirect_dma source(%arg16 : memref<16x128xf32, #tpu.memory_space<vmem>>) target(%dma_start3A_145 : memref<10000x128xf32, #tpu.memory_space<vmem_shared>>) offsets(%dma_start3A_142 : memref<16xi32, #tpu.memory_space<vmem>>) semaphore(%arg38 : memref<!tpu.dma_semaphore, #tpu.memory_space<semaphore_mem>>) {add = true}
    %dma_wait3A_146 = arith.constant 9824 : i32
    %dma_wait3A_147 = tpu.memref_slice %arg7[%dma_wait3A_146] : memref<10000xi32, #tpu.memory_space<vmem>> -> memref<16xi32, #tpu.memory_space<vmem>>
    %dma_wait3A_148 = arith.constant 0 : i32
    %dma_wait3A_149 = arith.constant 0 : i32
    %dma_wait3A_150 = tpu.memref_slice %arg41[%dma_wait3A_148, %dma_wait3A_149] : memref<10000x128xf32, #tpu.memory_space<vmem_shared>> -> memref<10000x128xf32, #tpu.memory_space<vmem_shared>>
    tpu.wait_indirect_dma semaphore(%arg39 : memref<!tpu.dma_semaphore, #tpu.memory_space<semaphore_mem>>) src(%arg17 : memref<16x128xf32, #tpu.memory_space<vmem>>) dst(%dma_wait3A_150 : memref<10000x128xf32, #tpu.memory_space<vmem_shared>>)
    %dma_wait3A_151 = arith.constant 9840 : i32
    %dma_wait3A_152 = tpu.memref_slice %arg7[%dma_wait3A_151] : memref<10000xi32, #tpu.memory_space<vmem>> -> memref<16xi32, #tpu.memory_space<vmem>>
    %dma_wait3A_153 = arith.constant 0 : i32
    %dma_wait3A_154 = arith.constant 0 : i32
    %dma_wait3A_155 = tpu.memref_slice %arg41[%dma_wait3A_153, %dma_wait3A_154] : memref<10000x128xf32, #tpu.memory_space<vmem_shared>> -> memref<10000x128xf32, #tpu.memory_space<vmem_shared>>
    tpu.wait_indirect_dma semaphore(%arg40 : memref<!tpu.dma_semaphore, #tpu.memory_space<semaphore_mem>>) src(%arg18 : memref<16x128xf32, #tpu.memory_space<vmem>>) dst(%dma_wait3A_155 : memref<10000x128xf32, #tpu.memory_space<vmem_shared>>)
    %dma_wait3A_156 = arith.constant 9856 : i32
    %dma_wait3A_157 = tpu.memref_slice %arg7[%dma_wait3A_156] : memref<10000xi32, #tpu.memory_space<vmem>> -> memref<16xi32, #tpu.memory_space<vmem>>
    %dma_wait3A_158 = arith.constant 0 : i32
    %dma_wait3A_159 = arith.constant 0 : i32
    %dma_wait3A_160 = tpu.memref_slice %arg41[%dma_wait3A_158, %dma_wait3A_159] : memref<10000x128xf32, #tpu.memory_space<vmem_shared>> -> memref<10000x128xf32, #tpu.memory_space<vmem_shared>>
    tpu.wait_indirect_dma semaphore(%arg30 : memref<!tpu.dma_semaphore, #tpu.memory_space<semaphore_mem>>) src(%arg8 : memref<16x128xf32, #tpu.memory_space<vmem>>) dst(%dma_wait3A_160 : memref<10000x128xf32, #tpu.memory_space<vmem_shared>>)
    %dma_wait3A_161 = arith.constant 9872 : i32
    %dma_wait3A_162 = tpu.memref_slice %arg7[%dma_wait3A_161] : memref<10000xi32, #tpu.memory_space<vmem>> -> memref<16xi32, #tpu.memory_space<vmem>>
    %dma_wait3A_163 = arith.constant 0 : i32
    %dma_wait3A_164 = arith.constant 0 : i32
    %dma_wait3A_165 = tpu.memref_slice %arg41[%dma_wait3A_163, %dma_wait3A_164] : memref<10000x128xf32, #tpu.memory_space<vmem_shared>> -> memref<10000x128xf32, #tpu.memory_space<vmem_shared>>
    tpu.wait_indirect_dma semaphore(%arg31 : memref<!tpu.dma_semaphore, #tpu.memory_space<semaphore_mem>>) src(%arg9 : memref<16x128xf32, #tpu.memory_space<vmem>>) dst(%dma_wait3A_165 : memref<10000x128xf32, #tpu.memory_space<vmem_shared>>)
    %dma_wait3A_166 = arith.constant 9888 : i32
    %dma_wait3A_167 = tpu.memref_slice %arg7[%dma_wait3A_166] : memref<10000xi32, #tpu.memory_space<vmem>> -> memref<16xi32, #tpu.memory_space<vmem>>
    %dma_wait3A_168 = arith.constant 0 : i32
    %dma_wait3A_169 = arith.constant 0 : i32
    %dma_wait3A_170 = tpu.memref_slice %arg41[%dma_wait3A_168, %dma_wait3A_169] : memref<10000x128xf32, #tpu.memory_space<vmem_shared>> -> memref<10000x128xf32, #tpu.memory_space<vmem_shared>>
    tpu.wait_indirect_dma semaphore(%arg32 : memref<!tpu.dma_semaphore, #tpu.memory_space<semaphore_mem>>) src(%arg10 : memref<16x128xf32, #tpu.memory_space<vmem>>) dst(%dma_wait3A_170 : memref<10000x128xf32, #tpu.memory_space<vmem_shared>>)
    %dma_wait3A_171 = arith.constant 9904 : i32
    %dma_wait3A_172 = tpu.memref_slice %arg7[%dma_wait3A_171] : memref<10000xi32, #tpu.memory_space<vmem>> -> memref<16xi32, #tpu.memory_space<vmem>>
    %dma_wait3A_173 = arith.constant 0 : i32
    %dma_wait3A_174 = arith.constant 0 : i32
    %dma_wait3A_175 = tpu.memref_slice %arg41[%dma_wait3A_173, %dma_wait3A_174] : memref<10000x128xf32, #tpu.memory_space<vmem_shared>> -> memref<10000x128xf32, #tpu.memory_space<vmem_shared>>
    tpu.wait_indirect_dma semaphore(%arg33 : memref<!tpu.dma_semaphore, #tpu.memory_space<semaphore_mem>>) src(%arg11 : memref<16x128xf32, #tpu.memory_space<vmem>>) dst(%dma_wait3A_175 : memref<10000x128xf32, #tpu.memory_space<vmem_shared>>)
    %dma_wait3A_176 = arith.constant 9920 : i32
    %dma_wait3A_177 = tpu.memref_slice %arg7[%dma_wait3A_176] : memref<10000xi32, #tpu.memory_space<vmem>> -> memref<16xi32, #tpu.memory_space<vmem>>
    %dma_wait3A_178 = arith.constant 0 : i32
    %dma_wait3A_179 = arith.constant 0 : i32
    %dma_wait3A_180 = tpu.memref_slice %arg41[%dma_wait3A_178, %dma_wait3A_179] : memref<10000x128xf32, #tpu.memory_space<vmem_shared>> -> memref<10000x128xf32, #tpu.memory_space<vmem_shared>>
    tpu.wait_indirect_dma semaphore(%arg34 : memref<!tpu.dma_semaphore, #tpu.memory_space<semaphore_mem>>) src(%arg12 : memref<16x128xf32, #tpu.memory_space<vmem>>) dst(%dma_wait3A_180 : memref<10000x128xf32, #tpu.memory_space<vmem_shared>>)
    %dma_wait3A_181 = arith.constant 9936 : i32
    %dma_wait3A_182 = tpu.memref_slice %arg7[%dma_wait3A_181] : memref<10000xi32, #tpu.memory_space<vmem>> -> memref<16xi32, #tpu.memory_space<vmem>>
    %dma_wait3A_183 = arith.constant 0 : i32
    %dma_wait3A_184 = arith.constant 0 : i32
    %dma_wait3A_185 = tpu.memref_slice %arg41[%dma_wait3A_183, %dma_wait3A_184] : memref<10000x128xf32, #tpu.memory_space<vmem_shared>> -> memref<10000x128xf32, #tpu.memory_space<vmem_shared>>
    tpu.wait_indirect_dma semaphore(%arg35 : memref<!tpu.dma_semaphore, #tpu.memory_space<semaphore_mem>>) src(%arg13 : memref<16x128xf32, #tpu.memory_space<vmem>>) dst(%dma_wait3A_185 : memref<10000x128xf32, #tpu.memory_space<vmem_shared>>)
    %dma_wait3A_186 = arith.constant 9952 : i32
    %dma_wait3A_187 = tpu.memref_slice %arg7[%dma_wait3A_186] : memref<10000xi32, #tpu.memory_space<vmem>> -> memref<16xi32, #tpu.memory_space<vmem>>
    %dma_wait3A_188 = arith.constant 0 : i32
    %dma_wait3A_189 = arith.constant 0 : i32
    %dma_wait3A_190 = tpu.memref_slice %arg41[%dma_wait3A_188, %dma_wait3A_189] : memref<10000x128xf32, #tpu.memory_space<vmem_shared>> -> memref<10000x128xf32, #tpu.memory_space<vmem_shared>>
    tpu.wait_indirect_dma semaphore(%arg36 : memref<!tpu.dma_semaphore, #tpu.memory_space<semaphore_mem>>) src(%arg14 : memref<16x128xf32, #tpu.memory_space<vmem>>) dst(%dma_wait3A_190 : memref<10000x128xf32, #tpu.memory_space<vmem_shared>>)
    %dma_wait3A_191 = arith.constant 9968 : i32
    %dma_wait3A_192 = tpu.memref_slice %arg7[%dma_wait3A_191] : memref<10000xi32, #tpu.memory_space<vmem>> -> memref<16xi32, #tpu.memory_space<vmem>>
    %dma_wait3A_193 = arith.constant 0 : i32
    %dma_wait3A_194 = arith.constant 0 : i32
    %dma_wait3A_195 = tpu.memref_slice %arg41[%dma_wait3A_193, %dma_wait3A_194] : memref<10000x128xf32, #tpu.memory_space<vmem_shared>> -> memref<10000x128xf32, #tpu.memory_space<vmem_shared>>
    tpu.wait_indirect_dma semaphore(%arg37 : memref<!tpu.dma_semaphore, #tpu.memory_space<semaphore_mem>>) src(%arg15 : memref<16x128xf32, #tpu.memory_space<vmem>>) dst(%dma_wait3A_195 : memref<10000x128xf32, #tpu.memory_space<vmem_shared>>)
    %dma_wait3A_196 = arith.constant 9984 : i32
    %dma_wait3A_197 = tpu.memref_slice %arg7[%dma_wait3A_196] : memref<10000xi32, #tpu.memory_space<vmem>> -> memref<16xi32, #tpu.memory_space<vmem>>
    %dma_wait3A_198 = arith.constant 0 : i32
    %dma_wait3A_199 = arith.constant 0 : i32
    %dma_wait3A_200 = tpu.memref_slice %arg41[%dma_wait3A_198, %dma_wait3A_199] : memref<10000x128xf32, #tpu.memory_space<vmem_shared>> -> memref<10000x128xf32, #tpu.memory_space<vmem_shared>>
    tpu.wait_indirect_dma semaphore(%arg38 : memref<!tpu.dma_semaphore, #tpu.memory_space<semaphore_mem>>) src(%arg16 : memref<16x128xf32, #tpu.memory_space<vmem>>) dst(%dma_wait3A_200 : memref<10000x128xf32, #tpu.memory_space<vmem_shared>>)
    %barrier3A_201 = arith.constant 0 : index
    tpu.barrier barrier_id(%barrier3A_201)
    %lt3A_202 = arith.constant 15 : i32
    %lt3A_203 = arith.cmpi slt, %arg1, %lt3A_202 : i32
    %convert_element_type3A_204 = arith.extui %lt3A_203 : i1 to i32
    %cond3A_205 = arith.constant 0 : i32
    %cond3A_206 = arith.cmpi ne, %convert_element_type3A_204, %cond3A_205 : i32
    scf.if %cond3A_206 {
      %mul3A_212 = arith.constant 632 : i32
      %mul3A_213 = arith.muli %arg1, %mul3A_212 : i32
      "tpu.region"() ({
        %run_scoped3A = tpu.sem_alloc : memref<!tpu.dma_semaphore, #tpu.memory_space<semaphore_mem>>
        %dma_start3A_214 = arith.constant 0 : i32
        %dma_start3A_215 = tpu.memref_slice %arg5[%arg0, %mul3A_213, %dma_start3A_214] : memref<2x10000x128xf32, #tpu.memory_space<hbm>> -> memref<1x632x128xf32, #tpu.memory_space<hbm>>
        %dma_start3A_216 = tpu.memref_squeeze %dma_start3A_215 : memref<1x632x128xf32, #tpu.memory_space<hbm>> -> memref<632x128xf32, #tpu.memory_space<hbm>>
        %dma_start3A_217 = arith.constant 0 : i32
        %dma_start3A_218 = tpu.memref_slice %arg41[%mul3A_213, %dma_start3A_217] : memref<10000x128xf32, #tpu.memory_space<vmem_shared>> -> memref<632x128xf32, #tpu.memory_space<vmem_shared>>
        tpu.enqueue_dma source(%dma_start3A_218 : memref<632x128xf32, #tpu.memory_space<vmem_shared>>) target(%dma_start3A_216 : memref<632x128xf32, #tpu.memory_space<hbm>>) target_semaphore(%run_scoped3A : memref<!tpu.dma_semaphore, #tpu.memory_space<semaphore_mem>>)
        %dma_wait3A_219 = arith.constant 0 : i32
        %dma_wait3A_220 = tpu.memref_slice %arg5[%arg0, %mul3A_213, %dma_wait3A_219] : memref<2x10000x128xf32, #tpu.memory_space<hbm>> -> memref<1x632x128xf32, #tpu.memory_space<hbm>>
        %dma_wait3A_221 = tpu.memref_squeeze %dma_wait3A_220 : memref<1x632x128xf32, #tpu.memory_space<hbm>> -> memref<632x128xf32, #tpu.memory_space<hbm>>
        %dma_wait3A_222 = arith.constant 0 : i32
        %dma_wait3A_223 = tpu.memref_slice %arg41[%mul3A_213, %dma_wait3A_222] : memref<10000x128xf32, #tpu.memory_space<vmem_shared>> -> memref<632x128xf32, #tpu.memory_space<vmem_shared>>
        tpu.wait_dma2 semaphore(%run_scoped3A : memref<!tpu.dma_semaphore, #tpu.memory_space<semaphore_mem>>) src(%dma_wait3A_223 : memref<632x128xf32, #tpu.memory_space<vmem_shared>>) dst(%dma_wait3A_221 : memref<632x128xf32, #tpu.memory_space<hbm>>)
        tpu.yield
      }) : () -> ()
    } else {
    }
    %eq3A_207 = arith.constant 15 : i32
    %eq3A_208 = arith.cmpi eq, %arg1, %eq3A_207 : i32
    %convert_element_type3A_209 = arith.extui %eq3A_208 : i1 to i32
    %cond3A_210 = arith.constant 0 : i32
    %cond3A_211 = arith.cmpi ne, %convert_element_type3A_209, %cond3A_210 : i32
    scf.if %cond3A_211 {
      "tpu.region"() ({
        %run_scoped3A = tpu.sem_alloc : memref<!tpu.dma_semaphore, #tpu.memory_space<semaphore_mem>>
        %dma_start3A_212 = arith.constant 9480 : i32
        %dma_start3A_213 = arith.constant 0 : i32
        %dma_start3A_214 = tpu.memref_slice %arg5[%arg0, %dma_start3A_212, %dma_start3A_213] : memref<2x10000x128xf32, #tpu.memory_space<hbm>> -> memref<1x520x128xf32, #tpu.memory_space<hbm>>
        %dma_start3A_215 = tpu.memref_squeeze %dma_start3A_214 : memref<1x520x128xf32, #tpu.memory_space<hbm>> -> memref<520x128xf32, #tpu.memory_space<hbm>>
        %dma_start3A_216 = arith.constant 9480 : i32
        %dma_start3A_217 = arith.constant 0 : i32
        %dma_start3A_218 = tpu.memref_slice %arg41[%dma_start3A_216, %dma_start3A_217] : memref<10000x128xf32, #tpu.memory_space<vmem_shared>> -> memref<520x128xf32, #tpu.memory_space<vmem_shared>>
        tpu.enqueue_dma source(%dma_start3A_218 : memref<520x128xf32, #tpu.memory_space<vmem_shared>>) target(%dma_start3A_215 : memref<520x128xf32, #tpu.memory_space<hbm>>) target_semaphore(%run_scoped3A : memref<!tpu.dma_semaphore, #tpu.memory_space<semaphore_mem>>)
        %dma_wait3A_219 = arith.constant 9480 : i32
        %dma_wait3A_220 = arith.constant 0 : i32
        %dma_wait3A_221 = tpu.memref_slice %arg5[%arg0, %dma_wait3A_219, %dma_wait3A_220] : memref<2x10000x128xf32, #tpu.memory_space<hbm>> -> memref<1x520x128xf32, #tpu.memory_space<hbm>>
        %dma_wait3A_222 = tpu.memref_squeeze %dma_wait3A_221 : memref<1x520x128xf32, #tpu.memory_space<hbm>> -> memref<520x128xf32, #tpu.memory_space<hbm>>
        %dma_wait3A_223 = arith.constant 9480 : i32
        %dma_wait3A_224 = arith.constant 0 : i32
        %dma_wait3A_225 = tpu.memref_slice %arg41[%dma_wait3A_223, %dma_wait3A_224] : memref<10000x128xf32, #tpu.memory_space<vmem_shared>> -> memref<520x128xf32, #tpu.memory_space<vmem_shared>>
        tpu.wait_dma2 semaphore(%run_scoped3A : memref<!tpu.dma_semaphore, #tpu.memory_space<semaphore_mem>>) src(%dma_wait3A_225 : memref<520x128xf32, #tpu.memory_space<vmem_shared>>) dst(%dma_wait3A_222 : memref<520x128xf32, #tpu.memory_space<hbm>>)
        tpu.yield
      }) : () -> ()
    } else {
    }
    return
  }
}

#map = affine_map<(d0, d1) -> (0)>
#map1 = affine_map<(d0, d1) -> (0, 0, 0, 0)>
module attributes {stable_mosaic.version = 14 : i64} {
  func.func @_deg_kernel(%arg0: i32, %arg1: i32, %arg2: memref<320000xi32, #tpu.memory_space<hbm>>, %arg3: memref<2x16x1x10000xf32, #tpu.memory_space<hbm>>, %arg4: memref<10000xi32, #tpu.memory_space<vmem>>, %arg5: memref<1x10000xf32, #tpu.memory_space<vmem>>) attributes {dimension_semantics = [#tpu.dimension_semantics<core_parallel>, #tpu.dimension_semantics<subcore_parallel>], iteration_bounds = array<i64: 2, 16>, scalar_prefetch = 0 : i64, scratch_operands = 2 : i64, tpu.core_type = #tpu.core_type<sc_vector_subcore>, window_params = [{transform_indices = #map}, {transform_indices = #map1}]} {
    %broadcast_in_dim3A = arith.constant 0.000000e+00 : f32
    %broadcast_in_dim3A_0 = vector.broadcast %broadcast_in_dim3A : f32 to vector<16xf32>
    %broadcast_in_dim3A_1 = arith.constant 0 : i32
    %broadcast_in_dim3A_2 = vector.broadcast %broadcast_in_dim3A_1 : i32 to vector<16xi32>
    %broadcast_in_dim3A_3 = arith.constant 1.000000e+00 : f32
    %broadcast_in_dim3A_4 = vector.broadcast %broadcast_in_dim3A_3 : f32 to vector<16xf32>
    %scan3A = arith.constant 0 : i32
    %scan3A_5 = arith.constant 0 : i32
    %scan3A_6 = arith.constant 625 : i32
    %scan3A_7 = arith.addi %scan3A_5, %scan3A_6 : i32
    %scan3A_8 = arith.constant 1 : i32
    %scan3A_9 = scf.for %scan3A_21 = %scan3A_5 to %scan3A_7 step %scan3A_8 iter_args(%scan3A_22 = %scan3A) -> (i32)  : i32 {
      %mul3A_23 = arith.constant 16 : i32
      %mul3A_24 = arith.muli %scan3A_21, %mul3A_23 : i32
      %swap3A = arith.constant 0 : i32
      %swap3A_25 = arith.index_cast %swap3A : i32 to index
      %swap3A_26 = arith.index_cast %mul3A_24 : i32 to index
      %swap3A_27 = tpu.vector_load %arg5[%swap3A_25, %swap3A_26] {strides = array<i32>} : memref<1x10000xf32, #tpu.memory_space<vmem>>, vector<16xf32>,
      tpu.vector_store %arg5[%swap3A_25, %swap3A_26], %broadcast_in_dim3A_0 {strides = array<i32>} : memref<1x10000xf32, #tpu.memory_space<vmem>>, vector<16xf32>,
      %scan3A_28 = arith.constant 0 : i32
      scf.yield %scan3A_28 : i32
    }
    %scan3A_10 = arith.constant 625 : i32
    %mul3A = arith.constant 16 : i32
    %mul3A_11 = arith.muli %arg0, %mul3A : i32
    %add3A = arith.addi %mul3A_11, %arg1 : i32
    %mul3A_12 = arith.constant 10000 : i32
    %mul3A_13 = arith.muli %add3A, %mul3A_12 : i32
    "tpu.region"() ({
      %run_scoped3A = tpu.sem_alloc : memref<!tpu.dma_semaphore, #tpu.memory_space<semaphore_mem>>
      %dma_start3A = tpu.memref_slice %arg2[%mul3A_13] : memref<320000xi32, #tpu.memory_space<hbm>> -> memref<10000xi32, #tpu.memory_space<hbm>>
      %dma_start3A_21 = tpu.memref_slice %arg2[%mul3A_13] : memref<320000xi32, #tpu.memory_space<hbm>> -> memref<10000xi32, #tpu.memory_space<hbm>>
      tpu.enqueue_dma source(%dma_start3A_21 : memref<10000xi32, #tpu.memory_space<hbm>>) target(%arg4 : memref<10000xi32, #tpu.memory_space<vmem>>) target_semaphore(%run_scoped3A : memref<!tpu.dma_semaphore, #tpu.memory_space<semaphore_mem>>)
      %dma_wait3A = tpu.memref_slice %arg2[%mul3A_13] : memref<320000xi32, #tpu.memory_space<hbm>> -> memref<10000xi32, #tpu.memory_space<hbm>>
      %dma_wait3A_22 = tpu.memref_slice %arg2[%mul3A_13] : memref<320000xi32, #tpu.memory_space<hbm>> -> memref<10000xi32, #tpu.memory_space<hbm>>
      tpu.wait_dma2 semaphore(%run_scoped3A : memref<!tpu.dma_semaphore, #tpu.memory_space<semaphore_mem>>) src(%dma_wait3A_22 : memref<10000xi32, #tpu.memory_space<hbm>>) dst(%arg4 : memref<10000xi32, #tpu.memory_space<vmem>>)
      tpu.yield
    }) : () -> ()
    %scan3A_14 = arith.constant 0 : i32
    %scan3A_15 = arith.constant 0 : i32
    %scan3A_16 = arith.constant 625 : i32
    %scan3A_17 = arith.addi %scan3A_15, %scan3A_16 : i32
    %scan3A_18 = arith.constant 1 : i32
    %scan3A_19 = scf.for %scan3A_21 = %scan3A_15 to %scan3A_17 step %scan3A_18 iter_args(%scan3A_22 = %scan3A_14) -> (i32)  : i32 {
      %mul3A_23 = arith.constant 16 : i32
      %mul3A_24 = arith.muli %scan3A_21, %mul3A_23 : i32
      %get3A = arith.index_cast %mul3A_24 : i32 to index
      %get3A_25 = tpu.vector_load %arg4[%get3A] {strides = array<i32>} : memref<10000xi32, #tpu.memory_space<vmem>>, vector<16xi32>,
      tpu.vector_store_idx %arg5[%broadcast_in_dim3A_2, %get3A_25], %broadcast_in_dim3A_4 {add = true} : memref<1x10000xf32, #tpu.memory_space<vmem>>[vector<16xi32>, vector<16xi32>], vector<16xf32>,
      %scan3A_26 = arith.constant 0 : i32
      scf.yield %scan3A_26 : i32
    }
    %scan3A_20 = arith.constant 625 : i32
    "tpu.region"() ({
      %run_scoped3A = tpu.sem_alloc : memref<!tpu.dma_semaphore, #tpu.memory_space<semaphore_mem>>
      %dma_start3A = arith.constant 0 : i32
      %dma_start3A_21 = arith.constant 0 : i32
      %dma_start3A_22 = tpu.memref_slice %arg3[%arg0, %arg1, %dma_start3A, %dma_start3A_21] : memref<2x16x1x10000xf32, #tpu.memory_space<hbm>> -> memref<1x1x1x10000xf32, #tpu.memory_space<hbm>>
      %dma_start3A_23 = tpu.memref_squeeze %dma_start3A_22 : memref<1x1x1x10000xf32, #tpu.memory_space<hbm>> -> memref<1x10000xf32, #tpu.memory_space<hbm>>
      %dma_start3A_24 = arith.constant 0 : i32
      %dma_start3A_25 = arith.constant 0 : i32
      %dma_start3A_26 = tpu.memref_slice %arg3[%arg0, %arg1, %dma_start3A_24, %dma_start3A_25] : memref<2x16x1x10000xf32, #tpu.memory_space<hbm>> -> memref<1x1x1x10000xf32, #tpu.memory_space<hbm>>
      %dma_start3A_27 = tpu.memref_squeeze %dma_start3A_26 : memref<1x1x1x10000xf32, #tpu.memory_space<hbm>> -> memref<1x10000xf32, #tpu.memory_space<hbm>>
      tpu.enqueue_dma source(%arg5 : memref<1x10000xf32, #tpu.memory_space<vmem>>) target(%dma_start3A_27 : memref<1x10000xf32, #tpu.memory_space<hbm>>) target_semaphore(%run_scoped3A : memref<!tpu.dma_semaphore, #tpu.memory_space<semaphore_mem>>)
      %dma_wait3A = arith.constant 0 : i32
      %dma_wait3A_28 = arith.constant 0 : i32
      %dma_wait3A_29 = tpu.memref_slice %arg3[%arg0, %arg1, %dma_wait3A, %dma_wait3A_28] : memref<2x16x1x10000xf32, #tpu.memory_space<hbm>> -> memref<1x1x1x10000xf32, #tpu.memory_space<hbm>>
      %dma_wait3A_30 = tpu.memref_squeeze %dma_wait3A_29 : memref<1x1x1x10000xf32, #tpu.memory_space<hbm>> -> memref<1x10000xf32, #tpu.memory_space<hbm>>
      %dma_wait3A_31 = arith.constant 0 : i32
      %dma_wait3A_32 = arith.constant 0 : i32
      %dma_wait3A_33 = tpu.memref_slice %arg3[%arg0, %arg1, %dma_wait3A_31, %dma_wait3A_32] : memref<2x16x1x10000xf32, #tpu.memory_space<hbm>> -> memref<1x1x1x10000xf32, #tpu.memory_space<hbm>>
      %dma_wait3A_34 = tpu.memref_squeeze %dma_wait3A_33 : memref<1x1x1x10000xf32, #tpu.memory_space<hbm>> -> memref<1x10000xf32, #tpu.memory_space<hbm>>
      tpu.wait_dma2 semaphore(%run_scoped3A : memref<!tpu.dma_semaphore, #tpu.memory_space<semaphore_mem>>) src(%arg5 : memref<1x10000xf32, #tpu.memory_space<vmem>>) dst(%dma_wait3A_34 : memref<1x10000xf32, #tpu.memory_space<hbm>>)
      tpu.yield
    }) : () -> ()
    return
  }
}

#map = affine_map<(d0, d1) -> (0, 0)>
#map1 = affine_map<(d0, d1) -> (0, 0, 0)>
module attributes {stable_mosaic.version = 14 : i64} {
  func.func @_agg_kernel(%arg0: i32, %arg1: i32, %arg2: memref<10000x128xf32, #tpu.memory_space<hbm>>, %arg3: memref<32x10000xi32, #tpu.memory_space<hbm>>, %arg4: memref<32x10000xi32, #tpu.memory_space<hbm>>, %arg5: memref<2x10000x128xf32, #tpu.memory_space<hbm>>, %arg6: memref<10000xi32, #tpu.memory_space<vmem>>, %arg7: memref<10000xi32, #tpu.memory_space<vmem>>, %arg8: memref<16x128xf32, #tpu.memory_space<vmem>>, %arg9: memref<16x128xf32, #tpu.memory_space<vmem>>, %arg10: memref<16x128xf32, #tpu.memory_space<vmem>>, %arg11: memref<16x128xf32, #tpu.memory_space<vmem>>, %arg12: memref<16x128xf32, #tpu.memory_space<vmem>>, %arg13: memref<16x128xf32, #tpu.memory_space<vmem>>, %arg14: memref<16x128xf32, #tpu.memory_space<vmem>>, %arg15: memref<16x128xf32, #tpu.memory_space<vmem>>, %arg16: memref<16x128xf32, #tpu.memory_space<vmem>>, %arg17: memref<16x128xf32, #tpu.memory_space<vmem>>, %arg18: memref<16x128xf32, #tpu.memory_space<vmem>>, %arg19: memref<!tpu.dma_semaphore, #tpu.memory_space<semaphore_mem>>, %arg20: memref<!tpu.dma_semaphore, #tpu.memory_space<semaphore_mem>>, %arg21: memref<!tpu.dma_semaphore, #tpu.memory_space<semaphore_mem>>, %arg22: memref<!tpu.dma_semaphore, #tpu.memory_space<semaphore_mem>>, %arg23: memref<!tpu.dma_semaphore, #tpu.memory_space<semaphore_mem>>, %arg24: memref<!tpu.dma_semaphore, #tpu.memory_space<semaphore_mem>>, %arg25: memref<!tpu.dma_semaphore, #tpu.memory_space<semaphore_mem>>, %arg26: memref<!tpu.dma_semaphore, #tpu.memory_space<semaphore_mem>>, %arg27: memref<!tpu.dma_semaphore, #tpu.memory_space<semaphore_mem>>, %arg28: memref<!tpu.dma_semaphore, #tpu.memory_space<semaphore_mem>>, %arg29: memref<!tpu.dma_semaphore, #tpu.memory_space<semaphore_mem>>, %arg30: memref<!tpu.dma_semaphore, #tpu.memory_space<semaphore_mem>>, %arg31: memref<!tpu.dma_semaphore, #tpu.memory_space<semaphore_mem>>, %arg32: memref<!tpu.dma_semaphore, #tpu.memory_space<semaphore_mem>>, %arg33: memref<!tpu.dma_semaphore, #tpu.memory_space<semaphore_mem>>, %arg34: memref<!tpu.dma_semaphore, #tpu.memory_space<semaphore_mem>>, %arg35: memref<!tpu.dma_semaphore, #tpu.memory_space<semaphore_mem>>, %arg36: memref<!tpu.dma_semaphore, #tpu.memory_space<semaphore_mem>>, %arg37: memref<!tpu.dma_semaphore, #tpu.memory_space<semaphore_mem>>, %arg38: memref<!tpu.dma_semaphore, #tpu.memory_space<semaphore_mem>>, %arg39: memref<!tpu.dma_semaphore, #tpu.memory_space<semaphore_mem>>, %arg40: memref<!tpu.dma_semaphore, #tpu.memory_space<semaphore_mem>>, %arg41: memref<10000x128xf32, #tpu.memory_space<vmem_shared>>) attributes {dimension_semantics = [#tpu.dimension_semantics<core_parallel>, #tpu.dimension_semantics<subcore_parallel>], iteration_bounds = array<i64: 2, 16>, scalar_prefetch = 0 : i64, scratch_operands = 36 : i64, tpu.core_type = #tpu.core_type<sc_vector_subcore>, window_params = [{transform_indices = #map}, {transform_indices = #map}, {transform_indices = #map}, {transform_indices = #map1}]} {
    %mul3A = arith.constant 16 : i32
    %mul3A_0 = arith.muli %arg0, %mul3A : i32
    %add3A = arith.addi %mul3A_0, %arg1 : i32
    "tpu.region"() ({
      %run_scoped3A = tpu.sem_alloc : memref<!tpu.dma_semaphore, #tpu.memory_space<semaphore_mem>>
      %dma_start3A_212 = arith.constant 0 : i32
      %dma_start3A_213 = tpu.memref_slice %arg3[%add3A, %dma_start3A_212] : memref<32x10000xi32, #tpu.memory_space<hbm>> -> memref<1x10000xi32, #tpu.memory_space<hbm>>
      %dma_start3A_214 = tpu.memref_squeeze %dma_start3A_213 : memref<1x10000xi32, #tpu.memory_space<hbm>> -> memref<10000xi32, #tpu.memory_space<hbm>>
      %dma_start3A_215 = arith.constant 0 : i32
      %dma_start3A_216 = tpu.memref_slice %arg3[%add3A, %dma_start3A_215] : memref<32x10000xi32, #tpu.memory_space<hbm>> -> memref<1x10000xi32, #tpu.memory_space<hbm>>
      %dma_start3A_217 = tpu.memref_squeeze %dma_start3A_216 : memref<1x10000xi32, #tpu.memory_space<hbm>> -> memref<10000xi32, #tpu.memory_space<hbm>>
      tpu.enqueue_dma source(%dma_start3A_217 : memref<10000xi32, #tpu.memory_space<hbm>>) target(%arg6 : memref<10000xi32, #tpu.memory_space<vmem>>) target_semaphore(%run_scoped3A : memref<!tpu.dma_semaphore, #tpu.memory_space<semaphore_mem>>)
      %dma_wait3A_218 = arith.constant 0 : i32
      %dma_wait3A_219 = tpu.memref_slice %arg3[%add3A, %dma_wait3A_218] : memref<32x10000xi32, #tpu.memory_space<hbm>> -> memref<1x10000xi32, #tpu.memory_space<hbm>>
      %dma_wait3A_220 = tpu.memref_squeeze %dma_wait3A_219 : memref<1x10000xi32, #tpu.memory_space<hbm>> -> memref<10000xi32, #tpu.memory_space<hbm>>
      %dma_wait3A_221 = arith.constant 0 : i32
      %dma_wait3A_222 = tpu.memref_slice %arg3[%add3A, %dma_wait3A_221] : memref<32x10000xi32, #tpu.memory_space<hbm>> -> memref<1x10000xi32, #tpu.memory_space<hbm>>
      %dma_wait3A_223 = tpu.memref_squeeze %dma_wait3A_222 : memref<1x10000xi32, #tpu.memory_space<hbm>> -> memref<10000xi32, #tpu.memory_space<hbm>>
      tpu.wait_dma2 semaphore(%run_scoped3A : memref<!tpu.dma_semaphore, #tpu.memory_space<semaphore_mem>>) src(%dma_wait3A_223 : memref<10000xi32, #tpu.memory_space<hbm>>) dst(%arg6 : memref<10000xi32, #tpu.memory_space<vmem>>)
      tpu.yield
    }) : () -> ()
    "tpu.region"() ({
      %run_scoped3A = tpu.sem_alloc : memref<!tpu.dma_semaphore, #tpu.memory_space<semaphore_mem>>
      %dma_start3A_212 = arith.constant 0 : i32
      %dma_start3A_213 = tpu.memref_slice %arg4[%add3A, %dma_start3A_212] : memref<32x10000xi32, #tpu.memory_space<hbm>> -> memref<1x10000xi32, #tpu.memory_space<hbm>>
      %dma_start3A_214 = tpu.memref_squeeze %dma_start3A_213 : memref<1x10000xi32, #tpu.memory_space<hbm>> -> memref<10000xi32, #tpu.memory_space<hbm>>
      %dma_start3A_215 = arith.constant 0 : i32
      %dma_start3A_216 = tpu.memref_slice %arg4[%add3A, %dma_start3A_215] : memref<32x10000xi32, #tpu.memory_space<hbm>> -> memref<1x10000xi32, #tpu.memory_space<hbm>>
      %dma_start3A_217 = tpu.memref_squeeze %dma_start3A_216 : memref<1x10000xi32, #tpu.memory_space<hbm>> -> memref<10000xi32, #tpu.memory_space<hbm>>
      tpu.enqueue_dma source(%dma_start3A_217 : memref<10000xi32, #tpu.memory_space<hbm>>) target(%arg7 : memref<10000xi32, #tpu.memory_space<vmem>>) target_semaphore(%run_scoped3A : memref<!tpu.dma_semaphore, #tpu.memory_space<semaphore_mem>>)
      %dma_wait3A_218 = arith.constant 0 : i32
      %dma_wait3A_219 = tpu.memref_slice %arg4[%add3A, %dma_wait3A_218] : memref<32x10000xi32, #tpu.memory_space<hbm>> -> memref<1x10000xi32, #tpu.memory_space<hbm>>
      %dma_wait3A_220 = tpu.memref_squeeze %dma_wait3A_219 : memref<1x10000xi32, #tpu.memory_space<hbm>> -> memref<10000xi32, #tpu.memory_space<hbm>>
      %dma_wait3A_221 = arith.constant 0 : i32
      %dma_wait3A_222 = tpu.memref_slice %arg4[%add3A, %dma_wait3A_221] : memref<32x10000xi32, #tpu.memory_space<hbm>> -> memref<1x10000xi32, #tpu.memory_space<hbm>>
      %dma_wait3A_223 = tpu.memref_squeeze %dma_wait3A_222 : memref<1x10000xi32, #tpu.memory_space<hbm>> -> memref<10000xi32, #tpu.memory_space<hbm>>
      tpu.wait_dma2 semaphore(%run_scoped3A : memref<!tpu.dma_semaphore, #tpu.memory_space<semaphore_mem>>) src(%dma_wait3A_223 : memref<10000xi32, #tpu.memory_space<hbm>>) dst(%arg7 : memref<10000xi32, #tpu.memory_space<vmem>>)
      tpu.yield
    }) : () -> ()
    %lt3A = arith.constant 15 : i32
    %lt3A_1 = arith.cmpi slt, %arg1, %lt3A : i32
    %convert_element_type3A = arith.extui %lt3A_1 : i1 to i32
    %cond3A = arith.constant 0 : i32
    %cond3A_2 = arith.cmpi ne, %convert_element_type3A, %cond3A : i32
    scf.if %cond3A_2 {
      %mul3A_212 = arith.constant 632 : i32
      %mul3A_213 = arith.muli %arg1, %mul3A_212 : i32
      "tpu.region"() ({
        %run_scoped3A = tpu.sem_alloc : memref<!tpu.dma_semaphore, #tpu.memory_space<semaphore_mem>>
        %dma_start3A_214 = arith.constant 0 : i32
        %dma_start3A_215 = tpu.memref_slice %arg41[%mul3A_213, %dma_start3A_214] : memref<10000x128xf32, #tpu.memory_space<vmem_shared>> -> memref<632x128xf32, #tpu.memory_space<vmem_shared>>
        %dma_start3A_216 = arith.constant 0 : i32
        %dma_start3A_217 = tpu.memref_slice %arg2[%mul3A_213, %dma_start3A_216] : memref<10000x128xf32, #tpu.memory_space<hbm>> -> memref<632x128xf32, #tpu.memory_space<hbm>>
        tpu.enqueue_dma source(%dma_start3A_217 : memref<632x128xf32, #tpu.memory_space<hbm>>) target(%dma_start3A_215 : memref<632x128xf32, #tpu.memory_space<vmem_shared>>) target_semaphore(%run_scoped3A : memref<!tpu.dma_semaphore, #tpu.memory_space<semaphore_mem>>)
        %dma_wait3A_218 = arith.constant 0 : i32
        %dma_wait3A_219 = tpu.memref_slice %arg41[%mul3A_213, %dma_wait3A_218] : memref<10000x128xf32, #tpu.memory_space<vmem_shared>> -> memref<632x128xf32, #tpu.memory_space<vmem_shared>>
        %dma_wait3A_220 = arith.constant 0 : i32
        %dma_wait3A_221 = tpu.memref_slice %arg2[%mul3A_213, %dma_wait3A_220] : memref<10000x128xf32, #tpu.memory_space<hbm>> -> memref<632x128xf32, #tpu.memory_space<hbm>>
        tpu.wait_dma2 semaphore(%run_scoped3A : memref<!tpu.dma_semaphore, #tpu.memory_space<semaphore_mem>>) src(%dma_wait3A_221 : memref<632x128xf32, #tpu.memory_space<hbm>>) dst(%dma_wait3A_219 : memref<632x128xf32, #tpu.memory_space<vmem_shared>>)
        tpu.yield
      }) : () -> ()
    } else {
    }
    %eq3A = arith.constant 15 : i32
    %eq3A_3 = arith.cmpi eq, %arg1, %eq3A : i32
    %convert_element_type3A_4 = arith.extui %eq3A_3 : i1 to i32
    %cond3A_5 = arith.constant 0 : i32
    %cond3A_6 = arith.cmpi ne, %convert_element_type3A_4, %cond3A_5 : i32
    scf.if %cond3A_6 {
      "tpu.region"() ({
        %run_scoped3A = tpu.sem_alloc : memref<!tpu.dma_semaphore, #tpu.memory_space<semaphore_mem>>
        %dma_start3A_212 = arith.constant 9480 : i32
        %dma_start3A_213 = arith.constant 0 : i32
        %dma_start3A_214 = tpu.memref_slice %arg41[%dma_start3A_212, %dma_start3A_213] : memref<10000x128xf32, #tpu.memory_space<vmem_shared>> -> memref<520x128xf32, #tpu.memory_space<vmem_shared>>
        %dma_start3A_215 = arith.constant 9480 : i32
        %dma_start3A_216 = arith.constant 0 : i32
        %dma_start3A_217 = tpu.memref_slice %arg2[%dma_start3A_215, %dma_start3A_216] : memref<10000x128xf32, #tpu.memory_space<hbm>> -> memref<520x128xf32, #tpu.memory_space<hbm>>
        tpu.enqueue_dma source(%dma_start3A_217 : memref<520x128xf32, #tpu.memory_space<hbm>>) target(%dma_start3A_214 : memref<520x128xf32, #tpu.memory_space<vmem_shared>>) target_semaphore(%run_scoped3A : memref<!tpu.dma_semaphore, #tpu.memory_space<semaphore_mem>>)
        %dma_wait3A_218 = arith.constant 9480 : i32
        %dma_wait3A_219 = arith.constant 0 : i32
        %dma_wait3A_220 = tpu.memref_slice %arg41[%dma_wait3A_218, %dma_wait3A_219] : memref<10000x128xf32, #tpu.memory_space<vmem_shared>> -> memref<520x128xf32, #tpu.memory_space<vmem_shared>>
        %dma_wait3A_221 = arith.constant 9480 : i32
        %dma_wait3A_222 = arith.constant 0 : i32
        %dma_wait3A_223 = tpu.memref_slice %arg2[%dma_wait3A_221, %dma_wait3A_222] : memref<10000x128xf32, #tpu.memory_space<hbm>> -> memref<520x128xf32, #tpu.memory_space<hbm>>
        tpu.wait_dma2 semaphore(%run_scoped3A : memref<!tpu.dma_semaphore, #tpu.memory_space<semaphore_mem>>) src(%dma_wait3A_223 : memref<520x128xf32, #tpu.memory_space<hbm>>) dst(%dma_wait3A_220 : memref<520x128xf32, #tpu.memory_space<vmem_shared>>)
        tpu.yield
      }) : () -> ()
    } else {
    }
    %barrier3A = arith.constant 0 : index
    tpu.barrier barrier_id(%barrier3A)
    %dma_start3A = arith.constant 0 : i32
    %dma_start3A_7 = tpu.memref_slice %arg6[%dma_start3A] : memref<10000xi32, #tpu.memory_space<vmem>> -> memref<16xi32, #tpu.memory_space<vmem>>
    %dma_start3A_8 = arith.constant 0 : i32
    %dma_start3A_9 = arith.constant 0 : i32
    %dma_start3A_10 = tpu.memref_slice %arg2[%dma_start3A_8, %dma_start3A_9] : memref<10000x128xf32, #tpu.memory_space<hbm>> -> memref<10000x128xf32, #tpu.memory_space<hbm>>
    tpu.enqueue_indirect_dma source(%dma_start3A_10 : memref<10000x128xf32, #tpu.memory_space<hbm>>) target(%arg8 : memref<16x128xf32, #tpu.memory_space<vmem>>) offsets(%dma_start3A_7 : memref<16xi32, #tpu.memory_space<vmem>>) semaphore(%arg19 : memref<!tpu.dma_semaphore, #tpu.memory_space<semaphore_mem>>)
    %dma_start3A_11 = arith.constant 16 : i32
    %dma_start3A_12 = tpu.memref_slice %arg6[%dma_start3A_11] : memref<10000xi32, #tpu.memory_space<vmem>> -> memref<16xi32, #tpu.memory_space<vmem>>
    %dma_start3A_13 = arith.constant 0 : i32
    %dma_start3A_14 = arith.constant 0 : i32
    %dma_start3A_15 = tpu.memref_slice %arg2[%dma_start3A_13, %dma_start3A_14] : memref<10000x128xf32, #tpu.memory_space<hbm>> -> memref<10000x128xf32, #tpu.memory_space<hbm>>
    tpu.enqueue_indirect_dma source(%dma_start3A_15 : memref<10000x128xf32, #tpu.memory_space<hbm>>) target(%arg9 : memref<16x128xf32, #tpu.memory_space<vmem>>) offsets(%dma_start3A_12 : memref<16xi32, #tpu.memory_space<vmem>>) semaphore(%arg20 : memref<!tpu.dma_semaphore, #tpu.memory_space<semaphore_mem>>)
    %dma_start3A_16 = arith.constant 32 : i32
    %dma_start3A_17 = tpu.memref_slice %arg6[%dma_start3A_16] : memref<10000xi32, #tpu.memory_space<vmem>> -> memref<16xi32, #tpu.memory_space<vmem>>
    %dma_start3A_18 = arith.constant 0 : i32
    %dma_start3A_19 = arith.constant 0 : i32
    %dma_start3A_20 = tpu.memref_slice %arg2[%dma_start3A_18, %dma_start3A_19] : memref<10000x128xf32, #tpu.memory_space<hbm>> -> memref<10000x128xf32, #tpu.memory_space<hbm>>
    tpu.enqueue_indirect_dma source(%dma_start3A_20 : memref<10000x128xf32, #tpu.memory_space<hbm>>) target(%arg10 : memref<16x128xf32, #tpu.memory_space<vmem>>) offsets(%dma_start3A_17 : memref<16xi32, #tpu.memory_space<vmem>>) semaphore(%arg21 : memref<!tpu.dma_semaphore, #tpu.memory_space<semaphore_mem>>)
    %dma_start3A_21 = arith.constant 48 : i32
    %dma_start3A_22 = tpu.memref_slice %arg6[%dma_start3A_21] : memref<10000xi32, #tpu.memory_space<vmem>> -> memref<16xi32, #tpu.memory_space<vmem>>
    %dma_start3A_23 = arith.constant 0 : i32
    %dma_start3A_24 = arith.constant 0 : i32
    %dma_start3A_25 = tpu.memref_slice %arg2[%dma_start3A_23, %dma_start3A_24] : memref<10000x128xf32, #tpu.memory_space<hbm>> -> memref<10000x128xf32, #tpu.memory_space<hbm>>
    tpu.enqueue_indirect_dma source(%dma_start3A_25 : memref<10000x128xf32, #tpu.memory_space<hbm>>) target(%arg11 : memref<16x128xf32, #tpu.memory_space<vmem>>) offsets(%dma_start3A_22 : memref<16xi32, #tpu.memory_space<vmem>>) semaphore(%arg22 : memref<!tpu.dma_semaphore, #tpu.memory_space<semaphore_mem>>)
    %dma_start3A_26 = arith.constant 64 : i32
    %dma_start3A_27 = tpu.memref_slice %arg6[%dma_start3A_26] : memref<10000xi32, #tpu.memory_space<vmem>> -> memref<16xi32, #tpu.memory_space<vmem>>
    %dma_start3A_28 = arith.constant 0 : i32
    %dma_start3A_29 = arith.constant 0 : i32
    %dma_start3A_30 = tpu.memref_slice %arg2[%dma_start3A_28, %dma_start3A_29] : memref<10000x128xf32, #tpu.memory_space<hbm>> -> memref<10000x128xf32, #tpu.memory_space<hbm>>
    tpu.enqueue_indirect_dma source(%dma_start3A_30 : memref<10000x128xf32, #tpu.memory_space<hbm>>) target(%arg12 : memref<16x128xf32, #tpu.memory_space<vmem>>) offsets(%dma_start3A_27 : memref<16xi32, #tpu.memory_space<vmem>>) semaphore(%arg23 : memref<!tpu.dma_semaphore, #tpu.memory_space<semaphore_mem>>)
    %dma_start3A_31 = arith.constant 80 : i32
    %dma_start3A_32 = tpu.memref_slice %arg6[%dma_start3A_31] : memref<10000xi32, #tpu.memory_space<vmem>> -> memref<16xi32, #tpu.memory_space<vmem>>
    %dma_start3A_33 = arith.constant 0 : i32
    %dma_start3A_34 = arith.constant 0 : i32
    %dma_start3A_35 = tpu.memref_slice %arg2[%dma_start3A_33, %dma_start3A_34] : memref<10000x128xf32, #tpu.memory_space<hbm>> -> memref<10000x128xf32, #tpu.memory_space<hbm>>
    tpu.enqueue_indirect_dma source(%dma_start3A_35 : memref<10000x128xf32, #tpu.memory_space<hbm>>) target(%arg13 : memref<16x128xf32, #tpu.memory_space<vmem>>) offsets(%dma_start3A_32 : memref<16xi32, #tpu.memory_space<vmem>>) semaphore(%arg24 : memref<!tpu.dma_semaphore, #tpu.memory_space<semaphore_mem>>)
    %dma_start3A_36 = arith.constant 96 : i32
    %dma_start3A_37 = tpu.memref_slice %arg6[%dma_start3A_36] : memref<10000xi32, #tpu.memory_space<vmem>> -> memref<16xi32, #tpu.memory_space<vmem>>
    %dma_start3A_38 = arith.constant 0 : i32
    %dma_start3A_39 = arith.constant 0 : i32
    %dma_start3A_40 = tpu.memref_slice %arg2[%dma_start3A_38, %dma_start3A_39] : memref<10000x128xf32, #tpu.memory_space<hbm>> -> memref<10000x128xf32, #tpu.memory_space<hbm>>
    tpu.enqueue_indirect_dma source(%dma_start3A_40 : memref<10000x128xf32, #tpu.memory_space<hbm>>) target(%arg14 : memref<16x128xf32, #tpu.memory_space<vmem>>) offsets(%dma_start3A_37 : memref<16xi32, #tpu.memory_space<vmem>>) semaphore(%arg25 : memref<!tpu.dma_semaphore, #tpu.memory_space<semaphore_mem>>)
    %dma_start3A_41 = arith.constant 112 : i32
    %dma_start3A_42 = tpu.memref_slice %arg6[%dma_start3A_41] : memref<10000xi32, #tpu.memory_space<vmem>> -> memref<16xi32, #tpu.memory_space<vmem>>
    %dma_start3A_43 = arith.constant 0 : i32
    %dma_start3A_44 = arith.constant 0 : i32
    %dma_start3A_45 = tpu.memref_slice %arg2[%dma_start3A_43, %dma_start3A_44] : memref<10000x128xf32, #tpu.memory_space<hbm>> -> memref<10000x128xf32, #tpu.memory_space<hbm>>
    tpu.enqueue_indirect_dma source(%dma_start3A_45 : memref<10000x128xf32, #tpu.memory_space<hbm>>) target(%arg15 : memref<16x128xf32, #tpu.memory_space<vmem>>) offsets(%dma_start3A_42 : memref<16xi32, #tpu.memory_space<vmem>>) semaphore(%arg26 : memref<!tpu.dma_semaphore, #tpu.memory_space<semaphore_mem>>)
    %dma_start3A_46 = arith.constant 128 : i32
    %dma_start3A_47 = tpu.memref_slice %arg6[%dma_start3A_46] : memref<10000xi32, #tpu.memory_space<vmem>> -> memref<16xi32, #tpu.memory_space<vmem>>
    %dma_start3A_48 = arith.constant 0 : i32
    %dma_start3A_49 = arith.constant 0 : i32
    %dma_start3A_50 = tpu.memref_slice %arg2[%dma_start3A_48, %dma_start3A_49] : memref<10000x128xf32, #tpu.memory_space<hbm>> -> memref<10000x128xf32, #tpu.memory_space<hbm>>
    tpu.enqueue_indirect_dma source(%dma_start3A_50 : memref<10000x128xf32, #tpu.memory_space<hbm>>) target(%arg16 : memref<16x128xf32, #tpu.memory_space<vmem>>) offsets(%dma_start3A_47 : memref<16xi32, #tpu.memory_space<vmem>>) semaphore(%arg27 : memref<!tpu.dma_semaphore, #tpu.memory_space<semaphore_mem>>)
    %scan3A = arith.constant 0 : i32
    %scan3A_51 = arith.constant 0 : i32
    %scan3A_52 = arith.constant 56 : i32
    %scan3A_53 = arith.addi %scan3A_51, %scan3A_52 : i32
    %scan3A_54 = arith.constant 1 : i32
    %scan3A_55 = scf.for %scan3A_212 = %scan3A_51 to %scan3A_53 step %scan3A_54 iter_args(%scan3A_213 = %scan3A) -> (i32)  : i32 {
      %mul3A_214 = arith.constant 11 : i32
      %mul3A_215 = arith.muli %mul3A_214, %scan3A_212 : i32
      %add3A_216 = arith.constant 0 : i32
      %add3A_217 = arith.addi %mul3A_215, %add3A_216 : i32
      %mul3A_218 = arith.constant 16 : i32
      %mul3A_219 = arith.muli %add3A_217, %mul3A_218 : i32
      %dma_wait3A_220 = tpu.memref_slice %arg6[%mul3A_219] : memref<10000xi32, #tpu.memory_space<vmem>> -> memref<16xi32, #tpu.memory_space<vmem>>
      %dma_wait3A_221 = arith.constant 0 : i32
      %dma_wait3A_222 = arith.constant 0 : i32
      %dma_wait3A_223 = tpu.memref_slice %arg2[%dma_wait3A_221, %dma_wait3A_222] : memref<10000x128xf32, #tpu.memory_space<hbm>> -> memref<10000x128xf32, #tpu.memory_space<hbm>>
      tpu.wait_indirect_dma semaphore(%arg19 : memref<!tpu.dma_semaphore, #tpu.memory_space<semaphore_mem>>) src(%dma_wait3A_223 : memref<10000x128xf32, #tpu.memory_space<hbm>>) dst(%arg8 : memref<16x128xf32, #tpu.memory_space<vmem>>)
      %mul3A_224 = arith.constant 16 : i32
      %mul3A_225 = arith.muli %add3A_217, %mul3A_224 : i32
      %dma_start3A_226 = tpu.memref_slice %arg7[%mul3A_225] : memref<10000xi32, #tpu.memory_space<vmem>> -> memref<16xi32, #tpu.memory_space<vmem>>
      %dma_start3A_227 = arith.constant 0 : i32
      %dma_start3A_228 = arith.constant 0 : i32
      %dma_start3A_229 = tpu.memref_slice %arg41[%dma_start3A_227, %dma_start3A_228] : memref<10000x128xf32, #tpu.memory_space<vmem_shared>> -> memref<10000x128xf32, #tpu.memory_space<vmem_shared>>
      tpu.enqueue_indirect_dma source(%arg8 : memref<16x128xf32, #tpu.memory_space<vmem>>) target(%dma_start3A_229 : memref<10000x128xf32, #tpu.memory_space<vmem_shared>>) offsets(%dma_start3A_226 : memref<16xi32, #tpu.memory_space<vmem>>) semaphore(%arg30 : memref<!tpu.dma_semaphore, #tpu.memory_space<semaphore_mem>>) {add = true}
      %gt3A = arith.constant 0 : i32
      %gt3A_230 = arith.cmpi sgt, %scan3A_212, %gt3A : i32
      %convert_element_type3A_231 = arith.extui %gt3A_230 : i1 to i32
      %cond3A_232 = arith.constant 0 : i32
      %cond3A_233 = arith.cmpi ne, %convert_element_type3A_231, %cond3A_232 : i32
      scf.if %cond3A_233 {
        %add3A_557 = arith.constant 9 : i32
        %add3A_558 = arith.addi %add3A_217, %add3A_557 : i32
        %sub3A_559 = arith.constant 11 : i32
        %sub3A_560 = arith.subi %add3A_558, %sub3A_559 : i32
        %mul3A_561 = arith.constant 16 : i32
        %mul3A_562 = arith.muli %sub3A_560, %mul3A_561 : i32
        %dma_wait3A_563 = tpu.memref_slice %arg7[%mul3A_562] : memref<10000xi32, #tpu.memory_space<vmem>> -> memref<16xi32, #tpu.memory_space<vmem>>
        %dma_wait3A_564 = arith.constant 0 : i32
        %dma_wait3A_565 = arith.constant 0 : i32
        %dma_wait3A_566 = tpu.memref_slice %arg41[%dma_wait3A_564, %dma_wait3A_565] : memref<10000x128xf32, #tpu.memory_space<vmem_shared>> -> memref<10000x128xf32, #tpu.memory_space<vmem_shared>>
        tpu.wait_indirect_dma semaphore(%arg39 : memref<!tpu.dma_semaphore, #tpu.memory_space<semaphore_mem>>) src(%arg17 : memref<16x128xf32, #tpu.memory_space<vmem>>) dst(%dma_wait3A_566 : memref<10000x128xf32, #tpu.memory_space<vmem_shared>>)
      } else {
      }
      %add3A_234 = arith.constant 9 : i32
      %add3A_235 = arith.addi %add3A_217, %add3A_234 : i32
      %mul3A_236 = arith.constant 16 : i32
      %mul3A_237 = arith.muli %add3A_235, %mul3A_236 : i32
      %dma_start3A_238 = tpu.memref_slice %arg6[%mul3A_237] : memref<10000xi32, #tpu.memory_space<vmem>> -> memref<16xi32, #tpu.memory_space<vmem>>
      %dma_start3A_239 = arith.constant 0 : i32
      %dma_start3A_240 = arith.constant 0 : i32
      %dma_start3A_241 = tpu.memref_slice %arg2[%dma_start3A_239, %dma_start3A_240] : memref<10000x128xf32, #tpu.memory_space<hbm>> -> memref<10000x128xf32, #tpu.memory_space<hbm>>
      tpu.enqueue_indirect_dma source(%dma_start3A_241 : memref<10000x128xf32, #tpu.memory_space<hbm>>) target(%arg17 : memref<16x128xf32, #tpu.memory_space<vmem>>) offsets(%dma_start3A_238 : memref<16xi32, #tpu.memory_space<vmem>>) semaphore(%arg28 : memref<!tpu.dma_semaphore, #tpu.memory_space<semaphore_mem>>)
      %add3A_242 = arith.constant 1 : i32
      %add3A_243 = arith.addi %mul3A_215, %add3A_242 : i32
      %mul3A_244 = arith.constant 16 : i32
      %mul3A_245 = arith.muli %add3A_243, %mul3A_244 : i32
      %dma_wait3A_246 = tpu.memref_slice %arg6[%mul3A_245] : memref<10000xi32, #tpu.memory_space<vmem>> -> memref<16xi32, #tpu.memory_space<vmem>>
      %dma_wait3A_247 = arith.constant 0 : i32
      %dma_wait3A_248 = arith.constant 0 : i32
      %dma_wait3A_249 = tpu.memref_slice %arg2[%dma_wait3A_247, %dma_wait3A_248] : memref<10000x128xf32, #tpu.memory_space<hbm>> -> memref<10000x128xf32, #tpu.memory_space<hbm>>
      tpu.wait_indirect_dma semaphore(%arg20 : memref<!tpu.dma_semaphore, #tpu.memory_space<semaphore_mem>>) src(%dma_wait3A_249 : memref<10000x128xf32, #tpu.memory_space<hbm>>) dst(%arg9 : memref<16x128xf32, #tpu.memory_space<vmem>>)
      %mul3A_250 = arith.constant 16 : i32
      %mul3A_251 = arith.muli %add3A_243, %mul3A_250 : i32
      %dma_start3A_252 = tpu.memref_slice %arg7[%mul3A_251] : memref<10000xi32, #tpu.memory_space<vmem>> -> memref<16xi32, #tpu.memory_space<vmem>>
      %dma_start3A_253 = arith.constant 0 : i32
      %dma_start3A_254 = arith.constant 0 : i32
      %dma_start3A_255 = tpu.memref_slice %arg41[%dma_start3A_253, %dma_start3A_254] : memref<10000x128xf32, #tpu.memory_space<vmem_shared>> -> memref<10000x128xf32, #tpu.memory_space<vmem_shared>>
      tpu.enqueue_indirect_dma source(%arg9 : memref<16x128xf32, #tpu.memory_space<vmem>>) target(%dma_start3A_255 : memref<10000x128xf32, #tpu.memory_space<vmem_shared>>) offsets(%dma_start3A_252 : memref<16xi32, #tpu.memory_space<vmem>>) semaphore(%arg31 : memref<!tpu.dma_semaphore, #tpu.memory_space<semaphore_mem>>) {add = true}
      %gt3A_256 = arith.constant 0 : i32
      %gt3A_257 = arith.cmpi sgt, %scan3A_212, %gt3A_256 : i32
      %convert_element_type3A_258 = arith.extui %gt3A_257 : i1 to i32
      %cond3A_259 = arith.constant 0 : i32
      %cond3A_260 = arith.cmpi ne, %convert_element_type3A_258, %cond3A_259 : i32
      scf.if %cond3A_260 {
        %add3A_557 = arith.constant 9 : i32
        %add3A_558 = arith.addi %add3A_243, %add3A_557 : i32
        %sub3A_559 = arith.constant 11 : i32
        %sub3A_560 = arith.subi %add3A_558, %sub3A_559 : i32
        %mul3A_561 = arith.constant 16 : i32
        %mul3A_562 = arith.muli %sub3A_560, %mul3A_561 : i32
        %dma_wait3A_563 = tpu.memref_slice %arg7[%mul3A_562] : memref<10000xi32, #tpu.memory_space<vmem>> -> memref<16xi32, #tpu.memory_space<vmem>>
        %dma_wait3A_564 = arith.constant 0 : i32
        %dma_wait3A_565 = arith.constant 0 : i32
        %dma_wait3A_566 = tpu.memref_slice %arg41[%dma_wait3A_564, %dma_wait3A_565] : memref<10000x128xf32, #tpu.memory_space<vmem_shared>> -> memref<10000x128xf32, #tpu.memory_space<vmem_shared>>
        tpu.wait_indirect_dma semaphore(%arg40 : memref<!tpu.dma_semaphore, #tpu.memory_space<semaphore_mem>>) src(%arg18 : memref<16x128xf32, #tpu.memory_space<vmem>>) dst(%dma_wait3A_566 : memref<10000x128xf32, #tpu.memory_space<vmem_shared>>)
      } else {
      }
      %add3A_261 = arith.constant 9 : i32
      %add3A_262 = arith.addi %add3A_243, %add3A_261 : i32
      %mul3A_263 = arith.constant 16 : i32
      %mul3A_264 = arith.muli %add3A_262, %mul3A_263 : i32
      %dma_start3A_265 = tpu.memref_slice %arg6[%mul3A_264] : memref<10000xi32, #tpu.memory_space<vmem>> -> memref<16xi32, #tpu.memory_space<vmem>>
      %dma_start3A_266 = arith.constant 0 : i32
      %dma_start3A_267 = arith.constant 0 : i32
      %dma_start3A_268 = tpu.memref_slice %arg2[%dma_start3A_266, %dma_start3A_267] : memref<10000x128xf32, #tpu.memory_space<hbm>> -> memref<10000x128xf32, #tpu.memory_space<hbm>>
      tpu.enqueue_indirect_dma source(%dma_start3A_268 : memref<10000x128xf32, #tpu.memory_space<hbm>>) target(%arg18 : memref<16x128xf32, #tpu.memory_space<vmem>>) offsets(%dma_start3A_265 : memref<16xi32, #tpu.memory_space<vmem>>) semaphore(%arg29 : memref<!tpu.dma_semaphore, #tpu.memory_space<semaphore_mem>>)
      %add3A_269 = arith.constant 2 : i32
      %add3A_270 = arith.addi %mul3A_215, %add3A_269 : i32
      %mul3A_271 = arith.constant 16 : i32
      %mul3A_272 = arith.muli %add3A_270, %mul3A_271 : i32
      %dma_wait3A_273 = tpu.memref_slice %arg6[%mul3A_272] : memref<10000xi32, #tpu.memory_space<vmem>> -> memref<16xi32, #tpu.memory_space<vmem>>
      %dma_wait3A_274 = arith.constant 0 : i32
      %dma_wait3A_275 = arith.constant 0 : i32
      %dma_wait3A_276 = tpu.memref_slice %arg2[%dma_wait3A_274, %dma_wait3A_275] : memref<10000x128xf32, #tpu.memory_space<hbm>> -> memref<10000x128xf32, #tpu.memory_space<hbm>>
      tpu.wait_indirect_dma semaphore(%arg21 : memref<!tpu.dma_semaphore, #tpu.memory_space<semaphore_mem>>) src(%dma_wait3A_276 : memref<10000x128xf32, #tpu.memory_space<hbm>>) dst(%arg10 : memref<16x128xf32, #tpu.memory_space<vmem>>)
      %mul3A_277 = arith.constant 16 : i32
      %mul3A_278 = arith.muli %add3A_270, %mul3A_277 : i32
      %dma_start3A_279 = tpu.memref_slice %arg7[%mul3A_278] : memref<10000xi32, #tpu.memory_space<vmem>> -> memref<16xi32, #tpu.memory_space<vmem>>
      %dma_start3A_280 = arith.constant 0 : i32
      %dma_start3A_281 = arith.constant 0 : i32
      %dma_start3A_282 = tpu.memref_slice %arg41[%dma_start3A_280, %dma_start3A_281] : memref<10000x128xf32, #tpu.memory_space<vmem_shared>> -> memref<10000x128xf32, #tpu.memory_space<vmem_shared>>
      tpu.enqueue_indirect_dma source(%arg10 : memref<16x128xf32, #tpu.memory_space<vmem>>) target(%dma_start3A_282 : memref<10000x128xf32, #tpu.memory_space<vmem_shared>>) offsets(%dma_start3A_279 : memref<16xi32, #tpu.memory_space<vmem>>) semaphore(%arg32 : memref<!tpu.dma_semaphore, #tpu.memory_space<semaphore_mem>>) {add = true}
      %add3A_283 = arith.constant 9 : i32
      %add3A_284 = arith.addi %add3A_270, %add3A_283 : i32
      %sub3A = arith.constant 11 : i32
      %sub3A_285 = arith.subi %add3A_284, %sub3A : i32
      %mul3A_286 = arith.constant 16 : i32
      %mul3A_287 = arith.muli %sub3A_285, %mul3A_286 : i32
      %dma_wait3A_288 = tpu.memref_slice %arg7[%mul3A_287] : memref<10000xi32, #tpu.memory_space<vmem>> -> memref<16xi32, #tpu.memory_space<vmem>>
      %dma_wait3A_289 = arith.constant 0 : i32
      %dma_wait3A_290 = arith.constant 0 : i32
      %dma_wait3A_291 = tpu.memref_slice %arg41[%dma_wait3A_289, %dma_wait3A_290] : memref<10000x128xf32, #tpu.memory_space<vmem_shared>> -> memref<10000x128xf32, #tpu.memory_space<vmem_shared>>
      tpu.wait_indirect_dma semaphore(%arg30 : memref<!tpu.dma_semaphore, #tpu.memory_space<semaphore_mem>>) src(%arg8 : memref<16x128xf32, #tpu.memory_space<vmem>>) dst(%dma_wait3A_291 : memref<10000x128xf32, #tpu.memory_space<vmem_shared>>)
      %add3A_292 = arith.constant 9 : i32
      %add3A_293 = arith.addi %add3A_270, %add3A_292 : i32
      %mul3A_294 = arith.constant 16 : i32
      %mul3A_295 = arith.muli %add3A_293, %mul3A_294 : i32
      %dma_start3A_296 = tpu.memref_slice %arg6[%mul3A_295] : memref<10000xi32, #tpu.memory_space<vmem>> -> memref<16xi32, #tpu.memory_space<vmem>>
      %dma_start3A_297 = arith.constant 0 : i32
      %dma_start3A_298 = arith.constant 0 : i32
      %dma_start3A_299 = tpu.memref_slice %arg2[%dma_start3A_297, %dma_start3A_298] : memref<10000x128xf32, #tpu.memory_space<hbm>> -> memref<10000x128xf32, #tpu.memory_space<hbm>>
      tpu.enqueue_indirect_dma source(%dma_start3A_299 : memref<10000x128xf32, #tpu.memory_space<hbm>>) target(%arg8 : memref<16x128xf32, #tpu.memory_space<vmem>>) offsets(%dma_start3A_296 : memref<16xi32, #tpu.memory_space<vmem>>) semaphore(%arg19 : memref<!tpu.dma_semaphore, #tpu.memory_space<semaphore_mem>>)
      %add3A_300 = arith.constant 3 : i32
      %add3A_301 = arith.addi %mul3A_215, %add3A_300 : i32
      %mul3A_302 = arith.constant 16 : i32
      %mul3A_303 = arith.muli %add3A_301, %mul3A_302 : i32
      %dma_wait3A_304 = tpu.memref_slice %arg6[%mul3A_303] : memref<10000xi32, #tpu.memory_space<vmem>> -> memref<16xi32, #tpu.memory_space<vmem>>
      %dma_wait3A_305 = arith.constant 0 : i32
      %dma_wait3A_306 = arith.constant 0 : i32
      %dma_wait3A_307 = tpu.memref_slice %arg2[%dma_wait3A_305, %dma_wait3A_306] : memref<10000x128xf32, #tpu.memory_space<hbm>> -> memref<10000x128xf32, #tpu.memory_space<hbm>>
      tpu.wait_indirect_dma semaphore(%arg22 : memref<!tpu.dma_semaphore, #tpu.memory_space<semaphore_mem>>) src(%dma_wait3A_307 : memref<10000x128xf32, #tpu.memory_space<hbm>>) dst(%arg11 : memref<16x128xf32, #tpu.memory_space<vmem>>)
      %mul3A_308 = arith.constant 16 : i32
      %mul3A_309 = arith.muli %add3A_301, %mul3A_308 : i32
      %dma_start3A_310 = tpu.memref_slice %arg7[%mul3A_309] : memref<10000xi32, #tpu.memory_space<vmem>> -> memref<16xi32, #tpu.memory_space<vmem>>
      %dma_start3A_311 = arith.constant 0 : i32
      %dma_start3A_312 = arith.constant 0 : i32
      %dma_start3A_313 = tpu.memref_slice %arg41[%dma_start3A_311, %dma_start3A_312] : memref<10000x128xf32, #tpu.memory_space<vmem_shared>> -> memref<10000x128xf32, #tpu.memory_space<vmem_shared>>
      tpu.enqueue_indirect_dma source(%arg11 : memref<16x128xf32, #tpu.memory_space<vmem>>) target(%dma_start3A_313 : memref<10000x128xf32, #tpu.memory_space<vmem_shared>>) offsets(%dma_start3A_310 : memref<16xi32, #tpu.memory_space<vmem>>) semaphore(%arg33 : memref<!tpu.dma_semaphore, #tpu.memory_space<semaphore_mem>>) {add = true}
      %add3A_314 = arith.constant 9 : i32
      %add3A_315 = arith.addi %add3A_301, %add3A_314 : i32
      %sub3A_316 = arith.constant 11 : i32
      %sub3A_317 = arith.subi %add3A_315, %sub3A_316 : i32
      %mul3A_318 = arith.constant 16 : i32
      %mul3A_319 = arith.muli %sub3A_317, %mul3A_318 : i32
      %dma_wait3A_320 = tpu.memref_slice %arg7[%mul3A_319] : memref<10000xi32, #tpu.memory_space<vmem>> -> memref<16xi32, #tpu.memory_space<vmem>>
      %dma_wait3A_321 = arith.constant 0 : i32
      %dma_wait3A_322 = arith.constant 0 : i32
      %dma_wait3A_323 = tpu.memref_slice %arg41[%dma_wait3A_321, %dma_wait3A_322] : memref<10000x128xf32, #tpu.memory_space<vmem_shared>> -> memref<10000x128xf32, #tpu.memory_space<vmem_shared>>
      tpu.wait_indirect_dma semaphore(%arg31 : memref<!tpu.dma_semaphore, #tpu.memory_space<semaphore_mem>>) src(%arg9 : memref<16x128xf32, #tpu.memory_space<vmem>>) dst(%dma_wait3A_323 : memref<10000x128xf32, #tpu.memory_space<vmem_shared>>)
      %add3A_324 = arith.constant 9 : i32
      %add3A_325 = arith.addi %add3A_301, %add3A_324 : i32
      %mul3A_326 = arith.constant 16 : i32
      %mul3A_327 = arith.muli %add3A_325, %mul3A_326 : i32
      %dma_start3A_328 = tpu.memref_slice %arg6[%mul3A_327] : memref<10000xi32, #tpu.memory_space<vmem>> -> memref<16xi32, #tpu.memory_space<vmem>>
      %dma_start3A_329 = arith.constant 0 : i32
      %dma_start3A_330 = arith.constant 0 : i32
      %dma_start3A_331 = tpu.memref_slice %arg2[%dma_start3A_329, %dma_start3A_330] : memref<10000x128xf32, #tpu.memory_space<hbm>> -> memref<10000x128xf32, #tpu.memory_space<hbm>>
      tpu.enqueue_indirect_dma source(%dma_start3A_331 : memref<10000x128xf32, #tpu.memory_space<hbm>>) target(%arg9 : memref<16x128xf32, #tpu.memory_space<vmem>>) offsets(%dma_start3A_328 : memref<16xi32, #tpu.memory_space<vmem>>) semaphore(%arg20 : memref<!tpu.dma_semaphore, #tpu.memory_space<semaphore_mem>>)
      %add3A_332 = arith.constant 4 : i32
      %add3A_333 = arith.addi %mul3A_215, %add3A_332 : i32
      %mul3A_334 = arith.constant 16 : i32
      %mul3A_335 = arith.muli %add3A_333, %mul3A_334 : i32
      %dma_wait3A_336 = tpu.memref_slice %arg6[%mul3A_335] : memref<10000xi32, #tpu.memory_space<vmem>> -> memref<16xi32, #tpu.memory_space<vmem>>
      %dma_wait3A_337 = arith.constant 0 : i32
      %dma_wait3A_338 = arith.constant 0 : i32
      %dma_wait3A_339 = tpu.memref_slice %arg2[%dma_wait3A_337, %dma_wait3A_338] : memref<10000x128xf32, #tpu.memory_space<hbm>> -> memref<10000x128xf32, #tpu.memory_space<hbm>>
      tpu.wait_indirect_dma semaphore(%arg23 : memref<!tpu.dma_semaphore, #tpu.memory_space<semaphore_mem>>) src(%dma_wait3A_339 : memref<10000x128xf32, #tpu.memory_space<hbm>>) dst(%arg12 : memref<16x128xf32, #tpu.memory_space<vmem>>)
      %mul3A_340 = arith.constant 16 : i32
      %mul3A_341 = arith.muli %add3A_333, %mul3A_340 : i32
      %dma_start3A_342 = tpu.memref_slice %arg7[%mul3A_341] : memref<10000xi32, #tpu.memory_space<vmem>> -> memref<16xi32, #tpu.memory_space<vmem>>
      %dma_start3A_343 = arith.constant 0 : i32
      %dma_start3A_344 = arith.constant 0 : i32
      %dma_start3A_345 = tpu.memref_slice %arg41[%dma_start3A_343, %dma_start3A_344] : memref<10000x128xf32, #tpu.memory_space<vmem_shared>> -> memref<10000x128xf32, #tpu.memory_space<vmem_shared>>
      tpu.enqueue_indirect_dma source(%arg12 : memref<16x128xf32, #tpu.memory_space<vmem>>) target(%dma_start3A_345 : memref<10000x128xf32, #tpu.memory_space<vmem_shared>>) offsets(%dma_start3A_342 : memref<16xi32, #tpu.memory_space<vmem>>) semaphore(%arg34 : memref<!tpu.dma_semaphore, #tpu.memory_space<semaphore_mem>>) {add = true}
      %add3A_346 = arith.constant 9 : i32
      %add3A_347 = arith.addi %add3A_333, %add3A_346 : i32
      %sub3A_348 = arith.constant 11 : i32
      %sub3A_349 = arith.subi %add3A_347, %sub3A_348 : i32
      %mul3A_350 = arith.constant 16 : i32
      %mul3A_351 = arith.muli %sub3A_349, %mul3A_350 : i32
      %dma_wait3A_352 = tpu.memref_slice %arg7[%mul3A_351] : memref<10000xi32, #tpu.memory_space<vmem>> -> memref<16xi32, #tpu.memory_space<vmem>>
      %dma_wait3A_353 = arith.constant 0 : i32
      %dma_wait3A_354 = arith.constant 0 : i32
      %dma_wait3A_355 = tpu.memref_slice %arg41[%dma_wait3A_353, %dma_wait3A_354] : memref<10000x128xf32, #tpu.memory_space<vmem_shared>> -> memref<10000x128xf32, #tpu.memory_space<vmem_shared>>
      tpu.wait_indirect_dma semaphore(%arg32 : memref<!tpu.dma_semaphore, #tpu.memory_space<semaphore_mem>>) src(%arg10 : memref<16x128xf32, #tpu.memory_space<vmem>>) dst(%dma_wait3A_355 : memref<10000x128xf32, #tpu.memory_space<vmem_shared>>)
      %add3A_356 = arith.constant 9 : i32
      %add3A_357 = arith.addi %add3A_333, %add3A_356 : i32
      %mul3A_358 = arith.constant 16 : i32
      %mul3A_359 = arith.muli %add3A_357, %mul3A_358 : i32
      %dma_start3A_360 = tpu.memref_slice %arg6[%mul3A_359] : memref<10000xi32, #tpu.memory_space<vmem>> -> memref<16xi32, #tpu.memory_space<vmem>>
      %dma_start3A_361 = arith.constant 0 : i32
      %dma_start3A_362 = arith.constant 0 : i32
      %dma_start3A_363 = tpu.memref_slice %arg2[%dma_start3A_361, %dma_start3A_362] : memref<10000x128xf32, #tpu.memory_space<hbm>> -> memref<10000x128xf32, #tpu.memory_space<hbm>>
      tpu.enqueue_indirect_dma source(%dma_start3A_363 : memref<10000x128xf32, #tpu.memory_space<hbm>>) target(%arg10 : memref<16x128xf32, #tpu.memory_space<vmem>>) offsets(%dma_start3A_360 : memref<16xi32, #tpu.memory_space<vmem>>) semaphore(%arg21 : memref<!tpu.dma_semaphore, #tpu.memory_space<semaphore_mem>>)
      %add3A_364 = arith.constant 5 : i32
      %add3A_365 = arith.addi %mul3A_215, %add3A_364 : i32
      %mul3A_366 = arith.constant 16 : i32
      %mul3A_367 = arith.muli %add3A_365, %mul3A_366 : i32
      %dma_wait3A_368 = tpu.memref_slice %arg6[%mul3A_367] : memref<10000xi32, #tpu.memory_space<vmem>> -> memref<16xi32, #tpu.memory_space<vmem>>
      %dma_wait3A_369 = arith.constant 0 : i32
      %dma_wait3A_370 = arith.constant 0 : i32
      %dma_wait3A_371 = tpu.memref_slice %arg2[%dma_wait3A_369, %dma_wait3A_370] : memref<10000x128xf32, #tpu.memory_space<hbm>> -> memref<10000x128xf32, #tpu.memory_space<hbm>>
      tpu.wait_indirect_dma semaphore(%arg24 : memref<!tpu.dma_semaphore, #tpu.memory_space<semaphore_mem>>) src(%dma_wait3A_371 : memref<10000x128xf32, #tpu.memory_space<hbm>>) dst(%arg13 : memref<16x128xf32, #tpu.memory_space<vmem>>)
      %mul3A_372 = arith.constant 16 : i32
      %mul3A_373 = arith.muli %add3A_365, %mul3A_372 : i32
      %dma_start3A_374 = tpu.memref_slice %arg7[%mul3A_373] : memref<10000xi32, #tpu.memory_space<vmem>> -> memref<16xi32, #tpu.memory_space<vmem>>
      %dma_start3A_375 = arith.constant 0 : i32
      %dma_start3A_376 = arith.constant 0 : i32
      %dma_start3A_377 = tpu.memref_slice %arg41[%dma_start3A_375, %dma_start3A_376] : memref<10000x128xf32, #tpu.memory_space<vmem_shared>> -> memref<10000x128xf32, #tpu.memory_space<vmem_shared>>
      tpu.enqueue_indirect_dma source(%arg13 : memref<16x128xf32, #tpu.memory_space<vmem>>) target(%dma_start3A_377 : memref<10000x128xf32, #tpu.memory_space<vmem_shared>>) offsets(%dma_start3A_374 : memref<16xi32, #tpu.memory_space<vmem>>) semaphore(%arg35 : memref<!tpu.dma_semaphore, #tpu.memory_space<semaphore_mem>>) {add = true}
      %add3A_378 = arith.constant 9 : i32
      %add3A_379 = arith.addi %add3A_365, %add3A_378 : i32
      %sub3A_380 = arith.constant 11 : i32
      %sub3A_381 = arith.subi %add3A_379, %sub3A_380 : i32
      %mul3A_382 = arith.constant 16 : i32
      %mul3A_383 = arith.muli %sub3A_381, %mul3A_382 : i32
      %dma_wait3A_384 = tpu.memref_slice %arg7[%mul3A_383] : memref<10000xi32, #tpu.memory_space<vmem>> -> memref<16xi32, #tpu.memory_space<vmem>>
      %dma_wait3A_385 = arith.constant 0 : i32
      %dma_wait3A_386 = arith.constant 0 : i32
      %dma_wait3A_387 = tpu.memref_slice %arg41[%dma_wait3A_385, %dma_wait3A_386] : memref<10000x128xf32, #tpu.memory_space<vmem_shared>> -> memref<10000x128xf32, #tpu.memory_space<vmem_shared>>
      tpu.wait_indirect_dma semaphore(%arg33 : memref<!tpu.dma_semaphore, #tpu.memory_space<semaphore_mem>>) src(%arg11 : memref<16x128xf32, #tpu.memory_space<vmem>>) dst(%dma_wait3A_387 : memref<10000x128xf32, #tpu.memory_space<vmem_shared>>)
      %add3A_388 = arith.constant 9 : i32
      %add3A_389 = arith.addi %add3A_365, %add3A_388 : i32
      %mul3A_390 = arith.constant 16 : i32
      %mul3A_391 = arith.muli %add3A_389, %mul3A_390 : i32
      %dma_start3A_392 = tpu.memref_slice %arg6[%mul3A_391] : memref<10000xi32, #tpu.memory_space<vmem>> -> memref<16xi32, #tpu.memory_space<vmem>>
      %dma_start3A_393 = arith.constant 0 : i32
      %dma_start3A_394 = arith.constant 0 : i32
      %dma_start3A_395 = tpu.memref_slice %arg2[%dma_start3A_393, %dma_start3A_394] : memref<10000x128xf32, #tpu.memory_space<hbm>> -> memref<10000x128xf32, #tpu.memory_space<hbm>>
      tpu.enqueue_indirect_dma source(%dma_start3A_395 : memref<10000x128xf32, #tpu.memory_space<hbm>>) target(%arg11 : memref<16x128xf32, #tpu.memory_space<vmem>>) offsets(%dma_start3A_392 : memref<16xi32, #tpu.memory_space<vmem>>) semaphore(%arg22 : memref<!tpu.dma_semaphore, #tpu.memory_space<semaphore_mem>>)
      %add3A_396 = arith.constant 6 : i32
      %add3A_397 = arith.addi %mul3A_215, %add3A_396 : i32
      %mul3A_398 = arith.constant 16 : i32
      %mul3A_399 = arith.muli %add3A_397, %mul3A_398 : i32
      %dma_wait3A_400 = tpu.memref_slice %arg6[%mul3A_399] : memref<10000xi32, #tpu.memory_space<vmem>> -> memref<16xi32, #tpu.memory_space<vmem>>
      %dma_wait3A_401 = arith.constant 0 : i32
      %dma_wait3A_402 = arith.constant 0 : i32
      %dma_wait3A_403 = tpu.memref_slice %arg2[%dma_wait3A_401, %dma_wait3A_402] : memref<10000x128xf32, #tpu.memory_space<hbm>> -> memref<10000x128xf32, #tpu.memory_space<hbm>>
      tpu.wait_indirect_dma semaphore(%arg25 : memref<!tpu.dma_semaphore, #tpu.memory_space<semaphore_mem>>) src(%dma_wait3A_403 : memref<10000x128xf32, #tpu.memory_space<hbm>>) dst(%arg14 : memref<16x128xf32, #tpu.memory_space<vmem>>)
      %mul3A_404 = arith.constant 16 : i32
      %mul3A_405 = arith.muli %add3A_397, %mul3A_404 : i32
      %dma_start3A_406 = tpu.memref_slice %arg7[%mul3A_405] : memref<10000xi32, #tpu.memory_space<vmem>> -> memref<16xi32, #tpu.memory_space<vmem>>
      %dma_start3A_407 = arith.constant 0 : i32
      %dma_start3A_408 = arith.constant 0 : i32
      %dma_start3A_409 = tpu.memref_slice %arg41[%dma_start3A_407, %dma_start3A_408] : memref<10000x128xf32, #tpu.memory_space<vmem_shared>> -> memref<10000x128xf32, #tpu.memory_space<vmem_shared>>
      tpu.enqueue_indirect_dma source(%arg14 : memref<16x128xf32, #tpu.memory_space<vmem>>) target(%dma_start3A_409 : memref<10000x128xf32, #tpu.memory_space<vmem_shared>>) offsets(%dma_start3A_406 : memref<16xi32, #tpu.memory_space<vmem>>) semaphore(%arg36 : memref<!tpu.dma_semaphore, #tpu.memory_space<semaphore_mem>>) {add = true}
      %add3A_410 = arith.constant 9 : i32
      %add3A_411 = arith.addi %add3A_397, %add3A_410 : i32
      %sub3A_412 = arith.constant 11 : i32
      %sub3A_413 = arith.subi %add3A_411, %sub3A_412 : i32
      %mul3A_414 = arith.constant 16 : i32
      %mul3A_415 = arith.muli %sub3A_413, %mul3A_414 : i32
      %dma_wait3A_416 = tpu.memref_slice %arg7[%mul3A_415] : memref<10000xi32, #tpu.memory_space<vmem>> -> memref<16xi32, #tpu.memory_space<vmem>>
      %dma_wait3A_417 = arith.constant 0 : i32
      %dma_wait3A_418 = arith.constant 0 : i32
      %dma_wait3A_419 = tpu.memref_slice %arg41[%dma_wait3A_417, %dma_wait3A_418] : memref<10000x128xf32, #tpu.memory_space<vmem_shared>> -> memref<10000x128xf32, #tpu.memory_space<vmem_shared>>
      tpu.wait_indirect_dma semaphore(%arg34 : memref<!tpu.dma_semaphore, #tpu.memory_space<semaphore_mem>>) src(%arg12 : memref<16x128xf32, #tpu.memory_space<vmem>>) dst(%dma_wait3A_419 : memref<10000x128xf32, #tpu.memory_space<vmem_shared>>)
      %add3A_420 = arith.constant 9 : i32
      %add3A_421 = arith.addi %add3A_397, %add3A_420 : i32
      %mul3A_422 = arith.constant 16 : i32
      %mul3A_423 = arith.muli %add3A_421, %mul3A_422 : i32
      %dma_start3A_424 = tpu.memref_slice %arg6[%mul3A_423] : memref<10000xi32, #tpu.memory_space<vmem>> -> memref<16xi32, #tpu.memory_space<vmem>>
      %dma_start3A_425 = arith.constant 0 : i32
      %dma_start3A_426 = arith.constant 0 : i32
      %dma_start3A_427 = tpu.memref_slice %arg2[%dma_start3A_425, %dma_start3A_426] : memref<10000x128xf32, #tpu.memory_space<hbm>> -> memref<10000x128xf32, #tpu.memory_space<hbm>>
      tpu.enqueue_indirect_dma source(%dma_start3A_427 : memref<10000x128xf32, #tpu.memory_space<hbm>>) target(%arg12 : memref<16x128xf32, #tpu.memory_space<vmem>>) offsets(%dma_start3A_424 : memref<16xi32, #tpu.memory_space<vmem>>) semaphore(%arg23 : memref<!tpu.dma_semaphore, #tpu.memory_space<semaphore_mem>>)
      %add3A_428 = arith.constant 7 : i32
      %add3A_429 = arith.addi %mul3A_215, %add3A_428 : i32
      %mul3A_430 = arith.constant 16 : i32
      %mul3A_431 = arith.muli %add3A_429, %mul3A_430 : i32
      %dma_wait3A_432 = tpu.memref_slice %arg6[%mul3A_431] : memref<10000xi32, #tpu.memory_space<vmem>> -> memref<16xi32, #tpu.memory_space<vmem>>
      %dma_wait3A_433 = arith.constant 0 : i32
      %dma_wait3A_434 = arith.constant 0 : i32
      %dma_wait3A_435 = tpu.memref_slice %arg2[%dma_wait3A_433, %dma_wait3A_434] : memref<10000x128xf32, #tpu.memory_space<hbm>> -> memref<10000x128xf32, #tpu.memory_space<hbm>>
      tpu.wait_indirect_dma semaphore(%arg26 : memref<!tpu.dma_semaphore, #tpu.memory_space<semaphore_mem>>) src(%dma_wait3A_435 : memref<10000x128xf32, #tpu.memory_space<hbm>>) dst(%arg15 : memref<16x128xf32, #tpu.memory_space<vmem>>)
      %mul3A_436 = arith.constant 16 : i32
      %mul3A_437 = arith.muli %add3A_429, %mul3A_436 : i32
      %dma_start3A_438 = tpu.memref_slice %arg7[%mul3A_437] : memref<10000xi32, #tpu.memory_space<vmem>> -> memref<16xi32, #tpu.memory_space<vmem>>
      %dma_start3A_439 = arith.constant 0 : i32
      %dma_start3A_440 = arith.constant 0 : i32
      %dma_start3A_441 = tpu.memref_slice %arg41[%dma_start3A_439, %dma_start3A_440] : memref<10000x128xf32, #tpu.memory_space<vmem_shared>> -> memref<10000x128xf32, #tpu.memory_space<vmem_shared>>
      tpu.enqueue_indirect_dma source(%arg15 : memref<16x128xf32, #tpu.memory_space<vmem>>) target(%dma_start3A_441 : memref<10000x128xf32, #tpu.memory_space<vmem_shared>>) offsets(%dma_start3A_438 : memref<16xi32, #tpu.memory_space<vmem>>) semaphore(%arg37 : memref<!tpu.dma_semaphore, #tpu.memory_space<semaphore_mem>>) {add = true}
      %add3A_442 = arith.constant 9 : i32
      %add3A_443 = arith.addi %add3A_429, %add3A_442 : i32
      %sub3A_444 = arith.constant 11 : i32
      %sub3A_445 = arith.subi %add3A_443, %sub3A_444 : i32
      %mul3A_446 = arith.constant 16 : i32
      %mul3A_447 = arith.muli %sub3A_445, %mul3A_446 : i32
      %dma_wait3A_448 = tpu.memref_slice %arg7[%mul3A_447] : memref<10000xi32, #tpu.memory_space<vmem>> -> memref<16xi32, #tpu.memory_space<vmem>>
      %dma_wait3A_449 = arith.constant 0 : i32
      %dma_wait3A_450 = arith.constant 0 : i32
      %dma_wait3A_451 = tpu.memref_slice %arg41[%dma_wait3A_449, %dma_wait3A_450] : memref<10000x128xf32, #tpu.memory_space<vmem_shared>> -> memref<10000x128xf32, #tpu.memory_space<vmem_shared>>
      tpu.wait_indirect_dma semaphore(%arg35 : memref<!tpu.dma_semaphore, #tpu.memory_space<semaphore_mem>>) src(%arg13 : memref<16x128xf32, #tpu.memory_space<vmem>>) dst(%dma_wait3A_451 : memref<10000x128xf32, #tpu.memory_space<vmem_shared>>)
      %add3A_452 = arith.constant 9 : i32
      %add3A_453 = arith.addi %add3A_429, %add3A_452 : i32
      %mul3A_454 = arith.constant 16 : i32
      %mul3A_455 = arith.muli %add3A_453, %mul3A_454 : i32
      %dma_start3A_456 = tpu.memref_slice %arg6[%mul3A_455] : memref<10000xi32, #tpu.memory_space<vmem>> -> memref<16xi32, #tpu.memory_space<vmem>>
      %dma_start3A_457 = arith.constant 0 : i32
      %dma_start3A_458 = arith.constant 0 : i32
      %dma_start3A_459 = tpu.memref_slice %arg2[%dma_start3A_457, %dma_start3A_458] : memref<10000x128xf32, #tpu.memory_space<hbm>> -> memref<10000x128xf32, #tpu.memory_space<hbm>>
      tpu.enqueue_indirect_dma source(%dma_start3A_459 : memref<10000x128xf32, #tpu.memory_space<hbm>>) target(%arg13 : memref<16x128xf32, #tpu.memory_space<vmem>>) offsets(%dma_start3A_456 : memref<16xi32, #tpu.memory_space<vmem>>) semaphore(%arg24 : memref<!tpu.dma_semaphore, #tpu.memory_space<semaphore_mem>>)
      %add3A_460 = arith.constant 8 : i32
      %add3A_461 = arith.addi %mul3A_215, %add3A_460 : i32
      %mul3A_462 = arith.constant 16 : i32
      %mul3A_463 = arith.muli %add3A_461, %mul3A_462 : i32
      %dma_wait3A_464 = tpu.memref_slice %arg6[%mul3A_463] : memref<10000xi32, #tpu.memory_space<vmem>> -> memref<16xi32, #tpu.memory_space<vmem>>
      %dma_wait3A_465 = arith.constant 0 : i32
      %dma_wait3A_466 = arith.constant 0 : i32
      %dma_wait3A_467 = tpu.memref_slice %arg2[%dma_wait3A_465, %dma_wait3A_466] : memref<10000x128xf32, #tpu.memory_space<hbm>> -> memref<10000x128xf32, #tpu.memory_space<hbm>>
      tpu.wait_indirect_dma semaphore(%arg27 : memref<!tpu.dma_semaphore, #tpu.memory_space<semaphore_mem>>) src(%dma_wait3A_467 : memref<10000x128xf32, #tpu.memory_space<hbm>>) dst(%arg16 : memref<16x128xf32, #tpu.memory_space<vmem>>)
      %mul3A_468 = arith.constant 16 : i32
      %mul3A_469 = arith.muli %add3A_461, %mul3A_468 : i32
      %dma_start3A_470 = tpu.memref_slice %arg7[%mul3A_469] : memref<10000xi32, #tpu.memory_space<vmem>> -> memref<16xi32, #tpu.memory_space<vmem>>
      %dma_start3A_471 = arith.constant 0 : i32
      %dma_start3A_472 = arith.constant 0 : i32
      %dma_start3A_473 = tpu.memref_slice %arg41[%dma_start3A_471, %dma_start3A_472] : memref<10000x128xf32, #tpu.memory_space<vmem_shared>> -> memref<10000x128xf32, #tpu.memory_space<vmem_shared>>
      tpu.enqueue_indirect_dma source(%arg16 : memref<16x128xf32, #tpu.memory_space<vmem>>) target(%dma_start3A_473 : memref<10000x128xf32, #tpu.memory_space<vmem_shared>>) offsets(%dma_start3A_470 : memref<16xi32, #tpu.memory_space<vmem>>) semaphore(%arg38 : memref<!tpu.dma_semaphore, #tpu.memory_space<semaphore_mem>>) {add = true}
      %add3A_474 = arith.constant 9 : i32
      %add3A_475 = arith.addi %add3A_461, %add3A_474 : i32
      %sub3A_476 = arith.constant 11 : i32
      %sub3A_477 = arith.subi %add3A_475, %sub3A_476 : i32
      %mul3A_478 = arith.constant 16 : i32
      %mul3A_479 = arith.muli %sub3A_477, %mul3A_478 : i32
      %dma_wait3A_480 = tpu.memref_slice %arg7[%mul3A_479] : memref<10000xi32, #tpu.memory_space<vmem>> -> memref<16xi32, #tpu.memory_space<vmem>>
      %dma_wait3A_481 = arith.constant 0 : i32
      %dma_wait3A_482 = arith.constant 0 : i32
      %dma_wait3A_483 = tpu.memref_slice %arg41[%dma_wait3A_481, %dma_wait3A_482] : memref<10000x128xf32, #tpu.memory_space<vmem_shared>> -> memref<10000x128xf32, #tpu.memory_space<vmem_shared>>
      tpu.wait_indirect_dma semaphore(%arg36 : memref<!tpu.dma_semaphore, #tpu.memory_space<semaphore_mem>>) src(%arg14 : memref<16x128xf32, #tpu.memory_space<vmem>>) dst(%dma_wait3A_483 : memref<10000x128xf32, #tpu.memory_space<vmem_shared>>)
      %add3A_484 = arith.constant 9 : i32
      %add3A_485 = arith.addi %add3A_461, %add3A_484 : i32
      %mul3A_486 = arith.constant 16 : i32
      %mul3A_487 = arith.muli %add3A_485, %mul3A_486 : i32
      %dma_start3A_488 = tpu.memref_slice %arg6[%mul3A_487] : memref<10000xi32, #tpu.memory_space<vmem>> -> memref<16xi32, #tpu.memory_space<vmem>>
      %dma_start3A_489 = arith.constant 0 : i32
      %dma_start3A_490 = arith.constant 0 : i32
      %dma_start3A_491 = tpu.memref_slice %arg2[%dma_start3A_489, %dma_start3A_490] : memref<10000x128xf32, #tpu.memory_space<hbm>> -> memref<10000x128xf32, #tpu.memory_space<hbm>>
      tpu.enqueue_indirect_dma source(%dma_start3A_491 : memref<10000x128xf32, #tpu.memory_space<hbm>>) target(%arg14 : memref<16x128xf32, #tpu.memory_space<vmem>>) offsets(%dma_start3A_488 : memref<16xi32, #tpu.memory_space<vmem>>) semaphore(%arg25 : memref<!tpu.dma_semaphore, #tpu.memory_space<semaphore_mem>>)
      %add3A_492 = arith.constant 9 : i32
      %add3A_493 = arith.addi %mul3A_215, %add3A_492 : i32
      %mul3A_494 = arith.constant 16 : i32
      %mul3A_495 = arith.muli %add3A_493, %mul3A_494 : i32
      %dma_wait3A_496 = tpu.memref_slice %arg6[%mul3A_495] : memref<10000xi32, #tpu.memory_space<vmem>> -> memref<16xi32, #tpu.memory_space<vmem>>
      %dma_wait3A_497 = arith.constant 0 : i32
      %dma_wait3A_498 = arith.constant 0 : i32
      %dma_wait3A_499 = tpu.memref_slice %arg2[%dma_wait3A_497, %dma_wait3A_498] : memref<10000x128xf32, #tpu.memory_space<hbm>> -> memref<10000x128xf32, #tpu.memory_space<hbm>>
      tpu.wait_indirect_dma semaphore(%arg28 : memref<!tpu.dma_semaphore, #tpu.memory_space<semaphore_mem>>) src(%dma_wait3A_499 : memref<10000x128xf32, #tpu.memory_space<hbm>>) dst(%arg17 : memref<16x128xf32, #tpu.memory_space<vmem>>)
      %mul3A_500 = arith.constant 16 : i32
      %mul3A_501 = arith.muli %add3A_493, %mul3A_500 : i32
      %dma_start3A_502 = tpu.memref_slice %arg7[%mul3A_501] : memref<10000xi32, #tpu.memory_space<vmem>> -> memref<16xi32, #tpu.memory_space<vmem>>
      %dma_start3A_503 = arith.constant 0 : i32
      %dma_start3A_504 = arith.constant 0 : i32
      %dma_start3A_505 = tpu.memref_slice %arg41[%dma_start3A_503, %dma_start3A_504] : memref<10000x128xf32, #tpu.memory_space<vmem_shared>> -> memref<10000x128xf32, #tpu.memory_space<vmem_shared>>
      tpu.enqueue_indirect_dma source(%arg17 : memref<16x128xf32, #tpu.memory_space<vmem>>) target(%dma_start3A_505 : memref<10000x128xf32, #tpu.memory_space<vmem_shared>>) offsets(%dma_start3A_502 : memref<16xi32, #tpu.memory_space<vmem>>) semaphore(%arg39 : memref<!tpu.dma_semaphore, #tpu.memory_space<semaphore_mem>>) {add = true}
      %add3A_506 = arith.constant 9 : i32
      %add3A_507 = arith.addi %add3A_493, %add3A_506 : i32
      %sub3A_508 = arith.constant 11 : i32
      %sub3A_509 = arith.subi %add3A_507, %sub3A_508 : i32
      %mul3A_510 = arith.constant 16 : i32
      %mul3A_511 = arith.muli %sub3A_509, %mul3A_510 : i32
      %dma_wait3A_512 = tpu.memref_slice %arg7[%mul3A_511] : memref<10000xi32, #tpu.memory_space<vmem>> -> memref<16xi32, #tpu.memory_space<vmem>>
      %dma_wait3A_513 = arith.constant 0 : i32
      %dma_wait3A_514 = arith.constant 0 : i32
      %dma_wait3A_515 = tpu.memref_slice %arg41[%dma_wait3A_513, %dma_wait3A_514] : memref<10000x128xf32, #tpu.memory_space<vmem_shared>> -> memref<10000x128xf32, #tpu.memory_space<vmem_shared>>
      tpu.wait_indirect_dma semaphore(%arg37 : memref<!tpu.dma_semaphore, #tpu.memory_space<semaphore_mem>>) src(%arg15 : memref<16x128xf32, #tpu.memory_space<vmem>>) dst(%dma_wait3A_515 : memref<10000x128xf32, #tpu.memory_space<vmem_shared>>)
      %add3A_516 = arith.constant 9 : i32
      %add3A_517 = arith.addi %add3A_493, %add3A_516 : i32
      %mul3A_518 = arith.constant 16 : i32
      %mul3A_519 = arith.muli %add3A_517, %mul3A_518 : i32
      %dma_start3A_520 = tpu.memref_slice %arg6[%mul3A_519] : memref<10000xi32, #tpu.memory_space<vmem>> -> memref<16xi32, #tpu.memory_space<vmem>>
      %dma_start3A_521 = arith.constant 0 : i32
      %dma_start3A_522 = arith.constant 0 : i32
      %dma_start3A_523 = tpu.memref_slice %arg2[%dma_start3A_521, %dma_start3A_522] : memref<10000x128xf32, #tpu.memory_space<hbm>> -> memref<10000x128xf32, #tpu.memory_space<hbm>>
      tpu.enqueue_indirect_dma source(%dma_start3A_523 : memref<10000x128xf32, #tpu.memory_space<hbm>>) target(%arg15 : memref<16x128xf32, #tpu.memory_space<vmem>>) offsets(%dma_start3A_520 : memref<16xi32, #tpu.memory_space<vmem>>) semaphore(%arg26 : memref<!tpu.dma_semaphore, #tpu.memory_space<semaphore_mem>>)
      %add3A_524 = arith.constant 10 : i32
      %add3A_525 = arith.addi %mul3A_215, %add3A_524 : i32
      %mul3A_526 = arith.constant 16 : i32
      %mul3A_527 = arith.muli %add3A_525, %mul3A_526 : i32
      %dma_wait3A_528 = tpu.memref_slice %arg6[%mul3A_527] : memref<10000xi32, #tpu.memory_space<vmem>> -> memref<16xi32, #tpu.memory_space<vmem>>
      %dma_wait3A_529 = arith.constant 0 : i32
      %dma_wait3A_530 = arith.constant 0 : i32
      %dma_wait3A_531 = tpu.memref_slice %arg2[%dma_wait3A_529, %dma_wait3A_530] : memref<10000x128xf32, #tpu.memory_space<hbm>> -> memref<10000x128xf32, #tpu.memory_space<hbm>>
      tpu.wait_indirect_dma semaphore(%arg29 : memref<!tpu.dma_semaphore, #tpu.memory_space<semaphore_mem>>) src(%dma_wait3A_531 : memref<10000x128xf32, #tpu.memory_space<hbm>>) dst(%arg18 : memref<16x128xf32, #tpu.memory_space<vmem>>)
      %mul3A_532 = arith.constant 16 : i32
      %mul3A_533 = arith.muli %add3A_525, %mul3A_532 : i32
      %dma_start3A_534 = tpu.memref_slice %arg7[%mul3A_533] : memref<10000xi32, #tpu.memory_space<vmem>> -> memref<16xi32, #tpu.memory_space<vmem>>
      %dma_start3A_535 = arith.constant 0 : i32
      %dma_start3A_536 = arith.constant 0 : i32
      %dma_start3A_537 = tpu.memref_slice %arg41[%dma_start3A_535, %dma_start3A_536] : memref<10000x128xf32, #tpu.memory_space<vmem_shared>> -> memref<10000x128xf32, #tpu.memory_space<vmem_shared>>
      tpu.enqueue_indirect_dma source(%arg18 : memref<16x128xf32, #tpu.memory_space<vmem>>) target(%dma_start3A_537 : memref<10000x128xf32, #tpu.memory_space<vmem_shared>>) offsets(%dma_start3A_534 : memref<16xi32, #tpu.memory_space<vmem>>) semaphore(%arg40 : memref<!tpu.dma_semaphore, #tpu.memory_space<semaphore_mem>>) {add = true}
      %add3A_538 = arith.constant 9 : i32
      %add3A_539 = arith.addi %add3A_525, %add3A_538 : i32
      %sub3A_540 = arith.constant 11 : i32
      %sub3A_541 = arith.subi %add3A_539, %sub3A_540 : i32
      %mul3A_542 = arith.constant 16 : i32
      %mul3A_543 = arith.muli %sub3A_541, %mul3A_542 : i32
      %dma_wait3A_544 = tpu.memref_slice %arg7[%mul3A_543] : memref<10000xi32, #tpu.memory_space<vmem>> -> memref<16xi32, #tpu.memory_space<vmem>>
      %dma_wait3A_545 = arith.constant 0 : i32
      %dma_wait3A_546 = arith.constant 0 : i32
      %dma_wait3A_547 = tpu.memref_slice %arg41[%dma_wait3A_545, %dma_wait3A_546] : memref<10000x128xf32, #tpu.memory_space<vmem_shared>> -> memref<10000x128xf32, #tpu.memory_space<vmem_shared>>
      tpu.wait_indirect_dma semaphore(%arg38 : memref<!tpu.dma_semaphore, #tpu.memory_space<semaphore_mem>>) src(%arg16 : memref<16x128xf32, #tpu.memory_space<vmem>>) dst(%dma_wait3A_547 : memref<10000x128xf32, #tpu.memory_space<vmem_shared>>)
      %add3A_548 = arith.constant 9 : i32
      %add3A_549 = arith.addi %add3A_525, %add3A_548 : i32
      %mul3A_550 = arith.constant 16 : i32
      %mul3A_551 = arith.muli %add3A_549, %mul3A_550 : i32
      %dma_start3A_552 = tpu.memref_slice %arg6[%mul3A_551] : memref<10000xi32, #tpu.memory_space<vmem>> -> memref<16xi32, #tpu.memory_space<vmem>>
      %dma_start3A_553 = arith.constant 0 : i32
      %dma_start3A_554 = arith.constant 0 : i32
      %dma_start3A_555 = tpu.memref_slice %arg2[%dma_start3A_553, %dma_start3A_554] : memref<10000x128xf32, #tpu.memory_space<hbm>> -> memref<10000x128xf32, #tpu.memory_space<hbm>>
      tpu.enqueue_indirect_dma source(%dma_start3A_555 : memref<10000x128xf32, #tpu.memory_space<hbm>>) target(%arg16 : memref<16x128xf32, #tpu.memory_space<vmem>>) offsets(%dma_start3A_552 : memref<16xi32, #tpu.memory_space<vmem>>) semaphore(%arg27 : memref<!tpu.dma_semaphore, #tpu.memory_space<semaphore_mem>>)
      %scan3A_556 = arith.constant 0 : i32
      scf.yield %scan3A_556 : i32
    }
    %scan3A_56 = arith.constant 56 : i32
    %dma_wait3A = arith.constant 9856 : i32
    %dma_wait3A_57 = tpu.memref_slice %arg6[%dma_wait3A] : memref<10000xi32, #tpu.memory_space<vmem>> -> memref<16xi32, #tpu.memory_space<vmem>>
    %dma_wait3A_58 = arith.constant 0 : i32
    %dma_wait3A_59 = arith.constant 0 : i32
    %dma_wait3A_60 = tpu.memref_slice %arg2[%dma_wait3A_58, %dma_wait3A_59] : memref<10000x128xf32, #tpu.memory_space<hbm>> -> memref<10000x128xf32, #tpu.memory_space<hbm>>
    tpu.wait_indirect_dma semaphore(%arg19 : memref<!tpu.dma_semaphore, #tpu.memory_space<semaphore_mem>>) src(%dma_wait3A_60 : memref<10000x128xf32, #tpu.memory_space<hbm>>) dst(%arg8 : memref<16x128xf32, #tpu.memory_space<vmem>>)
    %dma_start3A_61 = arith.constant 9856 : i32
    %dma_start3A_62 = tpu.memref_slice %arg7[%dma_start3A_61] : memref<10000xi32, #tpu.memory_space<vmem>> -> memref<16xi32, #tpu.memory_space<vmem>>
    %dma_start3A_63 = arith.constant 0 : i32
    %dma_start3A_64 = arith.constant 0 : i32
    %dma_start3A_65 = tpu.memref_slice %arg41[%dma_start3A_63, %dma_start3A_64] : memref<10000x128xf32, #tpu.memory_space<vmem_shared>> -> memref<10000x128xf32, #tpu.memory_space<vmem_shared>>
    tpu.enqueue_indirect_dma source(%arg8 : memref<16x128xf32, #tpu.memory_space<vmem>>) target(%dma_start3A_65 : memref<10000x128xf32, #tpu.memory_space<vmem_shared>>) offsets(%dma_start3A_62 : memref<16xi32, #tpu.memory_space<vmem>>) semaphore(%arg30 : memref<!tpu.dma_semaphore, #tpu.memory_space<semaphore_mem>>) {add = true}
    %dma_wait3A_66 = arith.constant 9872 : i32
    %dma_wait3A_67 = tpu.memref_slice %arg6[%dma_wait3A_66] : memref<10000xi32, #tpu.memory_space<vmem>> -> memref<16xi32, #tpu.memory_space<vmem>>
    %dma_wait3A_68 = arith.constant 0 : i32
    %dma_wait3A_69 = arith.constant 0 : i32
    %dma_wait3A_70 = tpu.memref_slice %arg2[%dma_wait3A_68, %dma_wait3A_69] : memref<10000x128xf32, #tpu.memory_space<hbm>> -> memref<10000x128xf32, #tpu.memory_space<hbm>>
    tpu.wait_indirect_dma semaphore(%arg20 : memref<!tpu.dma_semaphore, #tpu.memory_space<semaphore_mem>>) src(%dma_wait3A_70 : memref<10000x128xf32, #tpu.memory_space<hbm>>) dst(%arg9 : memref<16x128xf32, #tpu.memory_space<vmem>>)
    %dma_start3A_71 = arith.constant 9872 : i32
    %dma_start3A_72 = tpu.memref_slice %arg7[%dma_start3A_71] : memref<10000xi32, #tpu.memory_space<vmem>> -> memref<16xi32, #tpu.memory_space<vmem>>
    %dma_start3A_73 = arith.constant 0 : i32
    %dma_start3A_74 = arith.constant 0 : i32
    %dma_start3A_75 = tpu.memref_slice %arg41[%dma_start3A_73, %dma_start3A_74] : memref<10000x128xf32, #tpu.memory_space<vmem_shared>> -> memref<10000x128xf32, #tpu.memory_space<vmem_shared>>
    tpu.enqueue_indirect_dma source(%arg9 : memref<16x128xf32, #tpu.memory_space<vmem>>) target(%dma_start3A_75 : memref<10000x128xf32, #tpu.memory_space<vmem_shared>>) offsets(%dma_start3A_72 : memref<16xi32, #tpu.memory_space<vmem>>) semaphore(%arg31 : memref<!tpu.dma_semaphore, #tpu.memory_space<semaphore_mem>>) {add = true}
    %dma_wait3A_76 = arith.constant 9888 : i32
    %dma_wait3A_77 = tpu.memref_slice %arg6[%dma_wait3A_76] : memref<10000xi32, #tpu.memory_space<vmem>> -> memref<16xi32, #tpu.memory_space<vmem>>
    %dma_wait3A_78 = arith.constant 0 : i32
    %dma_wait3A_79 = arith.constant 0 : i32
    %dma_wait3A_80 = tpu.memref_slice %arg2[%dma_wait3A_78, %dma_wait3A_79] : memref<10000x128xf32, #tpu.memory_space<hbm>> -> memref<10000x128xf32, #tpu.memory_space<hbm>>
    tpu.wait_indirect_dma semaphore(%arg21 : memref<!tpu.dma_semaphore, #tpu.memory_space<semaphore_mem>>) src(%dma_wait3A_80 : memref<10000x128xf32, #tpu.memory_space<hbm>>) dst(%arg10 : memref<16x128xf32, #tpu.memory_space<vmem>>)
    %dma_start3A_81 = arith.constant 9888 : i32
    %dma_start3A_82 = tpu.memref_slice %arg7[%dma_start3A_81] : memref<10000xi32, #tpu.memory_space<vmem>> -> memref<16xi32, #tpu.memory_space<vmem>>
    %dma_start3A_83 = arith.constant 0 : i32
    %dma_start3A_84 = arith.constant 0 : i32
    %dma_start3A_85 = tpu.memref_slice %arg41[%dma_start3A_83, %dma_start3A_84] : memref<10000x128xf32, #tpu.memory_space<vmem_shared>> -> memref<10000x128xf32, #tpu.memory_space<vmem_shared>>
    tpu.enqueue_indirect_dma source(%arg10 : memref<16x128xf32, #tpu.memory_space<vmem>>) target(%dma_start3A_85 : memref<10000x128xf32, #tpu.memory_space<vmem_shared>>) offsets(%dma_start3A_82 : memref<16xi32, #tpu.memory_space<vmem>>) semaphore(%arg32 : memref<!tpu.dma_semaphore, #tpu.memory_space<semaphore_mem>>) {add = true}
    %dma_wait3A_86 = arith.constant 9904 : i32
    %dma_wait3A_87 = tpu.memref_slice %arg6[%dma_wait3A_86] : memref<10000xi32, #tpu.memory_space<vmem>> -> memref<16xi32, #tpu.memory_space<vmem>>
    %dma_wait3A_88 = arith.constant 0 : i32
    %dma_wait3A_89 = arith.constant 0 : i32
    %dma_wait3A_90 = tpu.memref_slice %arg2[%dma_wait3A_88, %dma_wait3A_89] : memref<10000x128xf32, #tpu.memory_space<hbm>> -> memref<10000x128xf32, #tpu.memory_space<hbm>>
    tpu.wait_indirect_dma semaphore(%arg22 : memref<!tpu.dma_semaphore, #tpu.memory_space<semaphore_mem>>) src(%dma_wait3A_90 : memref<10000x128xf32, #tpu.memory_space<hbm>>) dst(%arg11 : memref<16x128xf32, #tpu.memory_space<vmem>>)
    %dma_start3A_91 = arith.constant 9904 : i32
    %dma_start3A_92 = tpu.memref_slice %arg7[%dma_start3A_91] : memref<10000xi32, #tpu.memory_space<vmem>> -> memref<16xi32, #tpu.memory_space<vmem>>
    %dma_start3A_93 = arith.constant 0 : i32
    %dma_start3A_94 = arith.constant 0 : i32
    %dma_start3A_95 = tpu.memref_slice %arg41[%dma_start3A_93, %dma_start3A_94] : memref<10000x128xf32, #tpu.memory_space<vmem_shared>> -> memref<10000x128xf32, #tpu.memory_space<vmem_shared>>
    tpu.enqueue_indirect_dma source(%arg11 : memref<16x128xf32, #tpu.memory_space<vmem>>) target(%dma_start3A_95 : memref<10000x128xf32, #tpu.memory_space<vmem_shared>>) offsets(%dma_start3A_92 : memref<16xi32, #tpu.memory_space<vmem>>) semaphore(%arg33 : memref<!tpu.dma_semaphore, #tpu.memory_space<semaphore_mem>>) {add = true}
    %dma_wait3A_96 = arith.constant 9920 : i32
    %dma_wait3A_97 = tpu.memref_slice %arg6[%dma_wait3A_96] : memref<10000xi32, #tpu.memory_space<vmem>> -> memref<16xi32, #tpu.memory_space<vmem>>
    %dma_wait3A_98 = arith.constant 0 : i32
    %dma_wait3A_99 = arith.constant 0 : i32
    %dma_wait3A_100 = tpu.memref_slice %arg2[%dma_wait3A_98, %dma_wait3A_99] : memref<10000x128xf32, #tpu.memory_space<hbm>> -> memref<10000x128xf32, #tpu.memory_space<hbm>>
    tpu.wait_indirect_dma semaphore(%arg23 : memref<!tpu.dma_semaphore, #tpu.memory_space<semaphore_mem>>) src(%dma_wait3A_100 : memref<10000x128xf32, #tpu.memory_space<hbm>>) dst(%arg12 : memref<16x128xf32, #tpu.memory_space<vmem>>)
    %dma_start3A_101 = arith.constant 9920 : i32
    %dma_start3A_102 = tpu.memref_slice %arg7[%dma_start3A_101] : memref<10000xi32, #tpu.memory_space<vmem>> -> memref<16xi32, #tpu.memory_space<vmem>>
    %dma_start3A_103 = arith.constant 0 : i32
    %dma_start3A_104 = arith.constant 0 : i32
    %dma_start3A_105 = tpu.memref_slice %arg41[%dma_start3A_103, %dma_start3A_104] : memref<10000x128xf32, #tpu.memory_space<vmem_shared>> -> memref<10000x128xf32, #tpu.memory_space<vmem_shared>>
    tpu.enqueue_indirect_dma source(%arg12 : memref<16x128xf32, #tpu.memory_space<vmem>>) target(%dma_start3A_105 : memref<10000x128xf32, #tpu.memory_space<vmem_shared>>) offsets(%dma_start3A_102 : memref<16xi32, #tpu.memory_space<vmem>>) semaphore(%arg34 : memref<!tpu.dma_semaphore, #tpu.memory_space<semaphore_mem>>) {add = true}
    %dma_wait3A_106 = arith.constant 9936 : i32
    %dma_wait3A_107 = tpu.memref_slice %arg6[%dma_wait3A_106] : memref<10000xi32, #tpu.memory_space<vmem>> -> memref<16xi32, #tpu.memory_space<vmem>>
    %dma_wait3A_108 = arith.constant 0 : i32
    %dma_wait3A_109 = arith.constant 0 : i32
    %dma_wait3A_110 = tpu.memref_slice %arg2[%dma_wait3A_108, %dma_wait3A_109] : memref<10000x128xf32, #tpu.memory_space<hbm>> -> memref<10000x128xf32, #tpu.memory_space<hbm>>
    tpu.wait_indirect_dma semaphore(%arg24 : memref<!tpu.dma_semaphore, #tpu.memory_space<semaphore_mem>>) src(%dma_wait3A_110 : memref<10000x128xf32, #tpu.memory_space<hbm>>) dst(%arg13 : memref<16x128xf32, #tpu.memory_space<vmem>>)
    %dma_start3A_111 = arith.constant 9936 : i32
    %dma_start3A_112 = tpu.memref_slice %arg7[%dma_start3A_111] : memref<10000xi32, #tpu.memory_space<vmem>> -> memref<16xi32, #tpu.memory_space<vmem>>
    %dma_start3A_113 = arith.constant 0 : i32
    %dma_start3A_114 = arith.constant 0 : i32
    %dma_start3A_115 = tpu.memref_slice %arg41[%dma_start3A_113, %dma_start3A_114] : memref<10000x128xf32, #tpu.memory_space<vmem_shared>> -> memref<10000x128xf32, #tpu.memory_space<vmem_shared>>
    tpu.enqueue_indirect_dma source(%arg13 : memref<16x128xf32, #tpu.memory_space<vmem>>) target(%dma_start3A_115 : memref<10000x128xf32, #tpu.memory_space<vmem_shared>>) offsets(%dma_start3A_112 : memref<16xi32, #tpu.memory_space<vmem>>) semaphore(%arg35 : memref<!tpu.dma_semaphore, #tpu.memory_space<semaphore_mem>>) {add = true}
    %dma_wait3A_116 = arith.constant 9952 : i32
    %dma_wait3A_117 = tpu.memref_slice %arg6[%dma_wait3A_116] : memref<10000xi32, #tpu.memory_space<vmem>> -> memref<16xi32, #tpu.memory_space<vmem>>
    %dma_wait3A_118 = arith.constant 0 : i32
    %dma_wait3A_119 = arith.constant 0 : i32
    %dma_wait3A_120 = tpu.memref_slice %arg2[%dma_wait3A_118, %dma_wait3A_119] : memref<10000x128xf32, #tpu.memory_space<hbm>> -> memref<10000x128xf32, #tpu.memory_space<hbm>>
    tpu.wait_indirect_dma semaphore(%arg25 : memref<!tpu.dma_semaphore, #tpu.memory_space<semaphore_mem>>) src(%dma_wait3A_120 : memref<10000x128xf32, #tpu.memory_space<hbm>>) dst(%arg14 : memref<16x128xf32, #tpu.memory_space<vmem>>)
    %dma_start3A_121 = arith.constant 9952 : i32
    %dma_start3A_122 = tpu.memref_slice %arg7[%dma_start3A_121] : memref<10000xi32, #tpu.memory_space<vmem>> -> memref<16xi32, #tpu.memory_space<vmem>>
    %dma_start3A_123 = arith.constant 0 : i32
    %dma_start3A_124 = arith.constant 0 : i32
    %dma_start3A_125 = tpu.memref_slice %arg41[%dma_start3A_123, %dma_start3A_124] : memref<10000x128xf32, #tpu.memory_space<vmem_shared>> -> memref<10000x128xf32, #tpu.memory_space<vmem_shared>>
    tpu.enqueue_indirect_dma source(%arg14 : memref<16x128xf32, #tpu.memory_space<vmem>>) target(%dma_start3A_125 : memref<10000x128xf32, #tpu.memory_space<vmem_shared>>) offsets(%dma_start3A_122 : memref<16xi32, #tpu.memory_space<vmem>>) semaphore(%arg36 : memref<!tpu.dma_semaphore, #tpu.memory_space<semaphore_mem>>) {add = true}
    %dma_wait3A_126 = arith.constant 9968 : i32
    %dma_wait3A_127 = tpu.memref_slice %arg6[%dma_wait3A_126] : memref<10000xi32, #tpu.memory_space<vmem>> -> memref<16xi32, #tpu.memory_space<vmem>>
    %dma_wait3A_128 = arith.constant 0 : i32
    %dma_wait3A_129 = arith.constant 0 : i32
    %dma_wait3A_130 = tpu.memref_slice %arg2[%dma_wait3A_128, %dma_wait3A_129] : memref<10000x128xf32, #tpu.memory_space<hbm>> -> memref<10000x128xf32, #tpu.memory_space<hbm>>
    tpu.wait_indirect_dma semaphore(%arg26 : memref<!tpu.dma_semaphore, #tpu.memory_space<semaphore_mem>>) src(%dma_wait3A_130 : memref<10000x128xf32, #tpu.memory_space<hbm>>) dst(%arg15 : memref<16x128xf32, #tpu.memory_space<vmem>>)
    %dma_start3A_131 = arith.constant 9968 : i32
    %dma_start3A_132 = tpu.memref_slice %arg7[%dma_start3A_131] : memref<10000xi32, #tpu.memory_space<vmem>> -> memref<16xi32, #tpu.memory_space<vmem>>
    %dma_start3A_133 = arith.constant 0 : i32
    %dma_start3A_134 = arith.constant 0 : i32
    %dma_start3A_135 = tpu.memref_slice %arg41[%dma_start3A_133, %dma_start3A_134] : memref<10000x128xf32, #tpu.memory_space<vmem_shared>> -> memref<10000x128xf32, #tpu.memory_space<vmem_shared>>
    tpu.enqueue_indirect_dma source(%arg15 : memref<16x128xf32, #tpu.memory_space<vmem>>) target(%dma_start3A_135 : memref<10000x128xf32, #tpu.memory_space<vmem_shared>>) offsets(%dma_start3A_132 : memref<16xi32, #tpu.memory_space<vmem>>) semaphore(%arg37 : memref<!tpu.dma_semaphore, #tpu.memory_space<semaphore_mem>>) {add = true}
    %dma_wait3A_136 = arith.constant 9984 : i32
    %dma_wait3A_137 = tpu.memref_slice %arg6[%dma_wait3A_136] : memref<10000xi32, #tpu.memory_space<vmem>> -> memref<16xi32, #tpu.memory_space<vmem>>
    %dma_wait3A_138 = arith.constant 0 : i32
    %dma_wait3A_139 = arith.constant 0 : i32
    %dma_wait3A_140 = tpu.memref_slice %arg2[%dma_wait3A_138, %dma_wait3A_139] : memref<10000x128xf32, #tpu.memory_space<hbm>> -> memref<10000x128xf32, #tpu.memory_space<hbm>>
    tpu.wait_indirect_dma semaphore(%arg27 : memref<!tpu.dma_semaphore, #tpu.memory_space<semaphore_mem>>) src(%dma_wait3A_140 : memref<10000x128xf32, #tpu.memory_space<hbm>>) dst(%arg16 : memref<16x128xf32, #tpu.memory_space<vmem>>)
    %dma_start3A_141 = arith.constant 9984 : i32
    %dma_start3A_142 = tpu.memref_slice %arg7[%dma_start3A_141] : memref<10000xi32, #tpu.memory_space<vmem>> -> memref<16xi32, #tpu.memory_space<vmem>>
    %dma_start3A_143 = arith.constant 0 : i32
    %dma_start3A_144 = arith.constant 0 : i32
    %dma_start3A_145 = tpu.memref_slice %arg41[%dma_start3A_143, %dma_start3A_144] : memref<10000x128xf32, #tpu.memory_space<vmem_shared>> -> memref<10000x128xf32, #tpu.memory_space<vmem_shared>>
    tpu.enqueue_indirect_dma source(%arg16 : memref<16x128xf32, #tpu.memory_space<vmem>>) target(%dma_start3A_145 : memref<10000x128xf32, #tpu.memory_space<vmem_shared>>) offsets(%dma_start3A_142 : memref<16xi32, #tpu.memory_space<vmem>>) semaphore(%arg38 : memref<!tpu.dma_semaphore, #tpu.memory_space<semaphore_mem>>) {add = true}
    %dma_wait3A_146 = arith.constant 9824 : i32
    %dma_wait3A_147 = tpu.memref_slice %arg7[%dma_wait3A_146] : memref<10000xi32, #tpu.memory_space<vmem>> -> memref<16xi32, #tpu.memory_space<vmem>>
    %dma_wait3A_148 = arith.constant 0 : i32
    %dma_wait3A_149 = arith.constant 0 : i32
    %dma_wait3A_150 = tpu.memref_slice %arg41[%dma_wait3A_148, %dma_wait3A_149] : memref<10000x128xf32, #tpu.memory_space<vmem_shared>> -> memref<10000x128xf32, #tpu.memory_space<vmem_shared>>
    tpu.wait_indirect_dma semaphore(%arg39 : memref<!tpu.dma_semaphore, #tpu.memory_space<semaphore_mem>>) src(%arg17 : memref<16x128xf32, #tpu.memory_space<vmem>>) dst(%dma_wait3A_150 : memref<10000x128xf32, #tpu.memory_space<vmem_shared>>)
    %dma_wait3A_151 = arith.constant 9840 : i32
    %dma_wait3A_152 = tpu.memref_slice %arg7[%dma_wait3A_151] : memref<10000xi32, #tpu.memory_space<vmem>> -> memref<16xi32, #tpu.memory_space<vmem>>
    %dma_wait3A_153 = arith.constant 0 : i32
    %dma_wait3A_154 = arith.constant 0 : i32
    %dma_wait3A_155 = tpu.memref_slice %arg41[%dma_wait3A_153, %dma_wait3A_154] : memref<10000x128xf32, #tpu.memory_space<vmem_shared>> -> memref<10000x128xf32, #tpu.memory_space<vmem_shared>>
    tpu.wait_indirect_dma semaphore(%arg40 : memref<!tpu.dma_semaphore, #tpu.memory_space<semaphore_mem>>) src(%arg18 : memref<16x128xf32, #tpu.memory_space<vmem>>) dst(%dma_wait3A_155 : memref<10000x128xf32, #tpu.memory_space<vmem_shared>>)
    %dma_wait3A_156 = arith.constant 9856 : i32
    %dma_wait3A_157 = tpu.memref_slice %arg7[%dma_wait3A_156] : memref<10000xi32, #tpu.memory_space<vmem>> -> memref<16xi32, #tpu.memory_space<vmem>>
    %dma_wait3A_158 = arith.constant 0 : i32
    %dma_wait3A_159 = arith.constant 0 : i32
    %dma_wait3A_160 = tpu.memref_slice %arg41[%dma_wait3A_158, %dma_wait3A_159] : memref<10000x128xf32, #tpu.memory_space<vmem_shared>> -> memref<10000x128xf32, #tpu.memory_space<vmem_shared>>
    tpu.wait_indirect_dma semaphore(%arg30 : memref<!tpu.dma_semaphore, #tpu.memory_space<semaphore_mem>>) src(%arg8 : memref<16x128xf32, #tpu.memory_space<vmem>>) dst(%dma_wait3A_160 : memref<10000x128xf32, #tpu.memory_space<vmem_shared>>)
    %dma_wait3A_161 = arith.constant 9872 : i32
    %dma_wait3A_162 = tpu.memref_slice %arg7[%dma_wait3A_161] : memref<10000xi32, #tpu.memory_space<vmem>> -> memref<16xi32, #tpu.memory_space<vmem>>
    %dma_wait3A_163 = arith.constant 0 : i32
    %dma_wait3A_164 = arith.constant 0 : i32
    %dma_wait3A_165 = tpu.memref_slice %arg41[%dma_wait3A_163, %dma_wait3A_164] : memref<10000x128xf32, #tpu.memory_space<vmem_shared>> -> memref<10000x128xf32, #tpu.memory_space<vmem_shared>>
    tpu.wait_indirect_dma semaphore(%arg31 : memref<!tpu.dma_semaphore, #tpu.memory_space<semaphore_mem>>) src(%arg9 : memref<16x128xf32, #tpu.memory_space<vmem>>) dst(%dma_wait3A_165 : memref<10000x128xf32, #tpu.memory_space<vmem_shared>>)
    %dma_wait3A_166 = arith.constant 9888 : i32
    %dma_wait3A_167 = tpu.memref_slice %arg7[%dma_wait3A_166] : memref<10000xi32, #tpu.memory_space<vmem>> -> memref<16xi32, #tpu.memory_space<vmem>>
    %dma_wait3A_168 = arith.constant 0 : i32
    %dma_wait3A_169 = arith.constant 0 : i32
    %dma_wait3A_170 = tpu.memref_slice %arg41[%dma_wait3A_168, %dma_wait3A_169] : memref<10000x128xf32, #tpu.memory_space<vmem_shared>> -> memref<10000x128xf32, #tpu.memory_space<vmem_shared>>
    tpu.wait_indirect_dma semaphore(%arg32 : memref<!tpu.dma_semaphore, #tpu.memory_space<semaphore_mem>>) src(%arg10 : memref<16x128xf32, #tpu.memory_space<vmem>>) dst(%dma_wait3A_170 : memref<10000x128xf32, #tpu.memory_space<vmem_shared>>)
    %dma_wait3A_171 = arith.constant 9904 : i32
    %dma_wait3A_172 = tpu.memref_slice %arg7[%dma_wait3A_171] : memref<10000xi32, #tpu.memory_space<vmem>> -> memref<16xi32, #tpu.memory_space<vmem>>
    %dma_wait3A_173 = arith.constant 0 : i32
    %dma_wait3A_174 = arith.constant 0 : i32
    %dma_wait3A_175 = tpu.memref_slice %arg41[%dma_wait3A_173, %dma_wait3A_174] : memref<10000x128xf32, #tpu.memory_space<vmem_shared>> -> memref<10000x128xf32, #tpu.memory_space<vmem_shared>>
    tpu.wait_indirect_dma semaphore(%arg33 : memref<!tpu.dma_semaphore, #tpu.memory_space<semaphore_mem>>) src(%arg11 : memref<16x128xf32, #tpu.memory_space<vmem>>) dst(%dma_wait3A_175 : memref<10000x128xf32, #tpu.memory_space<vmem_shared>>)
    %dma_wait3A_176 = arith.constant 9920 : i32
    %dma_wait3A_177 = tpu.memref_slice %arg7[%dma_wait3A_176] : memref<10000xi32, #tpu.memory_space<vmem>> -> memref<16xi32, #tpu.memory_space<vmem>>
    %dma_wait3A_178 = arith.constant 0 : i32
    %dma_wait3A_179 = arith.constant 0 : i32
    %dma_wait3A_180 = tpu.memref_slice %arg41[%dma_wait3A_178, %dma_wait3A_179] : memref<10000x128xf32, #tpu.memory_space<vmem_shared>> -> memref<10000x128xf32, #tpu.memory_space<vmem_shared>>
    tpu.wait_indirect_dma semaphore(%arg34 : memref<!tpu.dma_semaphore, #tpu.memory_space<semaphore_mem>>) src(%arg12 : memref<16x128xf32, #tpu.memory_space<vmem>>) dst(%dma_wait3A_180 : memref<10000x128xf32, #tpu.memory_space<vmem_shared>>)
    %dma_wait3A_181 = arith.constant 9936 : i32
    %dma_wait3A_182 = tpu.memref_slice %arg7[%dma_wait3A_181] : memref<10000xi32, #tpu.memory_space<vmem>> -> memref<16xi32, #tpu.memory_space<vmem>>
    %dma_wait3A_183 = arith.constant 0 : i32
    %dma_wait3A_184 = arith.constant 0 : i32
    %dma_wait3A_185 = tpu.memref_slice %arg41[%dma_wait3A_183, %dma_wait3A_184] : memref<10000x128xf32, #tpu.memory_space<vmem_shared>> -> memref<10000x128xf32, #tpu.memory_space<vmem_shared>>
    tpu.wait_indirect_dma semaphore(%arg35 : memref<!tpu.dma_semaphore, #tpu.memory_space<semaphore_mem>>) src(%arg13 : memref<16x128xf32, #tpu.memory_space<vmem>>) dst(%dma_wait3A_185 : memref<10000x128xf32, #tpu.memory_space<vmem_shared>>)
    %dma_wait3A_186 = arith.constant 9952 : i32
    %dma_wait3A_187 = tpu.memref_slice %arg7[%dma_wait3A_186] : memref<10000xi32, #tpu.memory_space<vmem>> -> memref<16xi32, #tpu.memory_space<vmem>>
    %dma_wait3A_188 = arith.constant 0 : i32
    %dma_wait3A_189 = arith.constant 0 : i32
    %dma_wait3A_190 = tpu.memref_slice %arg41[%dma_wait3A_188, %dma_wait3A_189] : memref<10000x128xf32, #tpu.memory_space<vmem_shared>> -> memref<10000x128xf32, #tpu.memory_space<vmem_shared>>
    tpu.wait_indirect_dma semaphore(%arg36 : memref<!tpu.dma_semaphore, #tpu.memory_space<semaphore_mem>>) src(%arg14 : memref<16x128xf32, #tpu.memory_space<vmem>>) dst(%dma_wait3A_190 : memref<10000x128xf32, #tpu.memory_space<vmem_shared>>)
    %dma_wait3A_191 = arith.constant 9968 : i32
    %dma_wait3A_192 = tpu.memref_slice %arg7[%dma_wait3A_191] : memref<10000xi32, #tpu.memory_space<vmem>> -> memref<16xi32, #tpu.memory_space<vmem>>
    %dma_wait3A_193 = arith.constant 0 : i32
    %dma_wait3A_194 = arith.constant 0 : i32
    %dma_wait3A_195 = tpu.memref_slice %arg41[%dma_wait3A_193, %dma_wait3A_194] : memref<10000x128xf32, #tpu.memory_space<vmem_shared>> -> memref<10000x128xf32, #tpu.memory_space<vmem_shared>>
    tpu.wait_indirect_dma semaphore(%arg37 : memref<!tpu.dma_semaphore, #tpu.memory_space<semaphore_mem>>) src(%arg15 : memref<16x128xf32, #tpu.memory_space<vmem>>) dst(%dma_wait3A_195 : memref<10000x128xf32, #tpu.memory_space<vmem_shared>>)
    %dma_wait3A_196 = arith.constant 9984 : i32
    %dma_wait3A_197 = tpu.memref_slice %arg7[%dma_wait3A_196] : memref<10000xi32, #tpu.memory_space<vmem>> -> memref<16xi32, #tpu.memory_space<vmem>>
    %dma_wait3A_198 = arith.constant 0 : i32
    %dma_wait3A_199 = arith.constant 0 : i32
    %dma_wait3A_200 = tpu.memref_slice %arg41[%dma_wait3A_198, %dma_wait3A_199] : memref<10000x128xf32, #tpu.memory_space<vmem_shared>> -> memref<10000x128xf32, #tpu.memory_space<vmem_shared>>
    tpu.wait_indirect_dma semaphore(%arg38 : memref<!tpu.dma_semaphore, #tpu.memory_space<semaphore_mem>>) src(%arg16 : memref<16x128xf32, #tpu.memory_space<vmem>>) dst(%dma_wait3A_200 : memref<10000x128xf32, #tpu.memory_space<vmem_shared>>)
    %barrier3A_201 = arith.constant 0 : index
    tpu.barrier barrier_id(%barrier3A_201)
    %lt3A_202 = arith.constant 15 : i32
    %lt3A_203 = arith.cmpi slt, %arg1, %lt3A_202 : i32
    %convert_element_type3A_204 = arith.extui %lt3A_203 : i1 to i32
    %cond3A_205 = arith.constant 0 : i32
    %cond3A_206 = arith.cmpi ne, %convert_element_type3A_204, %cond3A_205 : i32
    scf.if %cond3A_206 {
      %mul3A_212 = arith.constant 632 : i32
      %mul3A_213 = arith.muli %arg1, %mul3A_212 : i32
      "tpu.region"() ({
        %run_scoped3A = tpu.sem_alloc : memref<!tpu.dma_semaphore, #tpu.memory_space<semaphore_mem>>
        %dma_start3A_214 = arith.constant 0 : i32
        %dma_start3A_215 = tpu.memref_slice %arg5[%arg0, %mul3A_213, %dma_start3A_214] : memref<2x10000x128xf32, #tpu.memory_space<hbm>> -> memref<1x632x128xf32, #tpu.memory_space<hbm>>
        %dma_start3A_216 = tpu.memref_squeeze %dma_start3A_215 : memref<1x632x128xf32, #tpu.memory_space<hbm>> -> memref<632x128xf32, #tpu.memory_space<hbm>>
        %dma_start3A_217 = arith.constant 0 : i32
        %dma_start3A_218 = tpu.memref_slice %arg41[%mul3A_213, %dma_start3A_217] : memref<10000x128xf32, #tpu.memory_space<vmem_shared>> -> memref<632x128xf32, #tpu.memory_space<vmem_shared>>
        tpu.enqueue_dma source(%dma_start3A_218 : memref<632x128xf32, #tpu.memory_space<vmem_shared>>) target(%dma_start3A_216 : memref<632x128xf32, #tpu.memory_space<hbm>>) target_semaphore(%run_scoped3A : memref<!tpu.dma_semaphore, #tpu.memory_space<semaphore_mem>>)
        %dma_wait3A_219 = arith.constant 0 : i32
        %dma_wait3A_220 = tpu.memref_slice %arg5[%arg0, %mul3A_213, %dma_wait3A_219] : memref<2x10000x128xf32, #tpu.memory_space<hbm>> -> memref<1x632x128xf32, #tpu.memory_space<hbm>>
        %dma_wait3A_221 = tpu.memref_squeeze %dma_wait3A_220 : memref<1x632x128xf32, #tpu.memory_space<hbm>> -> memref<632x128xf32, #tpu.memory_space<hbm>>
        %dma_wait3A_222 = arith.constant 0 : i32
        %dma_wait3A_223 = tpu.memref_slice %arg41[%mul3A_213, %dma_wait3A_222] : memref<10000x128xf32, #tpu.memory_space<vmem_shared>> -> memref<632x128xf32, #tpu.memory_space<vmem_shared>>
        tpu.wait_dma2 semaphore(%run_scoped3A : memref<!tpu.dma_semaphore, #tpu.memory_space<semaphore_mem>>) src(%dma_wait3A_223 : memref<632x128xf32, #tpu.memory_space<vmem_shared>>) dst(%dma_wait3A_221 : memref<632x128xf32, #tpu.memory_space<hbm>>)
        tpu.yield
      }) : () -> ()
    } else {
    }
    %eq3A_207 = arith.constant 15 : i32
    %eq3A_208 = arith.cmpi eq, %arg1, %eq3A_207 : i32
    %convert_element_type3A_209 = arith.extui %eq3A_208 : i1 to i32
    %cond3A_210 = arith.constant 0 : i32
    %cond3A_211 = arith.cmpi ne, %convert_element_type3A_209, %cond3A_210 : i32
    scf.if %cond3A_211 {
      "tpu.region"() ({
        %run_scoped3A = tpu.sem_alloc : memref<!tpu.dma_semaphore, #tpu.memory_space<semaphore_mem>>
        %dma_start3A_212 = arith.constant 9480 : i32
        %dma_start3A_213 = arith.constant 0 : i32
        %dma_start3A_214 = tpu.memref_slice %arg5[%arg0, %dma_start3A_212, %dma_start3A_213] : memref<2x10000x128xf32, #tpu.memory_space<hbm>> -> memref<1x520x128xf32, #tpu.memory_space<hbm>>
        %dma_start3A_215 = tpu.memref_squeeze %dma_start3A_214 : memref<1x520x128xf32, #tpu.memory_space<hbm>> -> memref<520x128xf32, #tpu.memory_space<hbm>>
        %dma_start3A_216 = arith.constant 9480 : i32
        %dma_start3A_217 = arith.constant 0 : i32
        %dma_start3A_218 = tpu.memref_slice %arg41[%dma_start3A_216, %dma_start3A_217] : memref<10000x128xf32, #tpu.memory_space<vmem_shared>> -> memref<520x128xf32, #tpu.memory_space<vmem_shared>>
        tpu.enqueue_dma source(%dma_start3A_218 : memref<520x128xf32, #tpu.memory_space<vmem_shared>>) target(%dma_start3A_215 : memref<520x128xf32, #tpu.memory_space<hbm>>) target_semaphore(%run_scoped3A : memref<!tpu.dma_semaphore, #tpu.memory_space<semaphore_mem>>)
        %dma_wait3A_219 = arith.constant 9480 : i32
        %dma_wait3A_220 = arith.constant 0 : i32
        %dma_wait3A_221 = tpu.memref_slice %arg5[%arg0, %dma_wait3A_219, %dma_wait3A_220] : memref<2x10000x128xf32, #tpu.memory_space<hbm>> -> memref<1x520x128xf32, #tpu.memory_space<hbm>>
        %dma_wait3A_222 = tpu.memref_squeeze %dma_wait3A_221 : memref<1x520x128xf32, #tpu.memory_space<hbm>> -> memref<520x128xf32, #tpu.memory_space<hbm>>
        %dma_wait3A_223 = arith.constant 9480 : i32
        %dma_wait3A_224 = arith.constant 0 : i32
        %dma_wait3A_225 = tpu.memref_slice %arg41[%dma_wait3A_223, %dma_wait3A_224] : memref<10000x128xf32, #tpu.memory_space<vmem_shared>> -> memref<520x128xf32, #tpu.memory_space<vmem_shared>>
        tpu.wait_dma2 semaphore(%run_scoped3A : memref<!tpu.dma_semaphore, #tpu.memory_space<semaphore_mem>>) src(%dma_wait3A_225 : memref<520x128xf32, #tpu.memory_space<vmem_shared>>) dst(%dma_wait3A_222 : memref<520x128xf32, #tpu.memory_space<hbm>>)
        tpu.yield
      }) : () -> ()
    } else {
    }
    return
  }
}

module attributes {stable_mosaic.version = 14 : i64} {
  func.func @_dinv_body(%arg0: memref<2x16x1x10000xf32, #tpu.memory_space<vmem>>, %arg1: memref<10000x1xf32, #tpu.memory_space<vmem>>) attributes {dimension_semantics = [], scalar_prefetch = 0 : i64, scratch_operands = 0 : i64, tpu.core_type = #tpu.core_type<tc>} {
    %get3A = arith.constant 0 : index
    %get3A_0 = arith.constant 0 : index
    %get3A_1 = arith.constant 0 : index
    %get3A_2 = arith.constant 0 : index
    %get3A_3 = vector.load %arg0[%get3A, %get3A_0, %get3A_1, %get3A_2] : memref<2x16x1x10000xf32, #tpu.memory_space<vmem>>, vector<2x16x1x10000xf32>
    %reduce_sum3A = arith.constant dense<0.000000e+00> : vector<10000xf32>
    %reduce_sum3A_4 = vector.multi_reduction <add>, %get3A_3, %reduce_sum3A [0, 1, 2] : vector<2x16x1x10000xf32> to vector<10000xf32>
    %add3A = arith.constant 1.000000e+00 : f32
    %add3A_5 = vector.broadcast %add3A : f32 to vector<10000xf32>
    %add3A_6 = arith.addf %reduce_sum3A_4, %add3A_5 : vector<10000xf32>
    %rsqrt3A = math.rsqrt %add3A_6 : vector<10000xf32>
    %broadcast_in_dim3A = vector.shape_cast %rsqrt3A : vector<10000xf32> to vector<10000x1xf32>
    %swap3A = arith.constant 0 : index
    %swap3A_7 = arith.constant 0 : index
    %swap3A_8 = vector.load %arg1[%swap3A, %swap3A_7] : memref<10000x1xf32, #tpu.memory_space<vmem>>, vector<10000x1xf32>
    tpu.vector_store %arg1[%swap3A, %swap3A_7], %broadcast_in_dim3A {strides = array<i32>} : memref<10000x1xf32, #tpu.memory_space<vmem>>, vector<10000x1xf32>,
    return
  }
}

module attributes {stable_mosaic.version = 14 : i64} {
  func.func @_lin1_body(%arg0: i32, %arg1: memref<1000x128xf32, #tpu.memory_space<vmem>>, %arg2: memref<128x128xf32, #tpu.memory_space<vmem>>, %arg3: memref<1000x1xf32, #tpu.memory_space<vmem>>, %arg4: memref<1000x128xf32, #tpu.memory_space<vmem>>) attributes {dimension_semantics = [#tpu.dimension_semantics<arbitrary>], iteration_bounds = array<i64: 10>, scalar_prefetch = 0 : i64, scratch_operands = 0 : i64, tpu.core_type = #tpu.core_type<tc>, window_params = [{transform_indices = @transform_0, window_bounds = array<i64: 1000, 128>}, {pipeline_mode = #tpu.pipeline_mode<synchronous>, transform_indices = @transform_1, window_bounds = array<i64: 128, 128>}, {transform_indices = @transform_2, window_bounds = array<i64: 1000, 1>}, {transform_indices = @transform_3, window_bounds = array<i64: 1000, 128>}]} {
    %get3A = arith.constant 0 : index
    %get3A_0 = arith.constant 0 : index
    %get3A_1 = vector.load %arg1[%get3A, %get3A_0] : memref<1000x128xf32, #tpu.memory_space<vmem>>, vector<1000x128xf32>
    %get3A_2 = arith.constant 0 : index
    %get3A_3 = arith.constant 0 : index
    %get3A_4 = vector.load %arg2[%get3A_2, %get3A_3] : memref<128x128xf32, #tpu.memory_space<vmem>>, vector<128x128xf32>
    %dot_general3A = arith.constant dense<0.000000e+00> : vector<1000x128xf32>
    %dot_general3A_5 = tpu.matmul %get3A_1, %get3A_4, %dot_general3A {dimension_numbers = #tpu.dot_dimension_numbers<[1], [0], [0], [1], [0, 0, 1, 1], [], []>, transpose_lhs_hint = false} : vector<1000x128xf32>, vector<128x128xf32>, vector<1000x128xf32> -> vector<1000x128xf32>
    %get3A_6 = arith.constant 0 : index
    %get3A_7 = arith.constant 0 : index
    %get3A_8 = vector.load %arg3[%get3A_6, %get3A_7] : memref<1000x1xf32, #tpu.memory_space<vmem>>, vector<1000x1xf32>
    %mul3A = vector.broadcast %get3A_8 : vector<1000x1xf32> to vector<1000x128xf32>
    %mul3A_9 = arith.mulf %dot_general3A_5, %mul3A : vector<1000x128xf32>
    %swap3A = arith.constant 0 : index
    %swap3A_10 = arith.constant 0 : index
    %swap3A_11 = vector.load %arg4[%swap3A, %swap3A_10] : memref<1000x128xf32, #tpu.memory_space<vmem>>, vector<1000x128xf32>
    tpu.vector_store %arg4[%swap3A, %swap3A_10], %mul3A_9 {strides = array<i32>} : memref<1000x128xf32, #tpu.memory_space<vmem>>, vector<1000x128xf32>,
    return
  }
  func.func @transform_0(%arg0: i32) -> (i32, i32) {
    %c0_i32 = arith.constant 0 : i32
    %c0_i32_0 = arith.constant 0 : i32
    return %arg0, %c0_i32 : i32, i32
  }
  func.func @transform_1(%arg0: i32) -> (i32, i32) {
    %c0_i32 = arith.constant 0 : i32
    %c0_i32_0 = arith.constant 0 : i32
    %c0_i32_1 = arith.constant 0 : i32
    return %c0_i32, %c0_i32_0 : i32, i32
  }
  func.func @transform_2(%arg0: i32) -> (i32, i32) {
    %c0_i32 = arith.constant 0 : i32
    %c0_i32_0 = arith.constant 0 : i32
    return %arg0, %c0_i32 : i32, i32
  }
  func.func @transform_3(%arg0: i32) -> (i32, i32) {
    %c0_i32 = arith.constant 0 : i32
    %c0_i32_0 = arith.constant 0 : i32
    return %arg0, %c0_i32 : i32, i32
  }
}

module attributes {stable_mosaic.version = 14 : i64} {
  func.func @_lin2_body(%arg0: i32, %arg1: memref<2x1000x128xf32, #tpu.memory_space<vmem>>, %arg2: memref<1000x128xf32, #tpu.memory_space<vmem>>, %arg3: memref<1000x1xf32, #tpu.memory_space<vmem>>, %arg4: memref<1x128xf32, #tpu.memory_space<vmem>>, %arg5: memref<128x128xf32, #tpu.memory_space<vmem>>, %arg6: memref<1000x128xf32, #tpu.memory_space<vmem>>) attributes {dimension_semantics = [#tpu.dimension_semantics<arbitrary>], iteration_bounds = array<i64: 10>, scalar_prefetch = 0 : i64, scratch_operands = 0 : i64, tpu.core_type = #tpu.core_type<tc>, window_params = [{transform_indices = @transform_0, window_bounds = array<i64: 2, 1000, 128>}, {transform_indices = @transform_1, window_bounds = array<i64: 1000, 128>}, {transform_indices = @transform_2, window_bounds = array<i64: 1000, 1>}, {pipeline_mode = #tpu.pipeline_mode<synchronous>, transform_indices = @transform_3, window_bounds = array<i64: 1, 128>}, {pipeline_mode = #tpu.pipeline_mode<synchronous>, transform_indices = @transform_4, window_bounds = array<i64: 128, 128>}, {transform_indices = @transform_5, window_bounds = array<i64: 1000, 128>}]} {
    %get3A = arith.constant 0 : index
    %get3A_0 = arith.constant 0 : index
    %get3A_1 = vector.load %arg3[%get3A, %get3A_0] : memref<1000x1xf32, #tpu.memory_space<vmem>>, vector<1000x1xf32>
    %get3A_2 = arith.constant 0 : index
    %get3A_3 = arith.constant 0 : index
    %get3A_4 = arith.constant 0 : index
    %get3A_5 = vector.load %arg1[%get3A_2, %get3A_3, %get3A_4] : memref<2x1000x128xf32, #tpu.memory_space<vmem>>, vector<1x1000x128xf32>
    %get3A_6 = vector.shape_cast %get3A_5 : vector<1x1000x128xf32> to vector<1000x128xf32>
    %get3A_7 = arith.constant 1 : index
    %get3A_8 = arith.constant 0 : index
    %get3A_9 = arith.constant 0 : index
    %get3A_10 = vector.load %arg1[%get3A_7, %get3A_8, %get3A_9] : memref<2x1000x128xf32, #tpu.memory_space<vmem>>, vector<1x1000x128xf32>
    %get3A_11 = vector.shape_cast %get3A_10 : vector<1x1000x128xf32> to vector<1000x128xf32>
    %add3A = arith.addf %get3A_6, %get3A_11 : vector<1000x128xf32>
    %get3A_12 = arith.constant 0 : index
    %get3A_13 = arith.constant 0 : index
    %get3A_14 = vector.load %arg2[%get3A_12, %get3A_13] : memref<1000x128xf32, #tpu.memory_space<vmem>>, vector<1000x128xf32>
    %sub3A = arith.subf %add3A, %get3A_14 : vector<1000x128xf32>
    %mul3A = vector.broadcast %get3A_1 : vector<1000x1xf32> to vector<1000x128xf32>
    %mul3A_15 = arith.mulf %sub3A, %mul3A : vector<1000x128xf32>
    %get3A_16 = arith.constant 0 : index
    %get3A_17 = arith.constant 0 : index
    %get3A_18 = vector.load %arg4[%get3A_16, %get3A_17] : memref<1x128xf32, #tpu.memory_space<vmem>>, vector<1x128xf32>
    %add3A_19 = vector.broadcast %get3A_18 : vector<1x128xf32> to vector<1000x128xf32>
    %add3A_20 = arith.addf %mul3A_15, %add3A_19 : vector<1000x128xf32>
    %tanh3A = math.tanh %add3A_20 : vector<1000x128xf32>
    %get3A_21 = arith.constant 0 : index
    %get3A_22 = arith.constant 0 : index
    %get3A_23 = vector.load %arg5[%get3A_21, %get3A_22] : memref<128x128xf32, #tpu.memory_space<vmem>>, vector<128x128xf32>
    %dot_general3A = arith.constant dense<0.000000e+00> : vector<1000x128xf32>
    %dot_general3A_24 = tpu.matmul %tanh3A, %get3A_23, %dot_general3A {dimension_numbers = #tpu.dot_dimension_numbers<[1], [0], [0], [1], [0, 0, 1, 1], [], []>, transpose_lhs_hint = false} : vector<1000x128xf32>, vector<128x128xf32>, vector<1000x128xf32> -> vector<1000x128xf32>
    %mul3A_25 = vector.broadcast %get3A_1 : vector<1000x1xf32> to vector<1000x128xf32>
    %mul3A_26 = arith.mulf %dot_general3A_24, %mul3A_25 : vector<1000x128xf32>
    %swap3A = arith.constant 0 : index
    %swap3A_27 = arith.constant 0 : index
    %swap3A_28 = vector.load %arg6[%swap3A, %swap3A_27] : memref<1000x128xf32, #tpu.memory_space<vmem>>, vector<1000x128xf32>
    tpu.vector_store %arg6[%swap3A, %swap3A_27], %mul3A_26 {strides = array<i32>} : memref<1000x128xf32, #tpu.memory_space<vmem>>, vector<1000x128xf32>,
    return
  }
  func.func @transform_0(%arg0: i32) -> (i32, i32, i32) {
    %c0_i32 = arith.constant 0 : i32
    %c0_i32_0 = arith.constant 0 : i32
    %c0_i32_1 = arith.constant 0 : i32
    return %c0_i32, %arg0, %c0_i32_0 : i32, i32, i32
  }
  func.func @transform_1(%arg0: i32) -> (i32, i32) {
    %c0_i32 = arith.constant 0 : i32
    %c0_i32_0 = arith.constant 0 : i32
    return %arg0, %c0_i32 : i32, i32
  }
  func.func @transform_2(%arg0: i32) -> (i32, i32) {
    %c0_i32 = arith.constant 0 : i32
    %c0_i32_0 = arith.constant 0 : i32
    return %arg0, %c0_i32 : i32, i32
  }
  func.func @transform_3(%arg0: i32) -> (i32, i32) {
    %c0_i32 = arith.constant 0 : i32
    %c0_i32_0 = arith.constant 0 : i32
    %c0_i32_1 = arith.constant 0 : i32
    return %c0_i32, %c0_i32_0 : i32, i32
  }
  func.func @transform_4(%arg0: i32) -> (i32, i32) {
    %c0_i32 = arith.constant 0 : i32
    %c0_i32_0 = arith.constant 0 : i32
    %c0_i32_1 = arith.constant 0 : i32
    return %c0_i32, %c0_i32_0 : i32, i32
  }
  func.func @transform_5(%arg0: i32) -> (i32, i32) {
    %c0_i32 = arith.constant 0 : i32
    %c0_i32_0 = arith.constant 0 : i32
    return %arg0, %c0_i32 : i32, i32
  }
}

module attributes {stable_mosaic.version = 14 : i64} {
  func.func @_head_body(%arg0: i32, %arg1: memref<2x1000x128xf32, #tpu.memory_space<vmem>>, %arg2: memref<1000x128xf32, #tpu.memory_space<vmem>>, %arg3: memref<1000x1xf32, #tpu.memory_space<vmem>>, %arg4: memref<1x128xf32, #tpu.memory_space<vmem>>, %arg5: memref<128x128xf32, #tpu.memory_space<vmem>>, %arg6: memref<1x128xf32, #tpu.memory_space<vmem>>, %arg7: memref<1000x128xf32, #tpu.memory_space<vmem>>, %arg8: memref<1000x128xf32, #tpu.memory_space<vmem>>) attributes {dimension_semantics = [#tpu.dimension_semantics<arbitrary>], iteration_bounds = array<i64: 10>, scalar_prefetch = 0 : i64, scratch_operands = 0 : i64, tpu.core_type = #tpu.core_type<tc>, window_params = [{transform_indices = @transform_0, window_bounds = array<i64: 2, 1000, 128>}, {transform_indices = @transform_1, window_bounds = array<i64: 1000, 128>}, {transform_indices = @transform_2, window_bounds = array<i64: 1000, 1>}, {pipeline_mode = #tpu.pipeline_mode<synchronous>, transform_indices = @transform_3, window_bounds = array<i64: 1, 128>}, {pipeline_mode = #tpu.pipeline_mode<synchronous>, transform_indices = @transform_4, window_bounds = array<i64: 128, 128>}, {pipeline_mode = #tpu.pipeline_mode<synchronous>, transform_indices = @transform_5, window_bounds = array<i64: 1, 128>}, {transform_indices = @transform_6, window_bounds = array<i64: 1000, 128>}, {transform_indices = @transform_7, window_bounds = array<i64: 1000, 128>}]} {
    %get3A = arith.constant 0 : index
    %get3A_0 = arith.constant 0 : index
    %get3A_1 = arith.constant 0 : index
    %get3A_2 = vector.load %arg1[%get3A, %get3A_0, %get3A_1] : memref<2x1000x128xf32, #tpu.memory_space<vmem>>, vector<1x1000x128xf32>
    %get3A_3 = vector.shape_cast %get3A_2 : vector<1x1000x128xf32> to vector<1000x128xf32>
    %get3A_4 = arith.constant 1 : index
    %get3A_5 = arith.constant 0 : index
    %get3A_6 = arith.constant 0 : index
    %get3A_7 = vector.load %arg1[%get3A_4, %get3A_5, %get3A_6] : memref<2x1000x128xf32, #tpu.memory_space<vmem>>, vector<1x1000x128xf32>
    %get3A_8 = vector.shape_cast %get3A_7 : vector<1x1000x128xf32> to vector<1000x128xf32>
    %add3A = arith.addf %get3A_3, %get3A_8 : vector<1000x128xf32>
    %get3A_9 = arith.constant 0 : index
    %get3A_10 = arith.constant 0 : index
    %get3A_11 = vector.load %arg2[%get3A_9, %get3A_10] : memref<1000x128xf32, #tpu.memory_space<vmem>>, vector<1000x128xf32>
    %sub3A = arith.subf %add3A, %get3A_11 : vector<1000x128xf32>
    %get3A_12 = arith.constant 0 : index
    %get3A_13 = arith.constant 0 : index
    %get3A_14 = vector.load %arg3[%get3A_12, %get3A_13] : memref<1000x1xf32, #tpu.memory_space<vmem>>, vector<1000x1xf32>
    %mul3A = vector.broadcast %get3A_14 : vector<1000x1xf32> to vector<1000x128xf32>
    %mul3A_15 = arith.mulf %sub3A, %mul3A : vector<1000x128xf32>
    %get3A_16 = arith.constant 0 : index
    %get3A_17 = arith.constant 0 : index
    %get3A_18 = vector.load %arg4[%get3A_16, %get3A_17] : memref<1x128xf32, #tpu.memory_space<vmem>>, vector<1x128xf32>
    %add3A_19 = vector.broadcast %get3A_18 : vector<1x128xf32> to vector<1000x128xf32>
    %add3A_20 = arith.addf %mul3A_15, %add3A_19 : vector<1000x128xf32>
    %tanh3A = math.tanh %add3A_20 : vector<1000x128xf32>
    %get3A_21 = arith.constant 0 : index
    %get3A_22 = arith.constant 0 : index
    %get3A_23 = vector.load %arg5[%get3A_21, %get3A_22] : memref<128x128xf32, #tpu.memory_space<vmem>>, vector<128x128xf32>
    %dot_general3A = arith.constant dense<0.000000e+00> : vector<1000x128xf32>
    %dot_general3A_24 = tpu.matmul %tanh3A, %get3A_23, %dot_general3A {dimension_numbers = #tpu.dot_dimension_numbers<[1], [0], [0], [1], [0, 0, 1, 1], [], []>, transpose_lhs_hint = false} : vector<1000x128xf32>, vector<128x128xf32>, vector<1000x128xf32> -> vector<1000x128xf32>
    %get3A_25 = arith.constant 0 : index
    %get3A_26 = arith.constant 0 : index
    %get3A_27 = vector.load %arg6[%get3A_25, %get3A_26] : memref<1x128xf32, #tpu.memory_space<vmem>>, vector<1x128xf32>
    %add3A_28 = vector.broadcast %get3A_27 : vector<1x128xf32> to vector<1000x128xf32>
    %add3A_29 = arith.addf %dot_general3A_24, %add3A_28 : vector<1000x128xf32>
    %reduce_max3A = arith.constant dense<0xFF800000> : vector<1000xf32>
    %reduce_max3A_30 = vector.multi_reduction <maximumf>, %add3A_29, %reduce_max3A [1] : vector<1000x128xf32> to vector<1000xf32>
    %broadcast_in_dim3A = vector.shape_cast %reduce_max3A_30 : vector<1000xf32> to vector<1000x1xf32>
    %sub3A_31 = vector.broadcast %broadcast_in_dim3A : vector<1000x1xf32> to vector<1000x128xf32>
    %sub3A_32 = arith.subf %add3A_29, %sub3A_31 : vector<1000x128xf32>
    %exp3A = math.exp %sub3A_32 : vector<1000x128xf32>
    %reduce_sum3A = arith.constant dense<0.000000e+00> : vector<1000xf32>
    %reduce_sum3A_33 = vector.multi_reduction <add>, %exp3A, %reduce_sum3A [1] : vector<1000x128xf32> to vector<1000xf32>
    %broadcast_in_dim3A_34 = vector.shape_cast %reduce_sum3A_33 : vector<1000xf32> to vector<1000x1xf32>
    %log3A = math.log %broadcast_in_dim3A_34 : vector<1000x1xf32>
    %add3A_35 = arith.addf %log3A, %broadcast_in_dim3A : vector<1000x1xf32>
    %swap3A = arith.constant 0 : index
    %swap3A_36 = arith.constant 0 : index
    %swap3A_37 = vector.load %arg7[%swap3A, %swap3A_36] : memref<1000x128xf32, #tpu.memory_space<vmem>>, vector<1000x128xf32>
    tpu.vector_store %arg7[%swap3A, %swap3A_36], %add3A_29 {strides = array<i32>} : memref<1000x128xf32, #tpu.memory_space<vmem>>, vector<1000x128xf32>,
    %sub3A_38 = vector.broadcast %add3A_35 : vector<1000x1xf32> to vector<1000x128xf32>
    %sub3A_39 = arith.subf %add3A_29, %sub3A_38 : vector<1000x128xf32>
    %swap3A_40 = arith.constant 0 : index
    %swap3A_41 = arith.constant 0 : index
    %swap3A_42 = vector.load %arg8[%swap3A_40, %swap3A_41] : memref<1000x128xf32, #tpu.memory_space<vmem>>, vector<1000x128xf32>
    tpu.vector_store %arg8[%swap3A_40, %swap3A_41], %sub3A_39 {strides = array<i32>} : memref<1000x128xf32, #tpu.memory_space<vmem>>, vector<1000x128xf32>,
    return
  }
  func.func @transform_0(%arg0: i32) -> (i32, i32, i32) {
    %c0_i32 = arith.constant 0 : i32
    %c0_i32_0 = arith.constant 0 : i32
    %c0_i32_1 = arith.constant 0 : i32
    return %c0_i32, %arg0, %c0_i32_0 : i32, i32, i32
  }
  func.func @transform_1(%arg0: i32) -> (i32, i32) {
    %c0_i32 = arith.constant 0 : i32
    %c0_i32_0 = arith.constant 0 : i32
    return %arg0, %c0_i32 : i32, i32
  }
  func.func @transform_2(%arg0: i32) -> (i32, i32) {
    %c0_i32 = arith.constant 0 : i32
    %c0_i32_0 = arith.constant 0 : i32
    return %arg0, %c0_i32 : i32, i32
  }
  func.func @transform_3(%arg0: i32) -> (i32, i32) {
    %c0_i32 = arith.constant 0 : i32
    %c0_i32_0 = arith.constant 0 : i32
    %c0_i32_1 = arith.constant 0 : i32
    return %c0_i32, %c0_i32_0 : i32, i32
  }
  func.func @transform_4(%arg0: i32) -> (i32, i32) {
    %c0_i32 = arith.constant 0 : i32
    %c0_i32_0 = arith.constant 0 : i32
    %c0_i32_1 = arith.constant 0 : i32
    return %c0_i32, %c0_i32_0 : i32, i32
  }
  func.func @transform_5(%arg0: i32) -> (i32, i32) {
    %c0_i32 = arith.constant 0 : i32
    %c0_i32_0 = arith.constant 0 : i32
    %c0_i32_1 = arith.constant 0 : i32
    return %c0_i32, %c0_i32_0 : i32, i32
  }
  func.func @transform_6(%arg0: i32) -> (i32, i32) {
    %c0_i32 = arith.constant 0 : i32
    %c0_i32_0 = arith.constant 0 : i32
    return %arg0, %c0_i32 : i32, i32
  }
  func.func @transform_7(%arg0: i32) -> (i32, i32) {
    %c0_i32 = arith.constant 0 : i32
    %c0_i32_0 = arith.constant 0 : i32
    return %arg0, %c0_i32 : i32, i32
  }
}

</mosaic_0001>

<sc_bundles>
// kernel: kernel.12.cloned.1.call-start
scs
__scs_entry_jumppad:
0x0: {  	(pc) =	sbr.rel $0x88, $3  }
0x1: {  	(tag) =	ssettag $0x0;
	lr =	simm.s32 $0x1  }
0x2: {  	[smem:$0x3F99] =	sst lr;
	_ =	strace $0xD0000000  }
0x3: {  	_ = 	snop  }
0x4: {  	_ = 	snop  }
0x5: {  	_ = 	snop  }
0x6: {  	_ = 	snop  }
0x7: {  	_ = 	snop  }
__scs_overlays_trampoline_lowered:
0x8: {  	[smem:$0x3FA8] =	sst s0  }
0x9: {  	[smem:$0x3FA9] =	sst s1  }
0xa: {  	[smem:$0x3FAA] =	sst s2  }
0xb: {  	[smem:$0x3FAB] =	sst s3  }
0xc: {  	[smem:$0x3FAC] =	sst s4  }
0xd: {  	[smem:$0x3FAD] =	sst s5  }
0xe: {  	[smem:$0x3FAE] =	sst s6  }
0xf: {  	[smem:$0x3FAF] =	sst s7  }
0x10: {  	[smem:$0x3FB0] =	sst s8  }
0x11: {  	[smem:$0x3FB1] =	sst s9;
	s0 =	simm.s32 @!p0 $0x0  }
0x12: {  	s1 =	sld [smem:$0x3F97];
	s0 =	simm.s32 @p0 $0x1  }
0x13: {  	[smem:$0x3FB2] =	sst s0;
	s0 =	simm.s32 @!p1 $0x0  }
0x14: {  	s2 =	sld [smem:$0x3F96];
	s0 =	simm.s32 @p1 $0x1  }
0x15: {  	[smem:$0x3FB3] =	sst s0;
	s0 =	simm.s32 @!p2 $0x0  }
0x16: {  	s3 =	sld [smem:$0x3FDB];
	s0 =	simm.s32 @p2 $0x1  }
0x17: {  	s4 =	simm.s32 $0x1BF5;
	[smem:$0x3FB5] =	sst s0  }
0x18: {  	s0 =	sld [smem:$0x3F98];
	_ =	swait.ge [sflag:s4], $0x0  }
0x19: {  	s7 =	sld [smem:$0x3F99]  }
0x1a: {  	s8 =	sadd.s32 $0xFFFFE003, lr  }
0x1b: {  	s9 =	sadd.s32 $0xFFFFFEF7, lr;
	s5 =	simm.s32 $0xFFFFFFFF;
	p2 =	slt.u32 s8, $0xFFFFF086  }
0x1c: {  	p1 =	slt.u32 s9, $0xF7A;
	s5 =	simm.s32 @!p2 $0x0  }
0x1d: {  	s5 =	simm.s32 @p1 $0x1;
	p0 =	seq.s32 s7, s2  }
0x1e: {  	s7 =	smul.u32 @!p0 $0xF7A, s2;
	p2 =	seq.s32 @!p0 s5, $0x0  }
0x1f: {  	s9 =	smul.u32 $0xF7A, s1;
	s8 =	simm.s32 @!p0 $0x1BF5;
	p2 =	por !p2, p0  }
0x20: {  	[sflag:s8] =	ssyncset.s32 @!p0 $0xFFFFF086;
	s6 =	sadd.s32 @!p0 s3, s7;
	s7 =	simm.s32 @!p0 $0x108  }
0x21: {  	s3 =	sadd.s32 s3, s9;
	s6 =	sadd.s32 @!p0 $0x88, s6;
	s7 =	simm.s32 @p2 $0x1082  }
0x22: {  	[simem:s7], [sflag:s8] =	dma.local @!p0 [hbm:s6], $0xF7A  }
0x23: {  	s9 =	sor.u32 $0xD0000000, s2;
	s6 =	simm.s32 $0x108;
	_ =	swait.ge @!p0 [sflag:s8], $0x0  }
0x24: {  	s3 =	sadd.s32 $0x88, s3;
	s6 =	simm.s32 @!p1 $0x1082;
	[sflag:s4] =	ssyncset.s32 $0xFFFFF086  }
0x25: {  	[simem:s6], [sflag:s4] =	dma.local [hbm:s3], $0xF7A  }
0x26: {  	[smem:$0x3F99] =	sst s1;
	(tag) =	ssettag s2;
	_ =	strace s9  }
0x27: {  	s1 =	sld [smem:$0x3FA9]  }
0x28: {  	s2 =	sld [smem:$0x3FAA]  }
0x29: {  	s4 =	sld [smem:$0x3FAC]  }
0x2a: {  	p0 =	seq.s32 s5, $0x0;
	s5 =	sld [smem:$0x3FAD]  }
0x2b: {  	s6 =	sld [smem:$0x3FAE]  }
0x2c: {  	s7 =	sld [smem:$0x3FAF]  }
0x2d: {  	s3 =	simm.s32 $0x108;
	s8 =	sld [smem:$0x3FB0]  }
0x2e: {  	s3 =	simm.s32 @!p0 $0x1082;
	s9 =	sld [smem:$0x3FB1]  }
0x2f: {  	lr =	sadd.s32 s0, s3;
	s0 =	sld [smem:$0x3FA8]  }
0x30: {  	s3 =	sld [smem:$0x3FAB]  }
0x31: {  	[smem:$0x3FB4] =	sst s10  }
0x32: {  	s10 =	sld [smem:$0x3FB2];
	_ =	sdelay $0x3  }
0x33: {  	p0 =	seq.s32 s10, $0x1;
	s10 =	sld [smem:$0x3FB4];
	_ =	sdelay $0x3  }
0x34: {  	[smem:$0x3FB4] =	sst s10  }
0x35: {  	s10 =	sld [smem:$0x3FB3];
	_ =	sdelay $0x3  }
0x36: {  	p1 =	seq.s32 s10, $0x1;
	s10 =	sld [smem:$0x3FB4];
	_ =	sdelay $0x3  }
0x37: {  	[smem:$0x3FB4] =	sst s10  }
0x38: {  	s10 =	sld [smem:$0x3FB5]  }
0x39: {  	_ = 	snop;
	(pc) =	sbr.ind lr, $3  }
0x3a: {  	_ = 	snop  }
0x3b: {  	_ = 	snop  }
0x3c: {  	p2 =	seq.s32 s10, $0x1;
	s10 =	sld [smem:$0x3FB4]  }
0x3d: {  	_ =	shalt  }
0x3e: {  	_ =	shalt  }
0x3f: {  	_ =	shalt  }
0x40: {  	_ =	shalt  }
0x41: {  	_ =	shalt  }
0x42: {  	_ =	shalt  }
0x43: {  	_ =	shalt  }
0x44: {  	_ =	shalt  }
0x45: {  	_ =	shalt  }
0x46: {  	_ =	shalt  }
0x47: {  	_ =	shalt  }
0x48: {  	_ =	shalt  }
0x49: {  	_ =	shalt  }
0x4a: {  	_ =	shalt  }
0x4b: {  	_ =	shalt  }
0x4c: {  	_ =	shalt  }
0x4d: {  	_ =	shalt  }
0x4e: {  	_ =	shalt  }
0x4f: {  	_ =	shalt  }
0x50: {  	_ =	shalt  }
0x51: {  	_ =	shalt  }
0x52: {  	_ =	shalt  }
0x53: {  	_ =	shalt  }
0x54: {  	_ =	shalt  }
0x55: {  	_ =	shalt  }
0x56: {  	_ =	shalt  }
0x57: {  	_ =	shalt  }
0x58: {  	_ =	shalt  }
0x59: {  	_ =	shalt  }
0x5a: {  	_ =	shalt  }
0x5b: {  	_ =	shalt  }
0x5c: {  	_ =	shalt  }
0x5d: {  	_ =	shalt  }
0x5e: {  	_ =	shalt  }
0x5f: {  	_ =	shalt  }
0x60: {  	_ =	shalt  }
0x61: {  	_ =	shalt  }
0x62: {  	_ =	shalt  }
0x63: {  	_ =	shalt  }
0x64: {  	_ =	shalt  }
0x65: {  	_ =	shalt  }
0x66: {  	_ =	shalt  }
0x67: {  	_ =	shalt  }
0x68: {  	_ =	shalt  }
0x69: {  	_ =	shalt  }
0x6a: {  	_ =	shalt  }
0x6b: {  	_ =	shalt  }
0x6c: {  	_ =	shalt  }
0x6d: {  	_ =	shalt  }
0x6e: {  	_ =	shalt  }
0x6f: {  	_ =	shalt  }
0x70: {  	_ =	shalt  }
0x71: {  	_ =	shalt  }
0x72: {  	_ =	shalt  }
0x73: {  	_ =	shalt  }
0x74: {  	_ =	shalt  }
0x75: {  	_ =	shalt  }
0x76: {  	_ =	shalt  }
0x77: {  	_ =	shalt  }
0x78: {  	_ =	shalt  }
0x79: {  	_ =	shalt  }
0x7a: {  	_ =	shalt  }
0x7b: {  	_ =	shalt  }
0x7c: {  	_ =	shalt  }
0x7d: {  	_ =	shalt  }
0x7e: {  	_ =	shalt  }
0x7f: {  	_ =	shalt  }
0x80: {  	_ =	shalt  }
0x81: {  	_ =	shalt  }
0x82: {  	_ =	shalt  }
0x83: {  	_ =	shalt  }
0x84: {  	_ =	shalt  }
0x85: {  	_ =	shalt  }
0x86: {  	_ =	shalt  }
0x87: {  	_ =	shalt  }
.Lfunc_end0:
.L_simem_size_0:
called_computation.1_lowered:
.L_overlay_start_0:
0x88: {  	s2 =	sld [smem:$0x3FD9]  }
0x89: {  	s3 =	sld [smem:$0x3FFE];
	_ =	sdelay $0x1  }
0x8a: {  	s1 =	srdreg.scid  }
0x8b: {  	s0 =	sand.u32 $0x1, s1  }
0x8c: {  	s14 =	sshll.u32 s0, $0xA;
	s2 =	sadd.s32 s3, s2  }
0x8d: {  	s2 =	sadd.s32 s2, s14  }
0x8e: {  	[smem:$0x3FC0] =	sst s2  }
0x8f: {  	_ = 	snop  }
0x90: {  	s2 =	sld [smem:$0x3FD0];
	_ =	sdelay $0x2  }
0x91: {  	s15 =	simm.s32 $0xA;
	s4 =	simm.s32 $0x10  }
0x92: {  	[smem:s4], [sflag:s15] =	dma.local [hbm:s2], $0x1  }
0x93: {  	_ =	swait.eq [sflag:s15], $0x1  }
0x94: {  	[sflag:s15] =	ssyncset.done $0x0  }
0x95: {  	s16 =	sld [smem:$0x10];
	[sflag:s15] =	ssyncadd.s32 $0xFFFFFFFF  }
0x96: {  	s17 =	sld [smem:$0x11];
	(tm) =	ssettm $0x1  }
0x97: {  	s18 =	sld [smem:$0x3FFB];
	_ =	sdelay $0x3  }
0x98: {  	_ =	strace s18  }
0x99: {  	s4 =	sld [smem:$0x3FFC];
	_ =	sdelay $0x3  }
0x9a: {  	_ =	strace s4  }
0x9b: {  	s4 =	sld [smem:$0x3FFD];
	_ =	sdelay $0x3  }
0x9c: {  	_ =	strace s4  }
0x9d: {  	_ =	strace $0x8FFFFFFF  }
0x9e: {  	s19 =	sld [smem:$0x3FDB];
	_ =	sdelay $0x1  }
0x9f: {  	s5 =	simm.s32 $_scs_section_size  }
0xa0: {  	s6 =	simm.s32 $_size__tile_overlayer_lowered;
	s7 =	simm.s32 $_tile_overlayer_lowered  }
0xa1: {  	s22 =	simm.s32 $0x1BFF;
	s21 =	sshll.u32 s7, $0x1;
	s4 =	sadd.s32 s5, s19  }
0xa2: {  	s8 =	simm.s32 $0x0;
	s20 =	sshll.u32 s6, $0x1;
	s6 =	sadd.s32 s21, s4  }
0xa3: {  	[timem:s8], [sflag:s22] =	dma.local [hbm:s6], s20  }
0xa4: {  	_ =	swait.ge [sflag:s22], s20  }
0xa5: {  	s5 =	ssub.s32 $0x0, s20;
	[sflag:s22] =	ssyncset.done $0x0  }
0xa6: {  	[sflag:s22] =	ssyncadd.s32 s5;
	_ =	sdelay $0x1  }
0xa7: {  	s23 =	simm.s32 $0x1B8B  }
0xa8: {  	_ =	swait.ge [sflag:s23], $0x1  }
0xa9: {  	[sflag:s23] =	ssyncset.done $0x0  }
0xaa: {  	s25 =	simm.s32 $0x1B8E;
	s24 =	sld [smem:$0x3FFE];
	[sflag:s23] =	ssyncadd.s32 $0xFFFFFFFF  }
0xab: {  	s26 =	simm.s32 $execute0_lowered;
	[smem:$0x3FD2] =	sst s25  }
0xac: {  	s6 =	sshll.u32 s26, $0x1;
	_ =	strace $0x80000049;
	[dreg:$0x1] =	wrdreg $0xFFFFFFFF  }
0xad: {  	s28 =	simm.s32 $_size_execute0_lowered;
	s4 =	sadd.s32 s4, s6;
	[dreg:$0x0] =	wrdreg $0x0  }
0xae: {  	s6 =	sshll.u32 s28, $0x1;
	[dreg:$0x2] =	wrdreg s4  }
0xaf: {  	[dreg:$0x3] =	wrdreg s6  }
0xb0: {  	[dreg:$0x4] =	wrdreg $0xC0  }
0xb1: {  	_ =	task [dreg:s8], $0x5FFFF  }
0xb2: {  	[dreg:$0x1] =	wrdreg $0xFFFFFFFF  }
0xb3: {  	[dreg:$0x0] =	wrdreg $0x60  }
0xb4: {  	[dreg:$0x2] =	wrdreg s17  }
0xb5: {  	[dreg:$0x3] =	wrdreg s16  }
0xb6: {  	[dreg:$0x4] =	wrdreg s24  }
0xb7: {  	[dreg:$0x5] =	wrdreg $0xA7000  }
0xb8: {  	[dreg:$0x6] =	wrdreg $0x9  }
0xb9: {  	_ =	task.clear_ibuf [dreg:s8], $0x7FFFF;
	_ =	strace $0x90000049  }
0xba: {  	s29 =	simm.s32 $0x9;
	_ =	strace $0x8000004B  }
0xbb: {  	_ =	swait.ge [sflag:s29], $0x1  }
0xbc: {  	[sflag:s29] =	ssyncadd.s32 $0xFFFFFFFF  }
0xbd: {  	_ =	strace $0x9000004B  }
0xbe: {  	_ =	sfence  }
0xbf: {  	s30 =	sld [smem:$0x0];
	_ =	sdelay $0x2  }
0xc0: {  	s31 =	sshll.u32 s1, $0xD;
	s1 =	sshrl.u32 s1, $0x2  }
0xc1: {  	s3 =	sand.u32 $0x4000, s31;
	s1 =	sadd.s32 s1, s30  }
0xc2: {  	s0 =	sor.u32 s3, s0;
	s1 =	sshll.u32 s1, $0x11  }
0xc3: {  	s0 =	sor.u32 s1, s0  }
0xc4: {  	s0 =	sadd.s32 $0x8F2B, s0  }
0xc5: {  	[sflag:s0] =	ssyncadd.remote.s32 $0x1  }
0xc6: {  	_ =	sfence.sel $0xFFFF  }
0xc7: {  	[dreg:$0x0] =	wrdreg $0xFFFFFFFF;
	(pc) =	sbr.abs _section_cstart, $3  }
0xc8: {  	[dreg:$0x1] =	wrdreg $0xFFFFFFFF  }
0xc9: {  	_ =	task.clear_ibuf [dreg:s8], $0x2FFFF;
	_ =	strace $0x9FFFFFFF  }
0xca: {  	(tm) =	ssettm $0x7FFFFFFF  }
0xcb: {  	_ =	shalt  }
tec
execute0_lowered:
.L_overlay_start_1:
0x0: {  	(tag) =	ssettag $0x1  }
0x1: {  	s0 =	rddreg [dreg:$0x0]  }
0x2: {  	s1 =	srdreg.scid;
	s2 =	rddreg [dreg:$0x1]  }
0x3: {  	s4 =	rddreg [dreg:$0x2];
	s11 =	stileid.u32  }
0x4: {  	s3 =	rddreg [dreg:$0x3];
	s7 =	simm.s32 $0x0;
	s19 =	simm.s32 $0x10  }
0x5: {  	s13 =	simm.s32 $0xE;
	s12 =	simm.s32 $0x11;
	s16 =	simm.s32 $0x9  }
0x6: {  	s17 =	simm.s32 $0x12;
	s18 =	simm.s32 $0xA;
	s20 =	smul.u32 $0x4F000, s11  }
0x7: {  	s14 =	simm.s32 $0x13;
	s1 =	sand.u32 $0x1, s1;
	s8 =	smul.u32 $0x2780, s11  }
0x8: {  	s6 =	sshll.u32 s11, $0x7;
	[smem:$0x7FF] =	sst s7;
	s22 =	smul.u32 $0x13C00, s11  }
0x9: {  	s29 =	sadd.s32 $0x25080, s0;
	p0 =	seq.s32 s11, $0xF;
	s5 =	sshll.u32 s1, $0x4  }
0xa: {  	s6 =	sand.u32 $0x380, s6;
	_ =	strace $0x8000004A;
	s21 =	ssub.s32 $0x2, s1  }
0xb: {  	s1 =	smul.u32 $0x138800, s1;
	[dreg:$0x8] =	wrdreg s29;
	s5 =	sor.u32 s11, s5  }
0xc: {  	s10 =	sshrl.u32 s21, $0x1;
	s24 =	sshrl.u32 s20, $0x2;
	s25 =	sadd.s32 s0, s8  }
0xd: {  	s8 =	simm.s32 $0x6;
	s20 =	simm.s32 $0xB;
	s5 =	sshrl.u32 s5, $0x3  }
0xe: {  	s7 =	ssub.s32 s21, s10;
	[dreg:$0x7] =	wrdreg s25;
	s5 =	smul.u32 $0x13C00, s5  }
0xf: {  	s26 =	sadd.s32 s22, s1;
	s1 =	sshrl.u32 s1, $0x3;
	s10 =	simm.s32 $0x7  }
0x10: {  	s21 =	simm.s32 $0x14;
	s31 =	smax.u32 s7, $0x1;
	s5 =	sor.u32 s6, s5  }
0x11: {  	s7 =	simm.s32 $0x5;
	s6 =	sadd.s32 $0x128400, s3;
	s5 =	sshrl.u32 s5, $0x3  }
0x12: {  	[dreg:$0xb] =	wrdreg s31;
	s28 =	sshrl.u32 @p0 s6, $0x3;
	s9 =	sadd.s32 s5, s4  }
0x13: {  	s4 =	sadd.s32 $0x16200, s4;
	s2 =	sadd.s32 s2, s5;
	[dreg:$0xc] =	wrdreg s28  }
0x14: {  	s5 =	sshrl.u32 s26, $0x3;
	[dreg:$0x5] =	wrdreg s2;
	s23 =	sadd.s32 $0xC400, s9  }
0x15: {  	s5 =	sadd.s32 s4, s5;
	s1 =	sadd.s32 s4, s1;
	[dreg:$0x6] =	wrdreg s23  }
0x16: {  	s2 =	sadd.s32 s24, s3;
	[dreg:$0x9] =	wrdreg s5;
	s1 =	sadd.s32 $0x25080, s1  }
0x17: {  	s2 =	sshrl.u32 @!p0 s2, $0x3;
	[dreg:$0xa] =	wrdreg s1;
	s1 =	sshll.u32 @!p0 s11, $0x6  }
0x18: {  	s9 =	simm.s32 $0xF;
	[dreg:$0xe] =	wrdreg s2;
	s30 =	sor.u32 @!p0 $0x1C17, s1  }
0x19: {  	s11 =	simm.s32 $0x8;
	s1 =	simm.s32 $0x0;
	[dreg:$0xd] =	wrdreg s30  }
.LBB2_1:
0x1a: {  	[dreg:$0xf] =	wrdreg s1  }
0x1b: {  	s29 =	simm.s32 $0x0;
	s23 =	rddreg [dreg:$0x5]  }
0x1c: {  	s4 =	simm.s32 $0x80;
	s31 =	simm.s32 $0x400;
	s25 =	simm.s32 $0x17  }
0x1d: {  	[tilespmem:s29], [sflag:$0x17] =	stream.strided.gather [hbm4b:s23+s4], $0x2780, s31, s4, $0x38;
	[tilespmem:$0x1DF80] =	vst v63  }
0x1e: {  	_ =	swait.ge [sflag:s25], $0x2780  }
0x1f: {  	[sflag:s25] =	ssyncset.done $0x0  }
0x20: {  	s22 =	simm.s32 $0x2780;
	s15 =	rddreg [dreg:$0x6];
	[sflag:s25] =	ssyncadd.s32 $0xFFFFD880  }
0x21: {  	[tilespmem:s22], [sflag:$0x17] =	stream.strided.gather [hbm4b:s15+s4], $0x2780, s31, s4, $0x38;
	[tilespmem:$0x1DF80] =	vst v63  }
0x22: {  	_ =	swait.ge [sflag:s25], $0x2780  }
0x23: {  	s6 =	smov.u32 s28;
	[sflag:s25] =	ssyncset.done $0x0  }
0x24: {  	s23 =	simm.s32 @p0 $0x1FD7;
	s28 =	rddreg [dreg:$0x8];
	[sflag:s25] =	ssyncadd.s32 $0xFFFFD880  }
0x25: {  	[spmem:s6], [sflag:s23] =	dma.local @p0 [hbm:s28], $0x2080  }
0x26: {  	s23 =	simm.s32 @p0 $0x17  }
0x27: {  	_ =	swait.ge @p0 [sflag:s23], $0x2080  }
0x28: {  	[sflag:s23] =	ssyncset.done @p0 $0x0  }
0x29: {  	s5 =	smov.u32 s30;
	[sflag:s23] =	ssyncadd.s32 @p0 $0xFFFFDF80;
	s23 =	rddreg [dreg:$0x7]  }
0x2a: {  	[spmem:s2], [sflag:s5] =	dma.local @!p0 [hbm:s23], $0x2780  }
0x2b: {  	s23 =	simm.s32 @!p0 $0x17  }
0x2c: {  	_ =	swait.ge @!p0 [sflag:s23], $0x2780  }
0x2d: {  	[sflag:s23] =	ssyncset.done @!p0 $0x0  }
0x2e: {  	[sflag:s23] =	ssyncadd.s32 @!p0 $0xFFFFD880  }
0x2f: {  	s28 =	simm.s32 $0x4F00;
	[bflag:$0x0] =	sbarrier.arrive $0xFFFF  }
0x30: {  	[tilespmem:s28], [sflag:$0x1] =	stream.indirect.gather [hbm4b:s0+s19], $0x80, s29, s19, $0xb8;
	[tilespmem:$0x1DF80] =	vst v63  }
0x31: {  	s2 =	simm.s32 $0x5700  }
0x32: {  	[tilespmem:s2], [sflag:$0x2] =	stream.indirect.gather [hbm4b:s0+s19], $0x80, s19, s19, $0xb8;
	[tilespmem:$0x1DF80] =	vst v63  }
0x33: {  	s30 =	simm.s32 $0x5F00;
	s15 =	simm.s32 $0x20  }
0x34: {  	[tilespmem:s30], [sflag:$0x3] =	stream.indirect.gather [hbm4b:s0+s19], $0x80, s15, s19, $0xb8;
	[tilespmem:$0x1DF80] =	vst v63  }
0x35: {  	s22 =	simm.s32 $0x6700;
	s23 =	simm.s32 $0x30  }
0x36: {  	[tilespmem:s22], [sflag:$0x4] =	stream.indirect.gather [hbm4b:s0+s19], $0x80, s23, s19, $0xb8;
	[tilespmem:$0x1DF80] =	vst v63  }
0x37: {  	s24 =	simm.s32 $0x40;
	s26 =	simm.s32 $0x6F00  }
0x38: {  	[tilespmem:s26], [sflag:$0x5] =	stream.indirect.gather [hbm4b:s0+s19], $0x80, s24, s19, $0xb8;
	[tilespmem:$0x1DF80] =	vst v63  }
0x39: {  	s31 =	simm.s32 $0x7700;
	s25 =	simm.s32 $0x50  }
0x3a: {  	[tilespmem:s31], [sflag:$0x6] =	stream.indirect.gather [hbm4b:s0+s19], $0x80, s25, s19, $0xb8;
	[tilespmem:$0x1DF80] =	vst v63  }
0x3b: {  	s29 =	simm.s32 $0x60;
	s24 =	simm.s32 $0x7F00  }
0x3c: {  	[tilespmem:s24], [sflag:$0x7] =	stream.indirect.gather [hbm4b:s0+s19], $0x80, s29, s19, $0xb8;
	[tilespmem:$0x1DF80] =	vst v63  }
0x3d: {  	s1 =	simm.s32 $0x70;
	s29 =	simm.s32 $0x8700  }
0x3e: {  	[tilespmem:s29], [sflag:$0x8] =	stream.indirect.gather [hbm4b:s0+s19], $0x80, s1, s19, $0xb8;
	[tilespmem:$0x1DF80] =	vst v63  }
0x3f: {  	s5 =	simm.s32 $0x1;
	s1 =	simm.s32 $0x8F00  }
0x40: {  	[tilespmem:s1], [sflag:$0x9] =	stream.indirect.gather [hbm4b:s0+s19], $0x80, s4, s19, $0xb8;
	[tilespmem:$0x1DF80] =	vst v63  }
0x41: {  	_ =	swait.ge [sflag:s5], $0x800  }
0x42: {  	p1 =	por $0x1, $0x1;
	[sflag:s5] =	ssyncset.done $0x0  }
0x43: {  	s6 =	simm.s32 $0x2780;
	s25 =	simm.s32 @!p1 $0x15;
	[sflag:s5] =	ssyncadd.s32 $0xFFFFF800  }
0x44: {  	[spmem:s3] =	stream.indirect.scatter.add.f32 [tilespmem:s28], [sflag:$0xC], $0x80, s6, s19, $0xb8;
	[tilespmem:$0x1DF80] =	vst v63  }
0x45: {  	_ =	swait.ge @!p1 [sflag:s25], $0x800  }
0x46: {  	s15 =	simm.s32 $0x90;
	[sflag:s25] =	ssyncset.done @!p1 $0x0  }
0x47: {  	s6 =	simm.s32 $0x9700;
	[sflag:s25] =	ssyncadd.s32 @!p1 $0xFFFFF800;
	s25 =	simm.s32 $0x2  }
0x48: {  	[tilespmem:s6], [sflag:$0xA] =	stream.indirect.gather [hbm4b:s0+s19], $0x80, s15, s19, $0xb8;
	[tilespmem:$0x1DF80] =	vst v63  }
0x49: {  	_ =	swait.ge [sflag:s25], $0x800  }
0x4a: {  	[sflag:s25] =	ssyncset.done $0x0  }
0x4b: {  	s5 =	simm.s32 $0x2790;
	[sflag:s25] =	ssyncadd.s32 $0xFFFFF800;
	s25 =	simm.s32 @!p1 $0x16  }
0x4c: {  	[spmem:s3] =	stream.indirect.scatter.add.f32 [tilespmem:s2], [sflag:$0xD], $0x80, s5, s19, $0xb8;
	[tilespmem:$0x1DF80] =	vst v63  }
0x4d: {  	_ =	swait.ge @!p1 [sflag:s25], $0x800  }
0x4e: {  	s15 =	simm.s32 $0xA0;
	[sflag:s25] =	ssyncset.done @!p1 $0x0  }
0x4f: {  	s5 =	simm.s32 $0x9F00;
	[sflag:s25] =	ssyncadd.s32 @!p1 $0xFFFFF800;
	s25 =	simm.s32 $0x3  }
0x50: {  	[tilespmem:s5], [sflag:$0xB] =	stream.indirect.gather [hbm4b:s0+s19], $0x80, s15, s19, $0xb8;
	[tilespmem:$0x1DF80] =	vst v63  }
0x51: {  	_ =	swait.ge [sflag:s25], $0x800  }
0x52: {  	[sflag:s25] =	ssyncset.done $0x0  }
0x53: {  	s23 =	simm.s32 $0xC;
	s15 =	simm.s32 $0x27A0;
	[sflag:s25] =	ssyncadd.s32 $0xFFFFF800  }
0x54: {  	[spmem:s3] =	stream.indirect.scatter.add.f32 [tilespmem:s30], [sflag:$0xE], $0x80, s15, s19, $0xb8;
	[tilespmem:$0x1DF80] =	vst v63  }
0x55: {  	_ =	swait.ge [sflag:s23], $0x800  }
0x56: {  	[sflag:s23] =	ssyncset.done $0x0  }
0x57: {  	s25 =	simm.s32 $0xB0;
	[sflag:s23] =	ssyncadd.s32 $0xFFFFF800  }
0x58: {  	[tilespmem:s28], [sflag:$0x1] =	stream.indirect.gather [hbm4b:s0+s19], $0x80, s25, s19, $0xb8;
	[tilespmem:$0x1DF80] =	vst v63  }
0x59: {  	s28 =	simm.s32 $0x4  }
0x5a: {  	_ =	swait.ge [sflag:s28], $0x800  }
0x5b: {  	[sflag:s28] =	ssyncset.done $0x0  }
0x5c: {  	s15 =	simm.s32 $0x27B0;
	s25 =	simm.s32 $0xD;
	[sflag:s28] =	ssyncadd.s32 $0xFFFFF800  }
0x5d: {  	[spmem:s3] =	stream.indirect.scatter.add.f32 [tilespmem:s22], [sflag:$0xF], $0x80, s15, s19, $0xb8;
	[tilespmem:$0x1DF80] =	vst v63  }
0x5e: {  	_ =	swait.ge [sflag:s25], $0x800  }
0x5f: {  	[sflag:s25] =	ssyncset.done $0x0  }
0x60: {  	s28 =	simm.s32 $0xC0;
	[sflag:s25] =	ssyncadd.s32 $0xFFFFF800  }
0x61: {  	[tilespmem:s2], [sflag:$0x2] =	stream.indirect.gather [hbm4b:s0+s19], $0x80, s28, s19, $0xb8;
	[tilespmem:$0x1DF80] =	vst v63  }
0x62: {  	_ =	swait.ge [sflag:s7], $0x800  }
0x63: {  	[sflag:s7] =	ssyncset.done $0x0  }
0x64: {  	s15 =	simm.s32 $0x27C0;
	[sflag:s7] =	ssyncadd.s32 $0xFFFFF800  }
0x65: {  	[spmem:s3] =	stream.indirect.scatter.add.f32 [tilespmem:s26], [sflag:$0x10], $0x80, s15, s19, $0xb8;
	[tilespmem:$0x1DF80] =	vst v63  }
0x66: {  	_ =	swait.ge [sflag:s13], $0x800  }
0x67: {  	[sflag:s13] =	ssyncset.done $0x0  }
0x68: {  	s25 =	simm.s32 $0xD0;
	[sflag:s13] =	ssyncadd.s32 $0xFFFFF800  }
0x69: {  	[tilespmem:s30], [sflag:$0x3] =	stream.indirect.gather [hbm4b:s0+s19], $0x80, s25, s19, $0xb8;
	[tilespmem:$0x1DF80] =	vst v63  }
0x6a: {  	_ =	swait.ge [sflag:s8], $0x800  }
0x6b: {  	[sflag:s8] =	ssyncset.done $0x0  }
0x6c: {  	s28 =	simm.s32 $0x27D0;
	[sflag:s8] =	ssyncadd.s32 $0xFFFFF800  }
0x6d: {  	[spmem:s3] =	stream.indirect.scatter.add.f32 [tilespmem:s31], [sflag:$0x11], $0x80, s28, s19, $0xb8;
	[tilespmem:$0x1DF80] =	vst v63  }
0x6e: {  	_ =	swait.ge [sflag:s9], $0x800  }
0x6f: {  	[sflag:s9] =	ssyncset.done $0x0  }
0x70: {  	s30 =	simm.s32 $0xE0;
	[sflag:s9] =	ssyncadd.s32 $0xFFFFF800  }
0x71: {  	[tilespmem:s22], [sflag:$0x4] =	stream.indirect.gather [hbm4b:s0+s19], $0x80, s30, s19, $0xb8;
	[tilespmem:$0x1DF80] =	vst v63  }
0x72: {  	_ =	swait.ge [sflag:s10], $0x800  }
0x73: {  	[sflag:s10] =	ssyncset.done $0x0  }
0x74: {  	s2 =	simm.s32 $0x27E0;
	[sflag:s10] =	ssyncadd.s32 $0xFFFFF800  }
0x75: {  	[spmem:s3] =	stream.indirect.scatter.add.f32 [tilespmem:s24], [sflag:$0x12], $0x80, s2, s19, $0xb8;
	[tilespmem:$0x1DF80] =	vst v63  }
0x76: {  	_ =	swait.ge [sflag:s19], $0x800  }
0x77: {  	[sflag:s19] =	ssyncset.done $0x0  }
0x78: {  	s4 =	simm.s32 $0xF0;
	[sflag:s19] =	ssyncadd.s32 $0xFFFFF800  }
0x79: {  	[tilespmem:s26], [sflag:$0x5] =	stream.indirect.gather [hbm4b:s0+s19], $0x80, s4, s19, $0xb8;
	[tilespmem:$0x1DF80] =	vst v63  }
0x7a: {  	_ =	swait.ge [sflag:s11], $0x800  }
0x7b: {  	[sflag:s11] =	ssyncset.done $0x0  }
0x7c: {  	s15 =	simm.s32 $0x27F0;
	[sflag:s11] =	ssyncadd.s32 $0xFFFFF800  }
0x7d: {  	[spmem:s3] =	stream.indirect.scatter.add.f32 [tilespmem:s29], [sflag:$0x13], $0x80, s15, s19, $0xb8;
	[tilespmem:$0x1DF80] =	vst v63  }
0x7e: {  	_ =	swait.ge [sflag:s12], $0x800  }
0x7f: {  	[sflag:s12] =	ssyncset.done $0x0  }
0x80: {  	s22 =	simm.s32 $0x100;
	[sflag:s12] =	ssyncadd.s32 $0xFFFFF800  }
0x81: {  	[tilespmem:s31], [sflag:$0x6] =	stream.indirect.gather [hbm4b:s0+s19], $0x80, s22, s19, $0xb8;
	[tilespmem:$0x1DF80] =	vst v63  }
0x82: {  	_ =	swait.ge [sflag:s16], $0x800  }
0x83: {  	[sflag:s16] =	ssyncset.done $0x0  }
0x84: {  	s25 =	simm.s32 $0x2800;
	[sflag:s16] =	ssyncadd.s32 $0xFFFFF800  }
0x85: {  	[spmem:s3] =	stream.indirect.scatter.add.f32 [tilespmem:s1], [sflag:$0x14], $0x80, s25, s19, $0xb8;
	[tilespmem:$0x1DF80] =	vst v63  }
0x86: {  	_ =	swait.ge [sflag:s17], $0x800  }
0x87: {  	[sflag:s17] =	ssyncset.done $0x0  }
0x88: {  	s26 =	simm.s32 $0x110;
	[sflag:s17] =	ssyncadd.s32 $0xFFFFF800  }
0x89: {  	[tilespmem:s24], [sflag:$0x7] =	stream.indirect.gather [hbm4b:s0+s19], $0x80, s26, s19, $0xb8;
	[tilespmem:$0x1DF80] =	vst v63  }
0x8a: {  	_ =	swait.ge [sflag:s18], $0x800  }
0x8b: {  	[sflag:s18] =	ssyncset.done $0x0  }
0x8c: {  	s28 =	simm.s32 $0x2810;
	[sflag:s18] =	ssyncadd.s32 $0xFFFFF800  }
0x8d: {  	[spmem:s3] =	stream.indirect.scatter.add.f32 [tilespmem:s6], [sflag:$0x15], $0x80, s28, s19, $0xb8;
	[tilespmem:$0x1DF80] =	vst v63  }
0x8e: {  	_ =	swait.ge [sflag:s14], $0x800  }
0x8f: {  	[sflag:s14] =	ssyncset.done $0x0  }
0x90: {  	s30 =	simm.s32 $0x120;
	[sflag:s14] =	ssyncadd.s32 $0xFFFFF800  }
0x91: {  	[tilespmem:s29], [sflag:$0x8] =	stream.indirect.gather [hbm4b:s0+s19], $0x80, s30, s19, $0xb8;
	[tilespmem:$0x1DF80] =	vst v63  }
0x92: {  	_ =	swait.ge [sflag:s20], $0x800  }
0x93: {  	[sflag:s20] =	ssyncset.done $0x0  }
0x94: {  	s31 =	simm.s32 $0x2820;
	[sflag:s20] =	ssyncadd.s32 $0xFFFFF800  }
0x95: {  	[spmem:s3] =	stream.indirect.scatter.add.f32 [tilespmem:s5], [sflag:$0x16], $0x80, s31, s19, $0xb8;
	[tilespmem:$0x1DF80] =	vst v63  }
0x96: {  	_ =	swait.ge [sflag:s21], $0x800  }
0x97: {  	s23 =	simm.s32 $0x2C0;
	s25 =	simm.s32 $0x130;
	[sflag:s21] =	ssyncset.done $0x0  }
.LBB2_2:
0x98: {  	[sflag:s21] =	ssyncadd.s32 $0xFFFFF800;
	s28 =	smov.u32 s23  }
0x99: {  	s23 =	sadd.s32 $0x2C0, s23;
	s4 =	simm.s32 $0x8F00;
	s1 =	simm.s32 $0x1  }
0x9a: {  	[tilespmem:s4], [sflag:$0x9] =	stream.indirect.gather [hbm4b:s0+s19], $0x80, s25, s19, $0xb8;
	[tilespmem:$0x1DF80] =	vst v63  }
0x9b: {  	s25 =	sshra.s32 s28, $0x2;
	p1 =	sne.s32 s23, $0x9A00;
	_ =	swait.ge [sflag:s1], $0x800  }
0x9c: {  	p2 =	seq.s32 s28, $0x0;
	s30 =	sadd.s32 $0x2780, s25;
	[sflag:s1] =	ssyncset.done $0x0  }
0x9d: {  	s2 =	simm.s32 $0x4F00;
	s28 =	simm.s32 @!p2 $0x15;
	[sflag:s1] =	ssyncadd.s32 $0xFFFFF800  }
0x9e: {  	[spmem:s3] =	stream.indirect.scatter.add.f32 [tilespmem:s2], [sflag:$0xC], $0x80, s30, s19, $0xb8;
	[tilespmem:$0x1DF80] =	vst v63  }
0x9f: {  	_ =	swait.ge @!p2 [sflag:s28], $0x800  }
0xa0: {  	s30 =	sadd.s32 $0x90, s25;
	[sflag:s28] =	ssyncset.done @!p2 $0x0  }
0xa1: {  	s6 =	simm.s32 $0x9700;
	s1 =	simm.s32 $0x2;
	[sflag:s28] =	ssyncadd.s32 @!p2 $0xFFFFF800  }
0xa2: {  	[tilespmem:s6], [sflag:$0xA] =	stream.indirect.gather [hbm4b:s0+s19], $0x80, s30, s19, $0xb8;
	[tilespmem:$0x1DF80] =	vst v63  }
0xa3: {  	_ =	swait.ge [sflag:s1], $0x800  }
0xa4: {  	s28 =	sadd.s32 $0x2790, s25;
	[sflag:s1] =	ssyncset.done $0x0  }
0xa5: {  	s15 =	simm.s32 $0x5700;
	s30 =	simm.s32 @!p2 $0x16;
	[sflag:s1] =	ssyncadd.s32 $0xFFFFF800  }
0xa6: {  	[spmem:s3] =	stream.indirect.scatter.add.f32 [tilespmem:s15], [sflag:$0xD], $0x80, s28, s19, $0xb8;
	[tilespmem:$0x1DF80] =	vst v63  }
0xa7: {  	_ =	swait.ge @!p2 [sflag:s30], $0x800  }
0xa8: {  	s28 =	sadd.s32 $0xA0, s25;
	[sflag:s30] =	ssyncset.done @!p2 $0x0  }
0xa9: {  	s1 =	simm.s32 $0x3;
	[sflag:s30] =	ssyncadd.s32 @!p2 $0xFFFFF800  }
0xaa: {  	[tilespmem:s5], [sflag:$0xB] =	stream.indirect.gather [hbm4b:s0+s19], $0x80, s28, s19, $0xb8;
	[tilespmem:$0x1DF80] =	vst v63  }
0xab: {  	_ =	swait.ge [sflag:s1], $0x800  }
0xac: {  	s28 =	sadd.s32 $0x27A0, s25;
	[sflag:s1] =	ssyncset.done $0x0  }
0xad: {  	s22 =	simm.s32 $0x5F00;
	[sflag:s1] =	ssyncadd.s32 $0xFFFFF800;
	s1 =	simm.s32 $0xC  }
0xae: {  	[spmem:s3] =	stream.indirect.scatter.add.f32 [tilespmem:s22], [sflag:$0xE], $0x80, s28, s19, $0xb8;
	[tilespmem:$0x1DF80] =	vst v63  }
0xaf: {  	_ =	swait.ge [sflag:s1], $0x800  }
0xb0: {  	s28 =	sadd.s32 $0xB0, s25;
	[sflag:s1] =	ssyncset.done $0x0  }
0xb1: {  	s30 =	simm.s32 $0x4F00;
	[sflag:s1] =	ssyncadd.s32 $0xFFFFF800;
	s1 =	simm.s32 $0x4  }
0xb2: {  	[tilespmem:s2], [sflag:$0x1] =	stream.indirect.gather [hbm4b:s0+s19], $0x80, s28, s19, $0xb8;
	[tilespmem:$0x1DF80] =	vst v63  }
0xb3: {  	_ =	swait.ge [sflag:s1], $0x800  }
0xb4: {  	s28 =	sadd.s32 $0x27B0, s25;
	[sflag:s1] =	ssyncset.done $0x0  }
0xb5: {  	s26 =	simm.s32 $0x6700;
	[sflag:s1] =	ssyncadd.s32 $0xFFFFF800;
	s1 =	simm.s32 $0xD  }
0xb6: {  	[spmem:s3] =	stream.indirect.scatter.add.f32 [tilespmem:s26], [sflag:$0xF], $0x80, s28, s19, $0xb8;
	[tilespmem:$0x1DF80] =	vst v63  }
0xb7: {  	_ =	swait.ge [sflag:s1], $0x800  }
0xb8: {  	s28 =	sadd.s32 $0xC0, s25;
	[sflag:s1] =	ssyncset.done $0x0  }
0xb9: {  	s2 =	simm.s32 $0x5700;
	[sflag:s1] =	ssyncadd.s32 $0xFFFFF800  }
0xba: {  	[tilespmem:s15], [sflag:$0x2] =	stream.indirect.gather [hbm4b:s0+s19], $0x80, s28, s19, $0xb8;
	[tilespmem:$0x1DF80] =	vst v63  }
0xbb: {  	_ =	swait.ge [sflag:s7], $0x800  }
0xbc: {  	s28 =	sadd.s32 $0x27C0, s25;
	[sflag:s7] =	ssyncset.done $0x0  }
0xbd: {  	s31 =	simm.s32 $0x6F00;
	[sflag:s7] =	ssyncadd.s32 $0xFFFFF800  }
0xbe: {  	[spmem:s3] =	stream.indirect.scatter.add.f32 [tilespmem:s31], [sflag:$0x10], $0x80, s28, s19, $0xb8;
	[tilespmem:$0x1DF80] =	vst v63  }
0xbf: {  	_ =	swait.ge [sflag:s13], $0x800  }
0xc0: {  	s28 =	sadd.s32 $0xD0, s25;
	[sflag:s13] =	ssyncset.done $0x0  }
0xc1: {  	s15 =	simm.s32 $0x5F00;
	[sflag:s13] =	ssyncadd.s32 $0xFFFFF800  }
0xc2: {  	[tilespmem:s22], [sflag:$0x3] =	stream.indirect.gather [hbm4b:s0+s19], $0x80, s28, s19, $0xb8;
	[tilespmem:$0x1DF80] =	vst v63  }
0xc3: {  	_ =	swait.ge [sflag:s8], $0x800  }
0xc4: {  	s28 =	sadd.s32 $0x27D0, s25;
	[sflag:s8] =	ssyncset.done $0x0  }
0xc5: {  	s24 =	simm.s32 $0x7700;
	[sflag:s8] =	ssyncadd.s32 $0xFFFFF800  }
0xc6: {  	[spmem:s3] =	stream.indirect.scatter.add.f32 [tilespmem:s24], [sflag:$0x11], $0x80, s28, s19, $0xb8;
	[tilespmem:$0x1DF80] =	vst v63  }
0xc7: {  	_ =	swait.ge [sflag:s9], $0x800  }
0xc8: {  	s28 =	sadd.s32 $0xE0, s25;
	[sflag:s9] =	ssyncset.done $0x0  }
0xc9: {  	s22 =	simm.s32 $0x6700;
	[sflag:s9] =	ssyncadd.s32 $0xFFFFF800  }
0xca: {  	[tilespmem:s26], [sflag:$0x4] =	stream.indirect.gather [hbm4b:s0+s19], $0x80, s28, s19, $0xb8;
	[tilespmem:$0x1DF80] =	vst v63  }
0xcb: {  	_ =	swait.ge [sflag:s10], $0x800  }
0xcc: {  	s28 =	sadd.s32 $0x27E0, s25;
	[sflag:s10] =	ssyncset.done $0x0  }
0xcd: {  	s29 =	simm.s32 $0x7F00;
	[sflag:s10] =	ssyncadd.s32 $0xFFFFF800  }
0xce: {  	[spmem:s3] =	stream.indirect.scatter.add.f32 [tilespmem:s29], [sflag:$0x12], $0x80, s28, s19, $0xb8;
	[tilespmem:$0x1DF80] =	vst v63  }
0xcf: {  	_ =	swait.ge [sflag:s19], $0x800  }
0xd0: {  	s28 =	sadd.s32 $0xF0, s25;
	[sflag:s19] =	ssyncset.done $0x0  }
0xd1: {  	s26 =	simm.s32 $0x6F00;
	[sflag:s19] =	ssyncadd.s32 $0xFFFFF800  }
0xd2: {  	[tilespmem:s31], [sflag:$0x5] =	stream.indirect.gather [hbm4b:s0+s19], $0x80, s28, s19, $0xb8;
	[tilespmem:$0x1DF80] =	vst v63  }
0xd3: {  	_ =	swait.ge [sflag:s11], $0x800  }
0xd4: {  	s28 =	sadd.s32 $0x27F0, s25;
	[sflag:s11] =	ssyncset.done $0x0  }
0xd5: {  	s1 =	simm.s32 $0x8700;
	[sflag:s11] =	ssyncadd.s32 $0xFFFFF800  }
0xd6: {  	[spmem:s3] =	stream.indirect.scatter.add.f32 [tilespmem:s1], [sflag:$0x13], $0x80, s28, s19, $0xb8;
	[tilespmem:$0x1DF80] =	vst v63  }
0xd7: {  	_ =	swait.ge [sflag:s12], $0x800  }
0xd8: {  	s28 =	sadd.s32 $0x100, s25;
	[sflag:s12] =	ssyncset.done $0x0  }
0xd9: {  	s31 =	simm.s32 $0x7700;
	[sflag:s12] =	ssyncadd.s32 $0xFFFFF800  }
0xda: {  	[tilespmem:s24], [sflag:$0x6] =	stream.indirect.gather [hbm4b:s0+s19], $0x80, s28, s19, $0xb8;
	[tilespmem:$0x1DF80] =	vst v63  }
0xdb: {  	_ =	swait.ge [sflag:s16], $0x800  }
0xdc: {  	s28 =	sadd.s32 $0x2800, s25;
	[sflag:s16] =	ssyncset.done $0x0  }
0xdd: {  	[sflag:s16] =	ssyncadd.s32 $0xFFFFF800  }
0xde: {  	[spmem:s3] =	stream.indirect.scatter.add.f32 [tilespmem:s4], [sflag:$0x14], $0x80, s28, s19, $0xb8;
	[tilespmem:$0x1DF80] =	vst v63  }
0xdf: {  	_ =	swait.ge [sflag:s17], $0x800  }
0xe0: {  	s28 =	sadd.s32 $0x110, s25;
	[sflag:s17] =	ssyncset.done $0x0  }
0xe1: {  	s24 =	simm.s32 $0x7F00;
	[sflag:s17] =	ssyncadd.s32 $0xFFFFF800  }
0xe2: {  	[tilespmem:s29], [sflag:$0x7] =	stream.indirect.gather [hbm4b:s0+s19], $0x80, s28, s19, $0xb8;
	[tilespmem:$0x1DF80] =	vst v63  }
0xe3: {  	_ =	swait.ge [sflag:s18], $0x800  }
0xe4: {  	s28 =	sadd.s32 $0x2810, s25;
	[sflag:s18] =	ssyncset.done $0x0  }
0xe5: {  	[sflag:s18] =	ssyncadd.s32 $0xFFFFF800  }
0xe6: {  	[spmem:s3] =	stream.indirect.scatter.add.f32 [tilespmem:s6], [sflag:$0x15], $0x80, s28, s19, $0xb8;
	[tilespmem:$0x1DF80] =	vst v63  }
0xe7: {  	_ =	swait.ge [sflag:s14], $0x800  }
0xe8: {  	s28 =	sadd.s32 $0x120, s25;
	[sflag:s14] =	ssyncset.done $0x0  }
0xe9: {  	s29 =	simm.s32 $0x8700;
	[sflag:s14] =	ssyncadd.s32 $0xFFFFF800  }
0xea: {  	[tilespmem:s1], [sflag:$0x8] =	stream.indirect.gather [hbm4b:s0+s19], $0x80, s28, s19, $0xb8;
	[tilespmem:$0x1DF80] =	vst v63  }
0xeb: {  	_ =	swait.ge [sflag:s20], $0x800  }
.Ltmp0:
0xec: {  	s28 =	sadd.s32 $0x2820, s25;
	[sflag:s20] =	ssyncset.done $0x0;
	(pc) =	sbr.rel @p1 .LBB2_2-.Ltmp0, $4  }
0xed: {  	[sflag:s20] =	ssyncadd.s32 $0xFFFFF800  }
0xee: {  	[spmem:s3] =	stream.indirect.scatter.add.f32 [tilespmem:s5], [sflag:$0x16], $0x80, s28, s19, $0xb8;
	[tilespmem:$0x1DF80] =	vst v63  }
0xef: {  	_ =	swait.ge [sflag:s21], $0x800  }
0xf0: {  	s25 =	sadd.s32 $0x130, s25;
	[sflag:s21] =	ssyncset.done $0x0  }
0xf1: {  	[sflag:s21] =	ssyncadd.s32 $0xFFFFF800;
	s1 =	simm.s32 $0x8F00;
	s4 =	simm.s32 $0x1  }
0xf2: {  	[tilespmem:s1], [sflag:$0x9] =	stream.indirect.gather [hbm4b:s0+s19], $0x80, s25, s19, $0xb8;
	[tilespmem:$0x1DF80] =	vst v63  }
0xf3: {  	_ =	swait.ge [sflag:s4], $0x800  }
0xf4: {  	[sflag:s4] =	ssyncset.done $0x0  }
0xf5: {  	s6 =	simm.s32 $0x4E00;
	s23 =	simm.s32 $0x2;
	[sflag:s4] =	ssyncadd.s32 $0xFFFFF800  }
0xf6: {  	[spmem:s3] =	stream.indirect.scatter.add.f32 [tilespmem:s30], [sflag:$0xC], $0x80, s6, s19, $0xb8;
	[tilespmem:$0x1DF80] =	vst v63  }
0xf7: {  	_ =	swait.ge [sflag:s23], $0x800  }
0xf8: {  	[sflag:s23] =	ssyncset.done $0x0  }
0xf9: {  	s5 =	simm.s32 $0x3;
	s25 =	simm.s32 $0x4E10;
	[sflag:s23] =	ssyncadd.s32 $0xFFFFF800  }
0xfa: {  	[spmem:s3] =	stream.indirect.scatter.add.f32 [tilespmem:s2], [sflag:$0xD], $0x80, s25, s19, $0xb8;
	[tilespmem:$0x1DF80] =	vst v63  }
0xfb: {  	_ =	swait.ge [sflag:s5], $0x800  }
0xfc: {  	[sflag:s5] =	ssyncset.done $0x0  }
0xfd: {  	s6 =	simm.s32 $0x4E20;
	s23 =	simm.s32 $0x4;
	[sflag:s5] =	ssyncadd.s32 $0xFFFFF800  }
0xfe: {  	[spmem:s3] =	stream.indirect.scatter.add.f32 [tilespmem:s15], [sflag:$0xE], $0x80, s6, s19, $0xb8;
	[tilespmem:$0x1DF80] =	vst v63  }
0xff: {  	_ =	swait.ge [sflag:s23], $0x800  }
0x100: {  	[sflag:s23] =	ssyncset.done $0x0  }
0x101: {  	s25 =	simm.s32 $0x4E30;
	[sflag:s23] =	ssyncadd.s32 $0xFFFFF800  }
0x102: {  	[spmem:s3] =	stream.indirect.scatter.add.f32 [tilespmem:s22], [sflag:$0xF], $0x80, s25, s19, $0xb8;
	[tilespmem:$0x1DF80] =	vst v63  }
0x103: {  	_ =	swait.ge [sflag:s7], $0x800  }
0x104: {  	[sflag:s7] =	ssyncset.done $0x0  }
0x105: {  	s4 =	simm.s32 $0x4E40;
	[sflag:s7] =	ssyncadd.s32 $0xFFFFF800  }
0x106: {  	[spmem:s3] =	stream.indirect.scatter.add.f32 [tilespmem:s26], [sflag:$0x10], $0x80, s4, s19, $0xb8;
	[tilespmem:$0x1DF80] =	vst v63  }
0x107: {  	_ =	swait.ge [sflag:s8], $0x800  }
0x108: {  	[sflag:s8] =	ssyncset.done $0x0  }
0x109: {  	s5 =	simm.s32 $0x4E50;
	[sflag:s8] =	ssyncadd.s32 $0xFFFFF800  }
0x10a: {  	[spmem:s3] =	stream.indirect.scatter.add.f32 [tilespmem:s31], [sflag:$0x11], $0x80, s5, s19, $0xb8;
	[tilespmem:$0x1DF80] =	vst v63  }
0x10b: {  	_ =	swait.ge [sflag:s10], $0x800  }
0x10c: {  	[sflag:s10] =	ssyncset.done $0x0  }
0x10d: {  	s6 =	simm.s32 $0x4E60;
	[sflag:s10] =	ssyncadd.s32 $0xFFFFF800  }
0x10e: {  	[spmem:s3] =	stream.indirect.scatter.add.f32 [tilespmem:s24], [sflag:$0x12], $0x80, s6, s19, $0xb8;
	[tilespmem:$0x1DF80] =	vst v63  }
0x10f: {  	_ =	swait.ge [sflag:s11], $0x800  }
0x110: {  	[sflag:s11] =	ssyncset.done $0x0  }
0x111: {  	s15 =	simm.s32 $0x4E70;
	[sflag:s11] =	ssyncadd.s32 $0xFFFFF800  }
0x112: {  	[spmem:s3] =	stream.indirect.scatter.add.f32 [tilespmem:s29], [sflag:$0x13], $0x80, s15, s19, $0xb8;
	[tilespmem:$0x1DF80] =	vst v63  }
0x113: {  	_ =	swait.ge [sflag:s16], $0x800  }
0x114: {  	[sflag:s16] =	ssyncset.done $0x0  }
0x115: {  	s23 =	simm.s32 $0x15;
	s22 =	simm.s32 $0x4E80;
	[sflag:s16] =	ssyncadd.s32 $0xFFFFF800  }
0x116: {  	[spmem:s3] =	stream.indirect.scatter.add.f32 [tilespmem:s1], [sflag:$0x14], $0x80, s22, s19, $0xb8;
	[tilespmem:$0x1DF80] =	vst v63  }
0x117: {  	_ =	swait.ge [sflag:s23], $0x800  }
0x118: {  	[sflag:s23] =	ssyncset.done $0x0  }
0x119: {  	s24 =	simm.s32 $0x16;
	[sflag:s23] =	ssyncadd.s32 $0xFFFFF800  }
0x11a: {  	_ =	swait.ge [sflag:s24], $0x800  }
0x11b: {  	[sflag:s24] =	ssyncset.done $0x0  }
0x11c: {  	s25 =	simm.s32 $0xC;
	[sflag:s24] =	ssyncadd.s32 $0xFFFFF800  }
0x11d: {  	_ =	swait.ge [sflag:s25], $0x800  }
0x11e: {  	[sflag:s25] =	ssyncset.done $0x0  }
0x11f: {  	s26 =	simm.s32 $0xD;
	[sflag:s25] =	ssyncadd.s32 $0xFFFFF800  }
0x120: {  	_ =	swait.ge [sflag:s26], $0x800  }
0x121: {  	[sflag:s26] =	ssyncset.done $0x0  }
0x122: {  	[sflag:s26] =	ssyncadd.s32 $0xFFFFF800  }
0x123: {  	_ =	swait.ge [sflag:s13], $0x800  }
0x124: {  	[sflag:s13] =	ssyncset.done $0x0  }
0x125: {  	[sflag:s13] =	ssyncadd.s32 $0xFFFFF800  }
0x126: {  	_ =	swait.ge [sflag:s9], $0x800  }
0x127: {  	[sflag:s9] =	ssyncset.done $0x0  }
0x128: {  	[sflag:s9] =	ssyncadd.s32 $0xFFFFF800  }
0x129: {  	_ =	swait.ge [sflag:s19], $0x800  }
0x12a: {  	[sflag:s19] =	ssyncset.done $0x0  }
0x12b: {  	[sflag:s19] =	ssyncadd.s32 $0xFFFFF800  }
0x12c: {  	_ =	swait.ge [sflag:s12], $0x800  }
0x12d: {  	[sflag:s12] =	ssyncset.done $0x0  }
0x12e: {  	[sflag:s12] =	ssyncadd.s32 $0xFFFFF800  }
0x12f: {  	_ =	swait.ge [sflag:s17], $0x800  }
0x130: {  	[sflag:s17] =	ssyncset.done $0x0  }
0x131: {  	[sflag:s17] =	ssyncadd.s32 $0xFFFFF800  }
0x132: {  	_ =	swait.ge [sflag:s14], $0x800  }
0x133: {  	[sflag:s14] =	ssyncset.done $0x0  }
0x134: {  	[sflag:s14] =	ssyncadd.s32 $0xFFFFF800  }
0x135: {  	_ =	swait.ge [sflag:s21], $0x800  }
0x136: {  	[sflag:s21] =	ssyncset.done $0x0  }
0x137: {  	[sflag:s21] =	ssyncadd.s32 $0xFFFFF800  }
0x138: {  	[bflag:$0x0] =	sbarrier.arrive $0xFFFF  }
0x139: {  	s25 =	rddreg [dreg:$0xa]  }
0x13a: {  	s23 =	simm.s32 @p0 $0x1FD7;
	s28 =	rddreg [dreg:$0xc]  }
0x13b: {  	[hbm:s25], [sflag:s23] =	dma.local @p0 [spmem:s28], $0x2080  }
0x13c: {  	s23 =	simm.s32 @p0 $0x17  }
0x13d: {  	_ =	swait.ge @p0 [sflag:s23], $0x2080  }
0x13e: {  	s30 =	rddreg [dreg:$0xd]  }
0x13f: {  	[sflag:s23] =	ssyncset.done @p0 $0x0;
	s2 =	rddreg [dreg:$0xe]  }
0x140: {  	[sflag:s23] =	ssyncadd.s32 @p0 $0xFFFFDF80;
	s23 =	rddreg [dreg:$0x9]  }
0x141: {  	[hbm:s23], [sflag:s30] =	dma.local @!p0 [spmem:s2], $0x2780  }
0x142: {  	s23 =	simm.s32 @!p0 $0x17  }
0x143: {  	_ =	swait.ge @!p0 [sflag:s23], $0x2780  }
0x144: {  	s29 =	rddreg [dreg:$0xf]  }
0x145: {  	s31 =	rddreg [dreg:$0xb];
	s1 =	sadd.s32 $0x1, s29  }
0x146: {  	p1 =	sne.s32 s1, s31  }
.Ltmp1:
0x147: {  	_ = 	snop;
	(pc) =	sbr.rel @p1 .LBB2_1-.Ltmp1, $3  }
0x148: {  	_ =	sdelay $0x1  }
0x149: {  	[sflag:s23] =	ssyncset.done @!p0 $0x0  }
0x14a: {  	[sflag:s23] =	ssyncadd.s32 @!p0 $0xFFFFD880  }
0x14b: {  	_ =	sfence.sel $0x180000  }
0x14c: {  	[bflag:$0x0] =	sbarrier.arrive $0xFFFF  }
0x14d: {  	_ =	strace $0x9000004A  }
0x14e: {  	s0 =	stileid.u32;
	[bflag:$0x2] =	sbarrier.arrive $0xFFFF  }
0x14f: {  	p0 =	sne.s32 s0, $0x0;
	s0 =	rddreg [dreg:$0x4]  }
0x150: {  	s0 =	sadd.s32 @!p0 $0x100000, s0  }
0x151: {  	[sflag:s0] =	ssyncadd.tile.s32 @!p0 $0x1;
	_ =	shalt  }
.Lfunc_end2:
_tile_overlayer_lowered:
.L_overlay_start_2:
0x152: {  	(tag) =	ssettag $0x2  }
0x153: {  	s0 =	rddreg [dreg:$0x0];
	s2 =	stileid.u32  }
0x154: {  	s1 =	rddreg [dreg:$0x1];
	p0 =	sne.s32 s2, $0x0  }
0x155: {  	s3 =	rddreg [dreg:$0x2];
	[bflag:$0x3] =	sbarrier.arrive $0xFFFF;
	s2 =	simm.s32 @!p0 $0x1C17  }
0x156: {  	[timem:s3], [sflag:s2] =	dma.local @!p0 [hbm:s0], s1  }
0x157: {  	s0 =	simm.s32 @!p0 $0x17  }
0x158: {  	_ =	swait.ge @!p0 [sflag:s0], s1  }
0x159: {  	s1 =	ssub.s32 @!p0 $0x0, s1;
	[sflag:s0] =	ssyncset.done @!p0 $0x0  }
0x15a: {  	[sflag:s0] =	ssyncadd.s32 @!p0 s1  }
0x15b: {  	[bflag:$0x3] =	sbarrier.arrive $0xFFFF  }
0x15c: {  	_ =	shalt  }

// kernel: kernel.15.cloned.1.call-start
scs
__scs_entry_jumppad:
0x0: {  	(pc) =	sbr.rel $0x88, $3  }
0x1: {  	(tag) =	ssettag $0x0;
	lr =	simm.s32 $0x1  }
0x2: {  	[smem:$0x3F99] =	sst lr;
	_ =	strace $0xD0000000  }
0x3: {  	_ = 	snop  }
0x4: {  	_ = 	snop  }
0x5: {  	_ = 	snop  }
0x6: {  	_ = 	snop  }
0x7: {  	_ = 	snop  }
__scs_overlays_trampoline_lowered:
0x8: {  	[smem:$0x3FA8] =	sst s0  }
0x9: {  	[smem:$0x3FA9] =	sst s1  }
0xa: {  	[smem:$0x3FAA] =	sst s2  }
0xb: {  	[smem:$0x3FAB] =	sst s3  }
0xc: {  	[smem:$0x3FAC] =	sst s4  }
0xd: {  	[smem:$0x3FAD] =	sst s5  }
0xe: {  	[smem:$0x3FAE] =	sst s6  }
0xf: {  	[smem:$0x3FAF] =	sst s7  }
0x10: {  	[smem:$0x3FB0] =	sst s8  }
0x11: {  	[smem:$0x3FB1] =	sst s9;
	s0 =	simm.s32 @!p0 $0x0  }
0x12: {  	s1 =	sld [smem:$0x3F97];
	s0 =	simm.s32 @p0 $0x1  }
0x13: {  	[smem:$0x3FB2] =	sst s0;
	s0 =	simm.s32 @!p1 $0x0  }
0x14: {  	s2 =	sld [smem:$0x3F96];
	s0 =	simm.s32 @p1 $0x1  }
0x15: {  	[smem:$0x3FB3] =	sst s0;
	s0 =	simm.s32 @!p2 $0x0  }
0x16: {  	s3 =	sld [smem:$0x3FDB];
	s0 =	simm.s32 @p2 $0x1  }
0x17: {  	s4 =	simm.s32 $0x1BF5;
	[smem:$0x3FB5] =	sst s0  }
0x18: {  	s0 =	sld [smem:$0x3F98];
	_ =	swait.ge [sflag:s4], $0x0  }
0x19: {  	s7 =	sld [smem:$0x3F99]  }
0x1a: {  	s8 =	sadd.s32 $0xFFFFE003, lr  }
0x1b: {  	s9 =	sadd.s32 $0xFFFFFEF7, lr;
	s5 =	simm.s32 $0xFFFFFFFF;
	p2 =	slt.u32 s8, $0xFFFFF086  }
0x1c: {  	p1 =	slt.u32 s9, $0xF7A;
	s5 =	simm.s32 @!p2 $0x0  }
0x1d: {  	s5 =	simm.s32 @p1 $0x1;
	p0 =	seq.s32 s7, s2  }
0x1e: {  	s7 =	smul.u32 @!p0 $0xF7A, s2;
	p2 =	seq.s32 @!p0 s5, $0x0  }
0x1f: {  	s9 =	smul.u32 $0xF7A, s1;
	s8 =	simm.s32 @!p0 $0x1BF5;
	p2 =	por !p2, p0  }
0x20: {  	[sflag:s8] =	ssyncset.s32 @!p0 $0xFFFFF086;
	s6 =	sadd.s32 @!p0 s3, s7;
	s7 =	simm.s32 @!p0 $0x108  }
0x21: {  	s3 =	sadd.s32 s3, s9;
	s6 =	sadd.s32 @!p0 $0x88, s6;
	s7 =	simm.s32 @p2 $0x1082  }
0x22: {  	[simem:s7], [sflag:s8] =	dma.local @!p0 [hbm:s6], $0xF7A  }
0x23: {  	s9 =	sor.u32 $0xD0000000, s2;
	s6 =	simm.s32 $0x108;
	_ =	swait.ge @!p0 [sflag:s8], $0x0  }
0x24: {  	s3 =	sadd.s32 $0x88, s3;
	s6 =	simm.s32 @!p1 $0x1082;
	[sflag:s4] =	ssyncset.s32 $0xFFFFF086  }
0x25: {  	[simem:s6], [sflag:s4] =	dma.local [hbm:s3], $0xF7A  }
0x26: {  	[smem:$0x3F99] =	sst s1;
	(tag) =	ssettag s2;
	_ =	strace s9  }
0x27: {  	s1 =	sld [smem:$0x3FA9]  }
0x28: {  	s2 =	sld [smem:$0x3FAA]  }
0x29: {  	s4 =	sld [smem:$0x3FAC]  }
0x2a: {  	p0 =	seq.s32 s5, $0x0;
	s5 =	sld [smem:$0x3FAD]  }
0x2b: {  	s6 =	sld [smem:$0x3FAE]  }
0x2c: {  	s7 =	sld [smem:$0x3FAF]  }
0x2d: {  	s3 =	simm.s32 $0x108;
	s8 =	sld [smem:$0x3FB0]  }
0x2e: {  	s3 =	simm.s32 @!p0 $0x1082;
	s9 =	sld [smem:$0x3FB1]  }
0x2f: {  	lr =	sadd.s32 s0, s3;
	s0 =	sld [smem:$0x3FA8]  }
0x30: {  	s3 =	sld [smem:$0x3FAB]  }
0x31: {  	[smem:$0x3FB4] =	sst s10  }
0x32: {  	s10 =	sld [smem:$0x3FB2];
	_ =	sdelay $0x3  }
0x33: {  	p0 =	seq.s32 s10, $0x1;
	s10 =	sld [smem:$0x3FB4];
	_ =	sdelay $0x3  }
0x34: {  	[smem:$0x3FB4] =	sst s10  }
0x35: {  	s10 =	sld [smem:$0x3FB3];
	_ =	sdelay $0x3  }
0x36: {  	p1 =	seq.s32 s10, $0x1;
	s10 =	sld [smem:$0x3FB4];
	_ =	sdelay $0x3  }
0x37: {  	[smem:$0x3FB4] =	sst s10  }
0x38: {  	s10 =	sld [smem:$0x3FB5]  }
0x39: {  	_ = 	snop;
	(pc) =	sbr.ind lr, $3  }
0x3a: {  	_ = 	snop  }
0x3b: {  	_ = 	snop  }
0x3c: {  	p2 =	seq.s32 s10, $0x1;
	s10 =	sld [smem:$0x3FB4]  }
0x3d: {  	_ =	shalt  }
0x3e: {  	_ =	shalt  }
0x3f: {  	_ =	shalt  }
0x40: {  	_ =	shalt  }
0x41: {  	_ =	shalt  }
0x42: {  	_ =	shalt  }
0x43: {  	_ =	shalt  }
0x44: {  	_ =	shalt  }
0x45: {  	_ =	shalt  }
0x46: {  	_ =	shalt  }
0x47: {  	_ =	shalt  }
0x48: {  	_ =	shalt  }
0x49: {  	_ =	shalt  }
0x4a: {  	_ =	shalt  }
0x4b: {  	_ =	shalt  }
0x4c: {  	_ =	shalt  }
0x4d: {  	_ =	shalt  }
0x4e: {  	_ =	shalt  }
0x4f: {  	_ =	shalt  }
0x50: {  	_ =	shalt  }
0x51: {  	_ =	shalt  }
0x52: {  	_ =	shalt  }
0x53: {  	_ =	shalt  }
0x54: {  	_ =	shalt  }
0x55: {  	_ =	shalt  }
0x56: {  	_ =	shalt  }
0x57: {  	_ =	shalt  }
0x58: {  	_ =	shalt  }
0x59: {  	_ =	shalt  }
0x5a: {  	_ =	shalt  }
0x5b: {  	_ =	shalt  }
0x5c: {  	_ =	shalt  }
0x5d: {  	_ =	shalt  }
0x5e: {  	_ =	shalt  }
0x5f: {  	_ =	shalt  }
0x60: {  	_ =	shalt  }
0x61: {  	_ =	shalt  }
0x62: {  	_ =	shalt  }
0x63: {  	_ =	shalt  }
0x64: {  	_ =	shalt  }
0x65: {  	_ =	shalt  }
0x66: {  	_ =	shalt  }
0x67: {  	_ =	shalt  }
0x68: {  	_ =	shalt  }
0x69: {  	_ =	shalt  }
0x6a: {  	_ =	shalt  }
0x6b: {  	_ =	shalt  }
0x6c: {  	_ =	shalt  }
0x6d: {  	_ =	shalt  }
0x6e: {  	_ =	shalt  }
0x6f: {  	_ =	shalt  }
0x70: {  	_ =	shalt  }
0x71: {  	_ =	shalt  }
0x72: {  	_ =	shalt  }
0x73: {  	_ =	shalt  }
0x74: {  	_ =	shalt  }
0x75: {  	_ =	shalt  }
0x76: {  	_ =	shalt  }
0x77: {  	_ =	shalt  }
0x78: {  	_ =	shalt  }
0x79: {  	_ =	shalt  }
0x7a: {  	_ =	shalt  }
0x7b: {  	_ =	shalt  }
0x7c: {  	_ =	shalt  }
0x7d: {  	_ =	shalt  }
0x7e: {  	_ =	shalt  }
0x7f: {  	_ =	shalt  }
0x80: {  	_ =	shalt  }
0x81: {  	_ =	shalt  }
0x82: {  	_ =	shalt  }
0x83: {  	_ =	shalt  }
0x84: {  	_ =	shalt  }
0x85: {  	_ =	shalt  }
0x86: {  	_ =	shalt  }
0x87: {  	_ =	shalt  }
.Lfunc_end0:
.L_simem_size_0:
called_computation.2_lowered:
.L_overlay_start_0:
0x88: {  	s2 =	sld [smem:$0x3FD9]  }
0x89: {  	s3 =	sld [smem:$0x3FFE];
	_ =	sdelay $0x1  }
0x8a: {  	s1 =	srdreg.scid  }
0x8b: {  	s0 =	sand.u32 $0x1, s1  }
0x8c: {  	s14 =	sshll.u32 s0, $0xA;
	s2 =	sadd.s32 s3, s2  }
0x8d: {  	s2 =	sadd.s32 s2, s14  }
0x8e: {  	[smem:$0x3FC0] =	sst s2  }
0x8f: {  	_ = 	snop  }
0x90: {  	s2 =	sld [smem:$0x3FD0];
	_ =	sdelay $0x2  }
0x91: {  	s15 =	simm.s32 $0xA;
	s4 =	simm.s32 $0x10  }
0x92: {  	[smem:s4], [sflag:s15] =	dma.local [hbm:s2], $0x1  }
0x93: {  	_ =	swait.eq [sflag:s15], $0x1  }
0x94: {  	[sflag:s15] =	ssyncset.done $0x0  }
0x95: {  	s16 =	sld [smem:$0x10];
	[sflag:s15] =	ssyncadd.s32 $0xFFFFFFFF  }
0x96: {  	s17 =	sld [smem:$0x11];
	(tm) =	ssettm $0x1  }
0x97: {  	s18 =	sld [smem:$0x3FFB];
	_ =	sdelay $0x3  }
0x98: {  	_ =	strace s18  }
0x99: {  	s4 =	sld [smem:$0x3FFC];
	_ =	sdelay $0x3  }
0x9a: {  	_ =	strace s4  }
0x9b: {  	s4 =	sld [smem:$0x3FFD];
	_ =	sdelay $0x3  }
0x9c: {  	_ =	strace s4  }
0x9d: {  	_ =	strace $0x8FFFFFFF  }
0x9e: {  	s19 =	sld [smem:$0x3FDB];
	_ =	sdelay $0x1  }
0x9f: {  	s5 =	simm.s32 $_scs_section_size  }
0xa0: {  	s6 =	simm.s32 $_size__tile_overlayer_lowered;
	s7 =	simm.s32 $_tile_overlayer_lowered  }
0xa1: {  	s22 =	simm.s32 $0x1BFF;
	s21 =	sshll.u32 s7, $0x1;
	s4 =	sadd.s32 s5, s19  }
0xa2: {  	s8 =	simm.s32 $0x0;
	s20 =	sshll.u32 s6, $0x1;
	s6 =	sadd.s32 s21, s4  }
0xa3: {  	[timem:s8], [sflag:s22] =	dma.local [hbm:s6], s20  }
0xa4: {  	_ =	swait.ge [sflag:s22], s20  }
0xa5: {  	s5 =	ssub.s32 $0x0, s20;
	[sflag:s22] =	ssyncset.done $0x0  }
0xa6: {  	[sflag:s22] =	ssyncadd.s32 s5;
	_ =	sdelay $0x1  }
0xa7: {  	s23 =	simm.s32 $0x1B8B  }
0xa8: {  	_ =	swait.ge [sflag:s23], $0x1  }
0xa9: {  	[sflag:s23] =	ssyncset.done $0x0  }
0xaa: {  	s25 =	simm.s32 $0x1B8E;
	s24 =	sld [smem:$0x3FFE];
	[sflag:s23] =	ssyncadd.s32 $0xFFFFFFFF  }
0xab: {  	s26 =	simm.s32 $execute0_lowered;
	[smem:$0x3FD2] =	sst s25  }
0xac: {  	s6 =	sshll.u32 s26, $0x1;
	_ =	strace $0x8000004C;
	[dreg:$0x1] =	wrdreg $0xFFFFFFFF  }
0xad: {  	s28 =	simm.s32 $_size_execute0_lowered;
	s4 =	sadd.s32 s4, s6;
	[dreg:$0x0] =	wrdreg $0x0  }
0xae: {  	s6 =	sshll.u32 s28, $0x1;
	[dreg:$0x2] =	wrdreg s4  }
0xaf: {  	[dreg:$0x3] =	wrdreg s6  }
0xb0: {  	[dreg:$0x4] =	wrdreg $0xC0  }
0xb1: {  	_ =	task [dreg:s8], $0x5FFFF  }
0xb2: {  	[dreg:$0x1] =	wrdreg $0xFFFFFFFF  }
0xb3: {  	[dreg:$0x0] =	wrdreg $0x60  }
0xb4: {  	[dreg:$0x2] =	wrdreg s17  }
0xb5: {  	[dreg:$0x3] =	wrdreg s16  }
0xb6: {  	[dreg:$0x4] =	wrdreg s24  }
0xb7: {  	[dreg:$0x5] =	wrdreg $0xA7000  }
0xb8: {  	[dreg:$0x6] =	wrdreg $0x9  }
0xb9: {  	_ =	task.clear_ibuf [dreg:s8], $0x7FFFF;
	_ =	strace $0x9000004C  }
0xba: {  	s29 =	simm.s32 $0x9;
	_ =	strace $0x8000004E  }
0xbb: {  	_ =	swait.ge [sflag:s29], $0x1  }
0xbc: {  	[sflag:s29] =	ssyncadd.s32 $0xFFFFFFFF  }
0xbd: {  	_ =	strace $0x9000004E  }
0xbe: {  	_ =	sfence  }
0xbf: {  	s30 =	sld [smem:$0x0];
	_ =	sdelay $0x2  }
0xc0: {  	s31 =	sshll.u32 s1, $0xD;
	s1 =	sshrl.u32 s1, $0x2  }
0xc1: {  	s3 =	sand.u32 $0x4000, s31;
	s1 =	sadd.s32 s1, s30  }
0xc2: {  	s0 =	sor.u32 s3, s0;
	s1 =	sshll.u32 s1, $0x11  }
0xc3: {  	s0 =	sor.u32 s1, s0  }
0xc4: {  	s0 =	sadd.s32 $0x8F2B, s0  }
0xc5: {  	[sflag:s0] =	ssyncadd.remote.s32 $0x1  }
0xc6: {  	_ =	sfence.sel $0xFFFF  }
0xc7: {  	[dreg:$0x0] =	wrdreg $0xFFFFFFFF;
	(pc) =	sbr.abs _section_cstart, $3  }
0xc8: {  	[dreg:$0x1] =	wrdreg $0xFFFFFFFF  }
0xc9: {  	_ =	task.clear_ibuf [dreg:s8], $0x2FFFF;
	_ =	strace $0x9FFFFFFF  }
0xca: {  	(tm) =	ssettm $0x7FFFFFFF  }
0xcb: {  	_ =	shalt  }
tec
execute0_lowered:
.L_overlay_start_1:
0x0: {  	(tag) =	ssettag $0x1  }
0x1: {  	s0 =	rddreg [dreg:$0x0]  }
0x2: {  	s1 =	srdreg.scid;
	s2 =	rddreg [dreg:$0x1]  }
0x3: {  	s4 =	rddreg [dreg:$0x2];
	s11 =	stileid.u32  }
0x4: {  	s3 =	rddreg [dreg:$0x3];
	s7 =	simm.s32 $0x0;
	s19 =	simm.s32 $0x10  }
0x5: {  	s13 =	simm.s32 $0xE;
	s12 =	simm.s32 $0x11;
	s16 =	simm.s32 $0x9  }
0x6: {  	s17 =	simm.s32 $0x12;
	s18 =	simm.s32 $0xA;
	s20 =	smul.u32 $0x4F000, s11  }
0x7: {  	s14 =	simm.s32 $0x13;
	s1 =	sand.u32 $0x1, s1;
	s8 =	smul.u32 $0x2780, s11  }
0x8: {  	s6 =	sshll.u32 s11, $0x7;
	[smem:$0x7FF] =	sst s7;
	s22 =	smul.u32 $0x13C00, s11  }
0x9: {  	s29 =	sadd.s32 $0x25080, s0;
	p0 =	seq.s32 s11, $0xF;
	s5 =	sshll.u32 s1, $0x4  }
0xa: {  	s6 =	sand.u32 $0x380, s6;
	_ =	strace $0x8000004D;
	s21 =	ssub.s32 $0x2, s1  }
0xb: {  	s1 =	smul.u32 $0x138800, s1;
	[dreg:$0x8] =	wrdreg s29;
	s5 =	sor.u32 s11, s5  }
0xc: {  	s10 =	sshrl.u32 s21, $0x1;
	s24 =	sshrl.u32 s20, $0x2;
	s25 =	sadd.s32 s0, s8  }
0xd: {  	s8 =	simm.s32 $0x6;
	s20 =	simm.s32 $0xB;
	s5 =	sshrl.u32 s5, $0x3  }
0xe: {  	s7 =	ssub.s32 s21, s10;
	[dreg:$0x7] =	wrdreg s25;
	s5 =	smul.u32 $0x13C00, s5  }
0xf: {  	s26 =	sadd.s32 s22, s1;
	s1 =	sshrl.u32 s1, $0x3;
	s10 =	simm.s32 $0x7  }
0x10: {  	s21 =	simm.s32 $0x14;
	s31 =	smax.u32 s7, $0x1;
	s5 =	sor.u32 s6, s5  }
0x11: {  	s7 =	simm.s32 $0x5;
	s6 =	sadd.s32 $0x128400, s3;
	s5 =	sshrl.u32 s5, $0x3  }
0x12: {  	[dreg:$0xb] =	wrdreg s31;
	s28 =	sshrl.u32 @p0 s6, $0x3;
	s9 =	sadd.s32 s5, s4  }
0x13: {  	s4 =	sadd.s32 $0x16200, s4;
	s2 =	sadd.s32 s2, s5;
	[dreg:$0xc] =	wrdreg s28  }
0x14: {  	s5 =	sshrl.u32 s26, $0x3;
	[dreg:$0x5] =	wrdreg s2;
	s23 =	sadd.s32 $0xC400, s9  }
0x15: {  	s5 =	sadd.s32 s4, s5;
	s1 =	sadd.s32 s4, s1;
	[dreg:$0x6] =	wrdreg s23  }
0x16: {  	s2 =	sadd.s32 s24, s3;
	[dreg:$0x9] =	wrdreg s5;
	s1 =	sadd.s32 $0x25080, s1  }
0x17: {  	s2 =	sshrl.u32 @!p0 s2, $0x3;
	[dreg:$0xa] =	wrdreg s1;
	s1 =	sshll.u32 @!p0 s11, $0x6  }
0x18: {  	s9 =	simm.s32 $0xF;
	[dreg:$0xe] =	wrdreg s2;
	s30 =	sor.u32 @!p0 $0x1C17, s1  }
0x19: {  	s11 =	simm.s32 $0x8;
	s1 =	simm.s32 $0x0;
	[dreg:$0xd] =	wrdreg s30  }
.LBB2_1:
0x1a: {  	[dreg:$0xf] =	wrdreg s1  }
0x1b: {  	s29 =	simm.s32 $0x0;
	s23 =	rddreg [dreg:$0x5]  }
0x1c: {  	s4 =	simm.s32 $0x80;
	s31 =	simm.s32 $0x400;
	s25 =	simm.s32 $0x17  }
0x1d: {  	[tilespmem:s29], [sflag:$0x17] =	stream.strided.gather [hbm4b:s23+s4], $0x2780, s31, s4, $0x38;
	[tilespmem:$0x1DF80] =	vst v63  }
0x1e: {  	_ =	swait.ge [sflag:s25], $0x2780  }
0x1f: {  	[sflag:s25] =	ssyncset.done $0x0  }
0x20: {  	s22 =	simm.s32 $0x2780;
	s15 =	rddreg [dreg:$0x6];
	[sflag:s25] =	ssyncadd.s32 $0xFFFFD880  }
0x21: {  	[tilespmem:s22], [sflag:$0x17] =	stream.strided.gather [hbm4b:s15+s4], $0x2780, s31, s4, $0x38;
	[tilespmem:$0x1DF80] =	vst v63  }
0x22: {  	_ =	swait.ge [sflag:s25], $0x2780  }
0x23: {  	s6 =	smov.u32 s28;
	[sflag:s25] =	ssyncset.done $0x0  }
0x24: {  	s23 =	simm.s32 @p0 $0x1FD7;
	s28 =	rddreg [dreg:$0x8];
	[sflag:s25] =	ssyncadd.s32 $0xFFFFD880  }
0x25: {  	[spmem:s6], [sflag:s23] =	dma.local @p0 [hbm:s28], $0x2080  }
0x26: {  	s23 =	simm.s32 @p0 $0x17  }
0x27: {  	_ =	swait.ge @p0 [sflag:s23], $0x2080  }
0x28: {  	[sflag:s23] =	ssyncset.done @p0 $0x0  }
0x29: {  	s5 =	smov.u32 s30;
	[sflag:s23] =	ssyncadd.s32 @p0 $0xFFFFDF80;
	s23 =	rddreg [dreg:$0x7]  }
0x2a: {  	[spmem:s2], [sflag:s5] =	dma.local @!p0 [hbm:s23], $0x2780  }
0x2b: {  	s23 =	simm.s32 @!p0 $0x17  }
0x2c: {  	_ =	swait.ge @!p0 [sflag:s23], $0x2780  }
0x2d: {  	[sflag:s23] =	ssyncset.done @!p0 $0x0  }
0x2e: {  	[sflag:s23] =	ssyncadd.s32 @!p0 $0xFFFFD880  }
0x2f: {  	s28 =	simm.s32 $0x4F00;
	[bflag:$0x0] =	sbarrier.arrive $0xFFFF  }
0x30: {  	[tilespmem:s28], [sflag:$0x1] =	stream.indirect.gather [hbm4b:s0+s19], $0x80, s29, s19, $0xb8;
	[tilespmem:$0x1DF80] =	vst v63  }
0x31: {  	s2 =	simm.s32 $0x5700  }
0x32: {  	[tilespmem:s2], [sflag:$0x2] =	stream.indirect.gather [hbm4b:s0+s19], $0x80, s19, s19, $0xb8;
	[tilespmem:$0x1DF80] =	vst v63  }
0x33: {  	s30 =	simm.s32 $0x5F00;
	s15 =	simm.s32 $0x20  }
0x34: {  	[tilespmem:s30], [sflag:$0x3] =	stream.indirect.gather [hbm4b:s0+s19], $0x80, s15, s19, $0xb8;
	[tilespmem:$0x1DF80] =	vst v63  }
0x35: {  	s22 =	simm.s32 $0x6700;
	s23 =	simm.s32 $0x30  }
0x36: {  	[tilespmem:s22], [sflag:$0x4] =	stream.indirect.gather [hbm4b:s0+s19], $0x80, s23, s19, $0xb8;
	[tilespmem:$0x1DF80] =	vst v63  }
0x37: {  	s24 =	simm.s32 $0x40;
	s26 =	simm.s32 $0x6F00  }
0x38: {  	[tilespmem:s26], [sflag:$0x5] =	stream.indirect.gather [hbm4b:s0+s19], $0x80, s24, s19, $0xb8;
	[tilespmem:$0x1DF80] =	vst v63  }
0x39: {  	s31 =	simm.s32 $0x7700;
	s25 =	simm.s32 $0x50  }
0x3a: {  	[tilespmem:s31], [sflag:$0x6] =	stream.indirect.gather [hbm4b:s0+s19], $0x80, s25, s19, $0xb8;
	[tilespmem:$0x1DF80] =	vst v63  }
0x3b: {  	s29 =	simm.s32 $0x60;
	s24 =	simm.s32 $0x7F00  }
0x3c: {  	[tilespmem:s24], [sflag:$0x7] =	stream.indirect.gather [hbm4b:s0+s19], $0x80, s29, s19, $0xb8;
	[tilespmem:$0x1DF80] =	vst v63  }
0x3d: {  	s1 =	simm.s32 $0x70;
	s29 =	simm.s32 $0x8700  }
0x3e: {  	[tilespmem:s29], [sflag:$0x8] =	stream.indirect.gather [hbm4b:s0+s19], $0x80, s1, s19, $0xb8;
	[tilespmem:$0x1DF80] =	vst v63  }
0x3f: {  	s5 =	simm.s32 $0x1;
	s1 =	simm.s32 $0x8F00  }
0x40: {  	[tilespmem:s1], [sflag:$0x9] =	stream.indirect.gather [hbm4b:s0+s19], $0x80, s4, s19, $0xb8;
	[tilespmem:$0x1DF80] =	vst v63  }
0x41: {  	_ =	swait.ge [sflag:s5], $0x800  }
0x42: {  	p1 =	por $0x1, $0x1;
	[sflag:s5] =	ssyncset.done $0x0  }
0x43: {  	s6 =	simm.s32 $0x2780;
	s25 =	simm.s32 @!p1 $0x15;
	[sflag:s5] =	ssyncadd.s32 $0xFFFFF800  }
0x44: {  	[spmem:s3] =	stream.indirect.scatter.add.f32 [tilespmem:s28], [sflag:$0xC], $0x80, s6, s19, $0xb8;
	[tilespmem:$0x1DF80] =	vst v63  }
0x45: {  	_ =	swait.ge @!p1 [sflag:s25], $0x800  }
0x46: {  	s15 =	simm.s32 $0x90;
	[sflag:s25] =	ssyncset.done @!p1 $0x0  }
0x47: {  	s6 =	simm.s32 $0x9700;
	[sflag:s25] =	ssyncadd.s32 @!p1 $0xFFFFF800;
	s25 =	simm.s32 $0x2  }
0x48: {  	[tilespmem:s6], [sflag:$0xA] =	stream.indirect.gather [hbm4b:s0+s19], $0x80, s15, s19, $0xb8;
	[tilespmem:$0x1DF80] =	vst v63  }
0x49: {  	_ =	swait.ge [sflag:s25], $0x800  }
0x4a: {  	[sflag:s25] =	ssyncset.done $0x0  }
0x4b: {  	s5 =	simm.s32 $0x2790;
	[sflag:s25] =	ssyncadd.s32 $0xFFFFF800;
	s25 =	simm.s32 @!p1 $0x16  }
0x4c: {  	[spmem:s3] =	stream.indirect.scatter.add.f32 [tilespmem:s2], [sflag:$0xD], $0x80, s5, s19, $0xb8;
	[tilespmem:$0x1DF80] =	vst v63  }
0x4d: {  	_ =	swait.ge @!p1 [sflag:s25], $0x800  }
0x4e: {  	s15 =	simm.s32 $0xA0;
	[sflag:s25] =	ssyncset.done @!p1 $0x0  }
0x4f: {  	s5 =	simm.s32 $0x9F00;
	[sflag:s25] =	ssyncadd.s32 @!p1 $0xFFFFF800;
	s25 =	simm.s32 $0x3  }
0x50: {  	[tilespmem:s5], [sflag:$0xB] =	stream.indirect.gather [hbm4b:s0+s19], $0x80, s15, s19, $0xb8;
	[tilespmem:$0x1DF80] =	vst v63  }
0x51: {  	_ =	swait.ge [sflag:s25], $0x800  }
0x52: {  	[sflag:s25] =	ssyncset.done $0x0  }
0x53: {  	s23 =	simm.s32 $0xC;
	s15 =	simm.s32 $0x27A0;
	[sflag:s25] =	ssyncadd.s32 $0xFFFFF800  }
0x54: {  	[spmem:s3] =	stream.indirect.scatter.add.f32 [tilespmem:s30], [sflag:$0xE], $0x80, s15, s19, $0xb8;
	[tilespmem:$0x1DF80] =	vst v63  }
0x55: {  	_ =	swait.ge [sflag:s23], $0x800  }
0x56: {  	[sflag:s23] =	ssyncset.done $0x0  }
0x57: {  	s25 =	simm.s32 $0xB0;
	[sflag:s23] =	ssyncadd.s32 $0xFFFFF800  }
0x58: {  	[tilespmem:s28], [sflag:$0x1] =	stream.indirect.gather [hbm4b:s0+s19], $0x80, s25, s19, $0xb8;
	[tilespmem:$0x1DF80] =	vst v63  }
0x59: {  	s28 =	simm.s32 $0x4  }
0x5a: {  	_ =	swait.ge [sflag:s28], $0x800  }
0x5b: {  	[sflag:s28] =	ssyncset.done $0x0  }
0x5c: {  	s15 =	simm.s32 $0x27B0;
	s25 =	simm.s32 $0xD;
	[sflag:s28] =	ssyncadd.s32 $0xFFFFF800  }
0x5d: {  	[spmem:s3] =	stream.indirect.scatter.add.f32 [tilespmem:s22], [sflag:$0xF], $0x80, s15, s19, $0xb8;
	[tilespmem:$0x1DF80] =	vst v63  }
0x5e: {  	_ =	swait.ge [sflag:s25], $0x800  }
0x5f: {  	[sflag:s25] =	ssyncset.done $0x0  }
0x60: {  	s28 =	simm.s32 $0xC0;
	[sflag:s25] =	ssyncadd.s32 $0xFFFFF800  }
0x61: {  	[tilespmem:s2], [sflag:$0x2] =	stream.indirect.gather [hbm4b:s0+s19], $0x80, s28, s19, $0xb8;
	[tilespmem:$0x1DF80] =	vst v63  }
0x62: {  	_ =	swait.ge [sflag:s7], $0x800  }
0x63: {  	[sflag:s7] =	ssyncset.done $0x0  }
0x64: {  	s15 =	simm.s32 $0x27C0;
	[sflag:s7] =	ssyncadd.s32 $0xFFFFF800  }
0x65: {  	[spmem:s3] =	stream.indirect.scatter.add.f32 [tilespmem:s26], [sflag:$0x10], $0x80, s15, s19, $0xb8;
	[tilespmem:$0x1DF80] =	vst v63  }
0x66: {  	_ =	swait.ge [sflag:s13], $0x800  }
0x67: {  	[sflag:s13] =	ssyncset.done $0x0  }
0x68: {  	s25 =	simm.s32 $0xD0;
	[sflag:s13] =	ssyncadd.s32 $0xFFFFF800  }
0x69: {  	[tilespmem:s30], [sflag:$0x3] =	stream.indirect.gather [hbm4b:s0+s19], $0x80, s25, s19, $0xb8;
	[tilespmem:$0x1DF80] =	vst v63  }
0x6a: {  	_ =	swait.ge [sflag:s8], $0x800  }
0x6b: {  	[sflag:s8] =	ssyncset.done $0x0  }
0x6c: {  	s28 =	simm.s32 $0x27D0;
	[sflag:s8] =	ssyncadd.s32 $0xFFFFF800  }
0x6d: {  	[spmem:s3] =	stream.indirect.scatter.add.f32 [tilespmem:s31], [sflag:$0x11], $0x80, s28, s19, $0xb8;
	[tilespmem:$0x1DF80] =	vst v63  }
0x6e: {  	_ =	swait.ge [sflag:s9], $0x800  }
0x6f: {  	[sflag:s9] =	ssyncset.done $0x0  }
0x70: {  	s30 =	simm.s32 $0xE0;
	[sflag:s9] =	ssyncadd.s32 $0xFFFFF800  }
0x71: {  	[tilespmem:s22], [sflag:$0x4] =	stream.indirect.gather [hbm4b:s0+s19], $0x80, s30, s19, $0xb8;
	[tilespmem:$0x1DF80] =	vst v63  }
0x72: {  	_ =	swait.ge [sflag:s10], $0x800  }
0x73: {  	[sflag:s10] =	ssyncset.done $0x0  }
0x74: {  	s2 =	simm.s32 $0x27E0;
	[sflag:s10] =	ssyncadd.s32 $0xFFFFF800  }
0x75: {  	[spmem:s3] =	stream.indirect.scatter.add.f32 [tilespmem:s24], [sflag:$0x12], $0x80, s2, s19, $0xb8;
	[tilespmem:$0x1DF80] =	vst v63  }
0x76: {  	_ =	swait.ge [sflag:s19], $0x800  }
0x77: {  	[sflag:s19] =	ssyncset.done $0x0  }
0x78: {  	s4 =	simm.s32 $0xF0;
	[sflag:s19] =	ssyncadd.s32 $0xFFFFF800  }
0x79: {  	[tilespmem:s26], [sflag:$0x5] =	stream.indirect.gather [hbm4b:s0+s19], $0x80, s4, s19, $0xb8;
	[tilespmem:$0x1DF80] =	vst v63  }
0x7a: {  	_ =	swait.ge [sflag:s11], $0x800  }
0x7b: {  	[sflag:s11] =	ssyncset.done $0x0  }
0x7c: {  	s15 =	simm.s32 $0x27F0;
	[sflag:s11] =	ssyncadd.s32 $0xFFFFF800  }
0x7d: {  	[spmem:s3] =	stream.indirect.scatter.add.f32 [tilespmem:s29], [sflag:$0x13], $0x80, s15, s19, $0xb8;
	[tilespmem:$0x1DF80] =	vst v63  }
0x7e: {  	_ =	swait.ge [sflag:s12], $0x800  }
0x7f: {  	[sflag:s12] =	ssyncset.done $0x0  }
0x80: {  	s22 =	simm.s32 $0x100;
	[sflag:s12] =	ssyncadd.s32 $0xFFFFF800  }
0x81: {  	[tilespmem:s31], [sflag:$0x6] =	stream.indirect.gather [hbm4b:s0+s19], $0x80, s22, s19, $0xb8;
	[tilespmem:$0x1DF80] =	vst v63  }
0x82: {  	_ =	swait.ge [sflag:s16], $0x800  }
0x83: {  	[sflag:s16] =	ssyncset.done $0x0  }
0x84: {  	s25 =	simm.s32 $0x2800;
	[sflag:s16] =	ssyncadd.s32 $0xFFFFF800  }
0x85: {  	[spmem:s3] =	stream.indirect.scatter.add.f32 [tilespmem:s1], [sflag:$0x14], $0x80, s25, s19, $0xb8;
	[tilespmem:$0x1DF80] =	vst v63  }
0x86: {  	_ =	swait.ge [sflag:s17], $0x800  }
0x87: {  	[sflag:s17] =	ssyncset.done $0x0  }
0x88: {  	s26 =	simm.s32 $0x110;
	[sflag:s17] =	ssyncadd.s32 $0xFFFFF800  }
0x89: {  	[tilespmem:s24], [sflag:$0x7] =	stream.indirect.gather [hbm4b:s0+s19], $0x80, s26, s19, $0xb8;
	[tilespmem:$0x1DF80] =	vst v63  }
0x8a: {  	_ =	swait.ge [sflag:s18], $0x800  }
0x8b: {  	[sflag:s18] =	ssyncset.done $0x0  }
0x8c: {  	s28 =	simm.s32 $0x2810;
	[sflag:s18] =	ssyncadd.s32 $0xFFFFF800  }
0x8d: {  	[spmem:s3] =	stream.indirect.scatter.add.f32 [tilespmem:s6], [sflag:$0x15], $0x80, s28, s19, $0xb8;
	[tilespmem:$0x1DF80] =	vst v63  }
0x8e: {  	_ =	swait.ge [sflag:s14], $0x800  }
0x8f: {  	[sflag:s14] =	ssyncset.done $0x0  }
0x90: {  	s30 =	simm.s32 $0x120;
	[sflag:s14] =	ssyncadd.s32 $0xFFFFF800  }
0x91: {  	[tilespmem:s29], [sflag:$0x8] =	stream.indirect.gather [hbm4b:s0+s19], $0x80, s30, s19, $0xb8;
	[tilespmem:$0x1DF80] =	vst v63  }
0x92: {  	_ =	swait.ge [sflag:s20], $0x800  }
0x93: {  	[sflag:s20] =	ssyncset.done $0x0  }
0x94: {  	s31 =	simm.s32 $0x2820;
	[sflag:s20] =	ssyncadd.s32 $0xFFFFF800  }
0x95: {  	[spmem:s3] =	stream.indirect.scatter.add.f32 [tilespmem:s5], [sflag:$0x16], $0x80, s31, s19, $0xb8;
	[tilespmem:$0x1DF80] =	vst v63  }
0x96: {  	_ =	swait.ge [sflag:s21], $0x800  }
0x97: {  	s23 =	simm.s32 $0x2C0;
	s25 =	simm.s32 $0x130;
	[sflag:s21] =	ssyncset.done $0x0  }
.LBB2_2:
0x98: {  	[sflag:s21] =	ssyncadd.s32 $0xFFFFF800;
	s28 =	smov.u32 s23  }
0x99: {  	s23 =	sadd.s32 $0x2C0, s23;
	s4 =	simm.s32 $0x8F00;
	s1 =	simm.s32 $0x1  }
0x9a: {  	[tilespmem:s4], [sflag:$0x9] =	stream.indirect.gather [hbm4b:s0+s19], $0x80, s25, s19, $0xb8;
	[tilespmem:$0x1DF80] =	vst v63  }
0x9b: {  	s25 =	sshra.s32 s28, $0x2;
	p1 =	sne.s32 s23, $0x9A00;
	_ =	swait.ge [sflag:s1], $0x800  }
0x9c: {  	p2 =	seq.s32 s28, $0x0;
	s30 =	sadd.s32 $0x2780, s25;
	[sflag:s1] =	ssyncset.done $0x0  }
0x9d: {  	s2 =	simm.s32 $0x4F00;
	s28 =	simm.s32 @!p2 $0x15;
	[sflag:s1] =	ssyncadd.s32 $0xFFFFF800  }
0x9e: {  	[spmem:s3] =	stream.indirect.scatter.add.f32 [tilespmem:s2], [sflag:$0xC], $0x80, s30, s19, $0xb8;
	[tilespmem:$0x1DF80] =	vst v63  }
0x9f: {  	_ =	swait.ge @!p2 [sflag:s28], $0x800  }
0xa0: {  	s30 =	sadd.s32 $0x90, s25;
	[sflag:s28] =	ssyncset.done @!p2 $0x0  }
0xa1: {  	s6 =	simm.s32 $0x9700;
	s1 =	simm.s32 $0x2;
	[sflag:s28] =	ssyncadd.s32 @!p2 $0xFFFFF800  }
0xa2: {  	[tilespmem:s6], [sflag:$0xA] =	stream.indirect.gather [hbm4b:s0+s19], $0x80, s30, s19, $0xb8;
	[tilespmem:$0x1DF80] =	vst v63  }
0xa3: {  	_ =	swait.ge [sflag:s1], $0x800  }
0xa4: {  	s28 =	sadd.s32 $0x2790, s25;
	[sflag:s1] =	ssyncset.done $0x0  }
0xa5: {  	s15 =	simm.s32 $0x5700;
	s30 =	simm.s32 @!p2 $0x16;
	[sflag:s1] =	ssyncadd.s32 $0xFFFFF800  }
0xa6: {  	[spmem:s3] =	stream.indirect.scatter.add.f32 [tilespmem:s15], [sflag:$0xD], $0x80, s28, s19, $0xb8;
	[tilespmem:$0x1DF80] =	vst v63  }
0xa7: {  	_ =	swait.ge @!p2 [sflag:s30], $0x800  }
0xa8: {  	s28 =	sadd.s32 $0xA0, s25;
	[sflag:s30] =	ssyncset.done @!p2 $0x0  }
0xa9: {  	s1 =	simm.s32 $0x3;
	[sflag:s30] =	ssyncadd.s32 @!p2 $0xFFFFF800  }
0xaa: {  	[tilespmem:s5], [sflag:$0xB] =	stream.indirect.gather [hbm4b:s0+s19], $0x80, s28, s19, $0xb8;
	[tilespmem:$0x1DF80] =	vst v63  }
0xab: {  	_ =	swait.ge [sflag:s1], $0x800  }
0xac: {  	s28 =	sadd.s32 $0x27A0, s25;
	[sflag:s1] =	ssyncset.done $0x0  }
0xad: {  	s22 =	simm.s32 $0x5F00;
	[sflag:s1] =	ssyncadd.s32 $0xFFFFF800;
	s1 =	simm.s32 $0xC  }
0xae: {  	[spmem:s3] =	stream.indirect.scatter.add.f32 [tilespmem:s22], [sflag:$0xE], $0x80, s28, s19, $0xb8;
	[tilespmem:$0x1DF80] =	vst v63  }
0xaf: {  	_ =	swait.ge [sflag:s1], $0x800  }
0xb0: {  	s28 =	sadd.s32 $0xB0, s25;
	[sflag:s1] =	ssyncset.done $0x0  }
0xb1: {  	s30 =	simm.s32 $0x4F00;
	[sflag:s1] =	ssyncadd.s32 $0xFFFFF800;
	s1 =	simm.s32 $0x4  }
0xb2: {  	[tilespmem:s2], [sflag:$0x1] =	stream.indirect.gather [hbm4b:s0+s19], $0x80, s28, s19, $0xb8;
	[tilespmem:$0x1DF80] =	vst v63  }
0xb3: {  	_ =	swait.ge [sflag:s1], $0x800  }
0xb4: {  	s28 =	sadd.s32 $0x27B0, s25;
	[sflag:s1] =	ssyncset.done $0x0  }
0xb5: {  	s26 =	simm.s32 $0x6700;
	[sflag:s1] =	ssyncadd.s32 $0xFFFFF800;
	s1 =	simm.s32 $0xD  }
0xb6: {  	[spmem:s3] =	stream.indirect.scatter.add.f32 [tilespmem:s26], [sflag:$0xF], $0x80, s28, s19, $0xb8;
	[tilespmem:$0x1DF80] =	vst v63  }
0xb7: {  	_ =	swait.ge [sflag:s1], $0x800  }
0xb8: {  	s28 =	sadd.s32 $0xC0, s25;
	[sflag:s1] =	ssyncset.done $0x0  }
0xb9: {  	s2 =	simm.s32 $0x5700;
	[sflag:s1] =	ssyncadd.s32 $0xFFFFF800  }
0xba: {  	[tilespmem:s15], [sflag:$0x2] =	stream.indirect.gather [hbm4b:s0+s19], $0x80, s28, s19, $0xb8;
	[tilespmem:$0x1DF80] =	vst v63  }
0xbb: {  	_ =	swait.ge [sflag:s7], $0x800  }
0xbc: {  	s28 =	sadd.s32 $0x27C0, s25;
	[sflag:s7] =	ssyncset.done $0x0  }
0xbd: {  	s31 =	simm.s32 $0x6F00;
	[sflag:s7] =	ssyncadd.s32 $0xFFFFF800  }
0xbe: {  	[spmem:s3] =	stream.indirect.scatter.add.f32 [tilespmem:s31], [sflag:$0x10], $0x80, s28, s19, $0xb8;
	[tilespmem:$0x1DF80] =	vst v63  }
0xbf: {  	_ =	swait.ge [sflag:s13], $0x800  }
0xc0: {  	s28 =	sadd.s32 $0xD0, s25;
	[sflag:s13] =	ssyncset.done $0x0  }
0xc1: {  	s15 =	simm.s32 $0x5F00;
	[sflag:s13] =	ssyncadd.s32 $0xFFFFF800  }
0xc2: {  	[tilespmem:s22], [sflag:$0x3] =	stream.indirect.gather [hbm4b:s0+s19], $0x80, s28, s19, $0xb8;
	[tilespmem:$0x1DF80] =	vst v63  }
0xc3: {  	_ =	swait.ge [sflag:s8], $0x800  }
0xc4: {  	s28 =	sadd.s32 $0x27D0, s25;
	[sflag:s8] =	ssyncset.done $0x0  }
0xc5: {  	s24 =	simm.s32 $0x7700;
	[sflag:s8] =	ssyncadd.s32 $0xFFFFF800  }
0xc6: {  	[spmem:s3] =	stream.indirect.scatter.add.f32 [tilespmem:s24], [sflag:$0x11], $0x80, s28, s19, $0xb8;
	[tilespmem:$0x1DF80] =	vst v63  }
0xc7: {  	_ =	swait.ge [sflag:s9], $0x800  }
0xc8: {  	s28 =	sadd.s32 $0xE0, s25;
	[sflag:s9] =	ssyncset.done $0x0  }
0xc9: {  	s22 =	simm.s32 $0x6700;
	[sflag:s9] =	ssyncadd.s32 $0xFFFFF800  }
0xca: {  	[tilespmem:s26], [sflag:$0x4] =	stream.indirect.gather [hbm4b:s0+s19], $0x80, s28, s19, $0xb8;
	[tilespmem:$0x1DF80] =	vst v63  }
0xcb: {  	_ =	swait.ge [sflag:s10], $0x800  }
0xcc: {  	s28 =	sadd.s32 $0x27E0, s25;
	[sflag:s10] =	ssyncset.done $0x0  }
0xcd: {  	s29 =	simm.s32 $0x7F00;
	[sflag:s10] =	ssyncadd.s32 $0xFFFFF800  }
0xce: {  	[spmem:s3] =	stream.indirect.scatter.add.f32 [tilespmem:s29], [sflag:$0x12], $0x80, s28, s19, $0xb8;
	[tilespmem:$0x1DF80] =	vst v63  }
0xcf: {  	_ =	swait.ge [sflag:s19], $0x800  }
0xd0: {  	s28 =	sadd.s32 $0xF0, s25;
	[sflag:s19] =	ssyncset.done $0x0  }
0xd1: {  	s26 =	simm.s32 $0x6F00;
	[sflag:s19] =	ssyncadd.s32 $0xFFFFF800  }
0xd2: {  	[tilespmem:s31], [sflag:$0x5] =	stream.indirect.gather [hbm4b:s0+s19], $0x80, s28, s19, $0xb8;
	[tilespmem:$0x1DF80] =	vst v63  }
0xd3: {  	_ =	swait.ge [sflag:s11], $0x800  }
0xd4: {  	s28 =	sadd.s32 $0x27F0, s25;
	[sflag:s11] =	ssyncset.done $0x0  }
0xd5: {  	s1 =	simm.s32 $0x8700;
	[sflag:s11] =	ssyncadd.s32 $0xFFFFF800  }
0xd6: {  	[spmem:s3] =	stream.indirect.scatter.add.f32 [tilespmem:s1], [sflag:$0x13], $0x80, s28, s19, $0xb8;
	[tilespmem:$0x1DF80] =	vst v63  }
0xd7: {  	_ =	swait.ge [sflag:s12], $0x800  }
0xd8: {  	s28 =	sadd.s32 $0x100, s25;
	[sflag:s12] =	ssyncset.done $0x0  }
0xd9: {  	s31 =	simm.s32 $0x7700;
	[sflag:s12] =	ssyncadd.s32 $0xFFFFF800  }
0xda: {  	[tilespmem:s24], [sflag:$0x6] =	stream.indirect.gather [hbm4b:s0+s19], $0x80, s28, s19, $0xb8;
	[tilespmem:$0x1DF80] =	vst v63  }
0xdb: {  	_ =	swait.ge [sflag:s16], $0x800  }
0xdc: {  	s28 =	sadd.s32 $0x2800, s25;
	[sflag:s16] =	ssyncset.done $0x0  }
0xdd: {  	[sflag:s16] =	ssyncadd.s32 $0xFFFFF800  }
0xde: {  	[spmem:s3] =	stream.indirect.scatter.add.f32 [tilespmem:s4], [sflag:$0x14], $0x80, s28, s19, $0xb8;
	[tilespmem:$0x1DF80] =	vst v63  }
0xdf: {  	_ =	swait.ge [sflag:s17], $0x800  }
0xe0: {  	s28 =	sadd.s32 $0x110, s25;
	[sflag:s17] =	ssyncset.done $0x0  }
0xe1: {  	s24 =	simm.s32 $0x7F00;
	[sflag:s17] =	ssyncadd.s32 $0xFFFFF800  }
0xe2: {  	[tilespmem:s29], [sflag:$0x7] =	stream.indirect.gather [hbm4b:s0+s19], $0x80, s28, s19, $0xb8;
	[tilespmem:$0x1DF80] =	vst v63  }
0xe3: {  	_ =	swait.ge [sflag:s18], $0x800  }
0xe4: {  	s28 =	sadd.s32 $0x2810, s25;
	[sflag:s18] =	ssyncset.done $0x0  }
0xe5: {  	[sflag:s18] =	ssyncadd.s32 $0xFFFFF800  }
0xe6: {  	[spmem:s3] =	stream.indirect.scatter.add.f32 [tilespmem:s6], [sflag:$0x15], $0x80, s28, s19, $0xb8;
	[tilespmem:$0x1DF80] =	vst v63  }
0xe7: {  	_ =	swait.ge [sflag:s14], $0x800  }
0xe8: {  	s28 =	sadd.s32 $0x120, s25;
	[sflag:s14] =	ssyncset.done $0x0  }
0xe9: {  	s29 =	simm.s32 $0x8700;
	[sflag:s14] =	ssyncadd.s32 $0xFFFFF800  }
0xea: {  	[tilespmem:s1], [sflag:$0x8] =	stream.indirect.gather [hbm4b:s0+s19], $0x80, s28, s19, $0xb8;
	[tilespmem:$0x1DF80] =	vst v63  }
0xeb: {  	_ =	swait.ge [sflag:s20], $0x800  }
.Ltmp0:
0xec: {  	s28 =	sadd.s32 $0x2820, s25;
	[sflag:s20] =	ssyncset.done $0x0;
	(pc) =	sbr.rel @p1 .LBB2_2-.Ltmp0, $4  }
0xed: {  	[sflag:s20] =	ssyncadd.s32 $0xFFFFF800  }
0xee: {  	[spmem:s3] =	stream.indirect.scatter.add.f32 [tilespmem:s5], [sflag:$0x16], $0x80, s28, s19, $0xb8;
	[tilespmem:$0x1DF80] =	vst v63  }
0xef: {  	_ =	swait.ge [sflag:s21], $0x800  }
0xf0: {  	s25 =	sadd.s32 $0x130, s25;
	[sflag:s21] =	ssyncset.done $0x0  }
0xf1: {  	[sflag:s21] =	ssyncadd.s32 $0xFFFFF800;
	s1 =	simm.s32 $0x8F00;
	s4 =	simm.s32 $0x1  }
0xf2: {  	[tilespmem:s1], [sflag:$0x9] =	stream.indirect.gather [hbm4b:s0+s19], $0x80, s25, s19, $0xb8;
	[tilespmem:$0x1DF80] =	vst v63  }
0xf3: {  	_ =	swait.ge [sflag:s4], $0x800  }
0xf4: {  	[sflag:s4] =	ssyncset.done $0x0  }
0xf5: {  	s6 =	simm.s32 $0x4E00;
	s23 =	simm.s32 $0x2;
	[sflag:s4] =	ssyncadd.s32 $0xFFFFF800  }
0xf6: {  	[spmem:s3] =	stream.indirect.scatter.add.f32 [tilespmem:s30], [sflag:$0xC], $0x80, s6, s19, $0xb8;
	[tilespmem:$0x1DF80] =	vst v63  }
0xf7: {  	_ =	swait.ge [sflag:s23], $0x800  }
0xf8: {  	[sflag:s23] =	ssyncset.done $0x0  }
0xf9: {  	s5 =	simm.s32 $0x3;
	s25 =	simm.s32 $0x4E10;
	[sflag:s23] =	ssyncadd.s32 $0xFFFFF800  }
0xfa: {  	[spmem:s3] =	stream.indirect.scatter.add.f32 [tilespmem:s2], [sflag:$0xD], $0x80, s25, s19, $0xb8;
	[tilespmem:$0x1DF80] =	vst v63  }
0xfb: {  	_ =	swait.ge [sflag:s5], $0x800  }
0xfc: {  	[sflag:s5] =	ssyncset.done $0x0  }
0xfd: {  	s6 =	simm.s32 $0x4E20;
	s23 =	simm.s32 $0x4;
	[sflag:s5] =	ssyncadd.s32 $0xFFFFF800  }
0xfe: {  	[spmem:s3] =	stream.indirect.scatter.add.f32 [tilespmem:s15], [sflag:$0xE], $0x80, s6, s19, $0xb8;
	[tilespmem:$0x1DF80] =	vst v63  }
0xff: {  	_ =	swait.ge [sflag:s23], $0x800  }
0x100: {  	[sflag:s23] =	ssyncset.done $0x0  }
0x101: {  	s25 =	simm.s32 $0x4E30;
	[sflag:s23] =	ssyncadd.s32 $0xFFFFF800  }
0x102: {  	[spmem:s3] =	stream.indirect.scatter.add.f32 [tilespmem:s22], [sflag:$0xF], $0x80, s25, s19, $0xb8;
	[tilespmem:$0x1DF80] =	vst v63  }
0x103: {  	_ =	swait.ge [sflag:s7], $0x800  }
0x104: {  	[sflag:s7] =	ssyncset.done $0x0  }
0x105: {  	s4 =	simm.s32 $0x4E40;
	[sflag:s7] =	ssyncadd.s32 $0xFFFFF800  }
0x106: {  	[spmem:s3] =	stream.indirect.scatter.add.f32 [tilespmem:s26], [sflag:$0x10], $0x80, s4, s19, $0xb8;
	[tilespmem:$0x1DF80] =	vst v63  }
0x107: {  	_ =	swait.ge [sflag:s8], $0x800  }
0x108: {  	[sflag:s8] =	ssyncset.done $0x0  }
0x109: {  	s5 =	simm.s32 $0x4E50;
	[sflag:s8] =	ssyncadd.s32 $0xFFFFF800  }
0x10a: {  	[spmem:s3] =	stream.indirect.scatter.add.f32 [tilespmem:s31], [sflag:$0x11], $0x80, s5, s19, $0xb8;
	[tilespmem:$0x1DF80] =	vst v63  }
0x10b: {  	_ =	swait.ge [sflag:s10], $0x800  }
0x10c: {  	[sflag:s10] =	ssyncset.done $0x0  }
0x10d: {  	s6 =	simm.s32 $0x4E60;
	[sflag:s10] =	ssyncadd.s32 $0xFFFFF800  }
0x10e: {  	[spmem:s3] =	stream.indirect.scatter.add.f32 [tilespmem:s24], [sflag:$0x12], $0x80, s6, s19, $0xb8;
	[tilespmem:$0x1DF80] =	vst v63  }
0x10f: {  	_ =	swait.ge [sflag:s11], $0x800  }
0x110: {  	[sflag:s11] =	ssyncset.done $0x0  }
0x111: {  	s15 =	simm.s32 $0x4E70;
	[sflag:s11] =	ssyncadd.s32 $0xFFFFF800  }
0x112: {  	[spmem:s3] =	stream.indirect.scatter.add.f32 [tilespmem:s29], [sflag:$0x13], $0x80, s15, s19, $0xb8;
	[tilespmem:$0x1DF80] =	vst v63  }
0x113: {  	_ =	swait.ge [sflag:s16], $0x800  }
0x114: {  	[sflag:s16] =	ssyncset.done $0x0  }
0x115: {  	s23 =	simm.s32 $0x15;
	s22 =	simm.s32 $0x4E80;
	[sflag:s16] =	ssyncadd.s32 $0xFFFFF800  }
0x116: {  	[spmem:s3] =	stream.indirect.scatter.add.f32 [tilespmem:s1], [sflag:$0x14], $0x80, s22, s19, $0xb8;
	[tilespmem:$0x1DF80] =	vst v63  }
0x117: {  	_ =	swait.ge [sflag:s23], $0x800  }
0x118: {  	[sflag:s23] =	ssyncset.done $0x0  }
0x119: {  	s24 =	simm.s32 $0x16;
	[sflag:s23] =	ssyncadd.s32 $0xFFFFF800  }
0x11a: {  	_ =	swait.ge [sflag:s24], $0x800  }
0x11b: {  	[sflag:s24] =	ssyncset.done $0x0  }
0x11c: {  	s25 =	simm.s32 $0xC;
	[sflag:s24] =	ssyncadd.s32 $0xFFFFF800  }
0x11d: {  	_ =	swait.ge [sflag:s25], $0x800  }
0x11e: {  	[sflag:s25] =	ssyncset.done $0x0  }
0x11f: {  	s26 =	simm.s32 $0xD;
	[sflag:s25] =	ssyncadd.s32 $0xFFFFF800  }
0x120: {  	_ =	swait.ge [sflag:s26], $0x800  }
0x121: {  	[sflag:s26] =	ssyncset.done $0x0  }
0x122: {  	[sflag:s26] =	ssyncadd.s32 $0xFFFFF800  }
0x123: {  	_ =	swait.ge [sflag:s13], $0x800  }
0x124: {  	[sflag:s13] =	ssyncset.done $0x0  }
0x125: {  	[sflag:s13] =	ssyncadd.s32 $0xFFFFF800  }
0x126: {  	_ =	swait.ge [sflag:s9], $0x800  }
0x127: {  	[sflag:s9] =	ssyncset.done $0x0  }
0x128: {  	[sflag:s9] =	ssyncadd.s32 $0xFFFFF800  }
0x129: {  	_ =	swait.ge [sflag:s19], $0x800  }
0x12a: {  	[sflag:s19] =	ssyncset.done $0x0  }
0x12b: {  	[sflag:s19] =	ssyncadd.s32 $0xFFFFF800  }
0x12c: {  	_ =	swait.ge [sflag:s12], $0x800  }
0x12d: {  	[sflag:s12] =	ssyncset.done $0x0  }
0x12e: {  	[sflag:s12] =	ssyncadd.s32 $0xFFFFF800  }
0x12f: {  	_ =	swait.ge [sflag:s17], $0x800  }
0x130: {  	[sflag:s17] =	ssyncset.done $0x0  }
0x131: {  	[sflag:s17] =	ssyncadd.s32 $0xFFFFF800  }
0x132: {  	_ =	swait.ge [sflag:s14], $0x800  }
0x133: {  	[sflag:s14] =	ssyncset.done $0x0  }
0x134: {  	[sflag:s14] =	ssyncadd.s32 $0xFFFFF800  }
0x135: {  	_ =	swait.ge [sflag:s21], $0x800  }
0x136: {  	[sflag:s21] =	ssyncset.done $0x0  }
0x137: {  	[sflag:s21] =	ssyncadd.s32 $0xFFFFF800  }
0x138: {  	[bflag:$0x0] =	sbarrier.arrive $0xFFFF  }
0x139: {  	s25 =	rddreg [dreg:$0xa]  }
0x13a: {  	s23 =	simm.s32 @p0 $0x1FD7;
	s28 =	rddreg [dreg:$0xc]  }
0x13b: {  	[hbm:s25], [sflag:s23] =	dma.local @p0 [spmem:s28], $0x2080  }
0x13c: {  	s23 =	simm.s32 @p0 $0x17  }
0x13d: {  	_ =	swait.ge @p0 [sflag:s23], $0x2080  }
0x13e: {  	s30 =	rddreg [dreg:$0xd]  }
0x13f: {  	[sflag:s23] =	ssyncset.done @p0 $0x0;
	s2 =	rddreg [dreg:$0xe]  }
0x140: {  	[sflag:s23] =	ssyncadd.s32 @p0 $0xFFFFDF80;
	s23 =	rddreg [dreg:$0x9]  }
0x141: {  	[hbm:s23], [sflag:s30] =	dma.local @!p0 [spmem:s2], $0x2780  }
0x142: {  	s23 =	simm.s32 @!p0 $0x17  }
0x143: {  	_ =	swait.ge @!p0 [sflag:s23], $0x2780  }
0x144: {  	s29 =	rddreg [dreg:$0xf]  }
0x145: {  	s31 =	rddreg [dreg:$0xb];
	s1 =	sadd.s32 $0x1, s29  }
0x146: {  	p1 =	sne.s32 s1, s31  }
.Ltmp1:
0x147: {  	_ = 	snop;
	(pc) =	sbr.rel @p1 .LBB2_1-.Ltmp1, $3  }
0x148: {  	_ =	sdelay $0x1  }
0x149: {  	[sflag:s23] =	ssyncset.done @!p0 $0x0  }
0x14a: {  	[sflag:s23] =	ssyncadd.s32 @!p0 $0xFFFFD880  }
0x14b: {  	_ =	sfence.sel $0x180000  }
0x14c: {  	[bflag:$0x0] =	sbarrier.arrive $0xFFFF  }
0x14d: {  	_ =	strace $0x9000004D  }
0x14e: {  	s0 =	stileid.u32;
	[bflag:$0x2] =	sbarrier.arrive $0xFFFF  }
0x14f: {  	p0 =	sne.s32 s0, $0x0;
	s0 =	rddreg [dreg:$0x4]  }
0x150: {  	s0 =	sadd.s32 @!p0 $0x100000, s0  }
0x151: {  	[sflag:s0] =	ssyncadd.tile.s32 @!p0 $0x1;
	_ =	shalt  }
.Lfunc_end2:
_tile_overlayer_lowered:
.L_overlay_start_2:
0x152: {  	(tag) =	ssettag $0x2  }
0x153: {  	s0 =	rddreg [dreg:$0x0];
	s2 =	stileid.u32  }
0x154: {  	s1 =	rddreg [dreg:$0x1];
	p0 =	sne.s32 s2, $0x0  }
0x155: {  	s3 =	rddreg [dreg:$0x2];
	[bflag:$0x3] =	sbarrier.arrive $0xFFFF;
	s2 =	simm.s32 @!p0 $0x1C17  }
0x156: {  	[timem:s3], [sflag:s2] =	dma.local @!p0 [hbm:s0], s1  }
0x157: {  	s0 =	simm.s32 @!p0 $0x17  }
0x158: {  	_ =	swait.ge @!p0 [sflag:s0], s1  }
0x159: {  	s1 =	ssub.s32 @!p0 $0x0, s1;
	[sflag:s0] =	ssyncset.done @!p0 $0x0  }
0x15a: {  	[sflag:s0] =	ssyncadd.s32 @!p0 s1  }
0x15b: {  	[bflag:$0x3] =	sbarrier.arrive $0xFFFF  }
0x15c: {  	_ =	shalt  }

// kernel: kernel.9.cloned.1.call-start
scs
__scs_entry_jumppad:
0x0: {  	(pc) =	sbr.rel $0x88, $3  }
0x1: {  	(tag) =	ssettag $0x0;
	lr =	simm.s32 $0x1  }
0x2: {  	[smem:$0x3F99] =	sst lr;
	_ =	strace $0xD0000000  }
0x3: {  	_ = 	snop  }
0x4: {  	_ = 	snop  }
0x5: {  	_ = 	snop  }
0x6: {  	_ = 	snop  }
0x7: {  	_ = 	snop  }
__scs_overlays_trampoline_lowered:
0x8: {  	[smem:$0x3FA8] =	sst s0  }
0x9: {  	[smem:$0x3FA9] =	sst s1  }
0xa: {  	[smem:$0x3FAA] =	sst s2  }
0xb: {  	[smem:$0x3FAB] =	sst s3  }
0xc: {  	[smem:$0x3FAC] =	sst s4  }
0xd: {  	[smem:$0x3FAD] =	sst s5  }
0xe: {  	[smem:$0x3FAE] =	sst s6  }
0xf: {  	[smem:$0x3FAF] =	sst s7  }
0x10: {  	[smem:$0x3FB0] =	sst s8  }
0x11: {  	[smem:$0x3FB1] =	sst s9;
	s0 =	simm.s32 @!p0 $0x0  }
0x12: {  	s1 =	sld [smem:$0x3F97];
	s0 =	simm.s32 @p0 $0x1  }
0x13: {  	[smem:$0x3FB2] =	sst s0;
	s0 =	simm.s32 @!p1 $0x0  }
0x14: {  	s2 =	sld [smem:$0x3F96];
	s0 =	simm.s32 @p1 $0x1  }
0x15: {  	[smem:$0x3FB3] =	sst s0;
	s0 =	simm.s32 @!p2 $0x0  }
0x16: {  	s3 =	sld [smem:$0x3FDB];
	s0 =	simm.s32 @p2 $0x1  }
0x17: {  	s4 =	simm.s32 $0x1BF5;
	[smem:$0x3FB5] =	sst s0  }
0x18: {  	s0 =	sld [smem:$0x3F98];
	_ =	swait.ge [sflag:s4], $0x0  }
0x19: {  	s7 =	sld [smem:$0x3F99]  }
0x1a: {  	s8 =	sadd.s32 $0xFFFFE003, lr  }
0x1b: {  	s9 =	sadd.s32 $0xFFFFFEF7, lr;
	s5 =	simm.s32 $0xFFFFFFFF;
	p2 =	slt.u32 s8, $0xFFFFF086  }
0x1c: {  	p1 =	slt.u32 s9, $0xF7A;
	s5 =	simm.s32 @!p2 $0x0  }
0x1d: {  	s5 =	simm.s32 @p1 $0x1;
	p0 =	seq.s32 s7, s2  }
0x1e: {  	s7 =	smul.u32 @!p0 $0xF7A, s2;
	p2 =	seq.s32 @!p0 s5, $0x0  }
0x1f: {  	s9 =	smul.u32 $0xF7A, s1;
	s8 =	simm.s32 @!p0 $0x1BF5;
	p2 =	por !p2, p0  }
0x20: {  	[sflag:s8] =	ssyncset.s32 @!p0 $0xFFFFF086;
	s6 =	sadd.s32 @!p0 s3, s7;
	s7 =	simm.s32 @!p0 $0x108  }
0x21: {  	s3 =	sadd.s32 s3, s9;
	s6 =	sadd.s32 @!p0 $0x88, s6;
	s7 =	simm.s32 @p2 $0x1082  }
0x22: {  	[simem:s7], [sflag:s8] =	dma.local @!p0 [hbm:s6], $0xF7A  }
0x23: {  	s9 =	sor.u32 $0xD0000000, s2;
	s6 =	simm.s32 $0x108;
	_ =	swait.ge @!p0 [sflag:s8], $0x0  }
0x24: {  	s3 =	sadd.s32 $0x88, s3;
	s6 =	simm.s32 @!p1 $0x1082;
	[sflag:s4] =	ssyncset.s32 $0xFFFFF086  }
0x25: {  	[simem:s6], [sflag:s4] =	dma.local [hbm:s3], $0xF7A  }
0x26: {  	[smem:$0x3F99] =	sst s1;
	(tag) =	ssettag s2;
	_ =	strace s9  }
0x27: {  	s1 =	sld [smem:$0x3FA9]  }
0x28: {  	s2 =	sld [smem:$0x3FAA]  }
0x29: {  	s4 =	sld [smem:$0x3FAC]  }
0x2a: {  	p0 =	seq.s32 s5, $0x0;
	s5 =	sld [smem:$0x3FAD]  }
0x2b: {  	s6 =	sld [smem:$0x3FAE]  }
0x2c: {  	s7 =	sld [smem:$0x3FAF]  }
0x2d: {  	s3 =	simm.s32 $0x108;
	s8 =	sld [smem:$0x3FB0]  }
0x2e: {  	s3 =	simm.s32 @!p0 $0x1082;
	s9 =	sld [smem:$0x3FB1]  }
0x2f: {  	lr =	sadd.s32 s0, s3;
	s0 =	sld [smem:$0x3FA8]  }
0x30: {  	s3 =	sld [smem:$0x3FAB]  }
0x31: {  	[smem:$0x3FB4] =	sst s10  }
0x32: {  	s10 =	sld [smem:$0x3FB2];
	_ =	sdelay $0x3  }
0x33: {  	p0 =	seq.s32 s10, $0x1;
	s10 =	sld [smem:$0x3FB4];
	_ =	sdelay $0x3  }
0x34: {  	[smem:$0x3FB4] =	sst s10  }
0x35: {  	s10 =	sld [smem:$0x3FB3];
	_ =	sdelay $0x3  }
0x36: {  	p1 =	seq.s32 s10, $0x1;
	s10 =	sld [smem:$0x3FB4];
	_ =	sdelay $0x3  }
0x37: {  	[smem:$0x3FB4] =	sst s10  }
0x38: {  	s10 =	sld [smem:$0x3FB5]  }
0x39: {  	_ = 	snop;
	(pc) =	sbr.ind lr, $3  }
0x3a: {  	_ = 	snop  }
0x3b: {  	_ = 	snop  }
0x3c: {  	p2 =	seq.s32 s10, $0x1;
	s10 =	sld [smem:$0x3FB4]  }
0x3d: {  	_ =	shalt  }
0x3e: {  	_ =	shalt  }
0x3f: {  	_ =	shalt  }
0x40: {  	_ =	shalt  }
0x41: {  	_ =	shalt  }
0x42: {  	_ =	shalt  }
0x43: {  	_ =	shalt  }
0x44: {  	_ =	shalt  }
0x45: {  	_ =	shalt  }
0x46: {  	_ =	shalt  }
0x47: {  	_ =	shalt  }
0x48: {  	_ =	shalt  }
0x49: {  	_ =	shalt  }
0x4a: {  	_ =	shalt  }
0x4b: {  	_ =	shalt  }
0x4c: {  	_ =	shalt  }
0x4d: {  	_ =	shalt  }
0x4e: {  	_ =	shalt  }
0x4f: {  	_ =	shalt  }
0x50: {  	_ =	shalt  }
0x51: {  	_ =	shalt  }
0x52: {  	_ =	shalt  }
0x53: {  	_ =	shalt  }
0x54: {  	_ =	shalt  }
0x55: {  	_ =	shalt  }
0x56: {  	_ =	shalt  }
0x57: {  	_ =	shalt  }
0x58: {  	_ =	shalt  }
0x59: {  	_ =	shalt  }
0x5a: {  	_ =	shalt  }
0x5b: {  	_ =	shalt  }
0x5c: {  	_ =	shalt  }
0x5d: {  	_ =	shalt  }
0x5e: {  	_ =	shalt  }
0x5f: {  	_ =	shalt  }
0x60: {  	_ =	shalt  }
0x61: {  	_ =	shalt  }
0x62: {  	_ =	shalt  }
0x63: {  	_ =	shalt  }
0x64: {  	_ =	shalt  }
0x65: {  	_ =	shalt  }
0x66: {  	_ =	shalt  }
0x67: {  	_ =	shalt  }
0x68: {  	_ =	shalt  }
0x69: {  	_ =	shalt  }
0x6a: {  	_ =	shalt  }
0x6b: {  	_ =	shalt  }
0x6c: {  	_ =	shalt  }
0x6d: {  	_ =	shalt  }
0x6e: {  	_ =	shalt  }
0x6f: {  	_ =	shalt  }
0x70: {  	_ =	shalt  }
0x71: {  	_ =	shalt  }
0x72: {  	_ =	shalt  }
0x73: {  	_ =	shalt  }
0x74: {  	_ =	shalt  }
0x75: {  	_ =	shalt  }
0x76: {  	_ =	shalt  }
0x77: {  	_ =	shalt  }
0x78: {  	_ =	shalt  }
0x79: {  	_ =	shalt  }
0x7a: {  	_ =	shalt  }
0x7b: {  	_ =	shalt  }
0x7c: {  	_ =	shalt  }
0x7d: {  	_ =	shalt  }
0x7e: {  	_ =	shalt  }
0x7f: {  	_ =	shalt  }
0x80: {  	_ =	shalt  }
0x81: {  	_ =	shalt  }
0x82: {  	_ =	shalt  }
0x83: {  	_ =	shalt  }
0x84: {  	_ =	shalt  }
0x85: {  	_ =	shalt  }
0x86: {  	_ =	shalt  }
0x87: {  	_ =	shalt  }
.Lfunc_end0:
.L_simem_size_0:
called_computation_lowered:
.L_overlay_start_0:
0x88: {  	s2 =	sld [smem:$0x3FD9]  }
0x89: {  	s3 =	sld [smem:$0x3FFE];
	_ =	sdelay $0x1  }
0x8a: {  	s1 =	srdreg.scid  }
0x8b: {  	s0 =	sand.u32 $0x1, s1  }
0x8c: {  	s14 =	sshll.u32 s0, $0xA;
	s2 =	sadd.s32 s3, s2  }
0x8d: {  	s2 =	sadd.s32 s2, s14  }
0x8e: {  	[smem:$0x3FC0] =	sst s2  }
0x8f: {  	_ = 	snop  }
0x90: {  	s2 =	sld [smem:$0x3FD0];
	_ =	sdelay $0x2  }
0x91: {  	s15 =	simm.s32 $0xA;
	s4 =	simm.s32 $0x10  }
0x92: {  	[smem:s4], [sflag:s15] =	dma.local [hbm:s2], $0x1  }
0x93: {  	_ =	swait.eq [sflag:s15], $0x1  }
0x94: {  	[sflag:s15] =	ssyncset.done $0x0  }
0x95: {  	[sflag:s15] =	ssyncadd.s32 $0xFFFFFFFF  }
0x96: {  	s16 =	sld [smem:$0x11];
	(tm) =	ssettm $0x1  }
0x97: {  	s17 =	sld [smem:$0x3FFB];
	_ =	sdelay $0x3  }
0x98: {  	_ =	strace s17  }
0x99: {  	s3 =	sld [smem:$0x3FFC];
	_ =	sdelay $0x3  }
0x9a: {  	_ =	strace s3  }
0x9b: {  	s3 =	sld [smem:$0x3FFD];
	_ =	sdelay $0x3  }
0x9c: {  	_ =	strace s3  }
0x9d: {  	_ =	strace $0x8FFFFFFF  }
0x9e: {  	s18 =	sld [smem:$0x3FDB];
	_ =	sdelay $0x1  }
0x9f: {  	s19 =	simm.s32 $_scs_section_size  }
0xa0: {  	s5 =	simm.s32 $_size__tile_overlayer_lowered;
	s6 =	simm.s32 $_tile_overlayer_lowered  }
0xa1: {  	s22 =	simm.s32 $0x1BFF;
	s21 =	sshll.u32 s6, $0x1;
	s3 =	sadd.s32 s19, s18  }
0xa2: {  	s7 =	simm.s32 $0x0;
	s20 =	sshll.u32 s5, $0x1;
	s5 =	sadd.s32 s21, s3  }
0xa3: {  	[timem:s7], [sflag:s22] =	dma.local [hbm:s5], s20  }
0xa4: {  	_ =	swait.ge [sflag:s22], s20  }
0xa5: {  	s4 =	ssub.s32 $0x0, s20;
	[sflag:s22] =	ssyncset.done $0x0  }
0xa6: {  	[sflag:s22] =	ssyncadd.s32 s4;
	_ =	sdelay $0x1  }
0xa7: {  	s23 =	simm.s32 $0x1B8B  }
0xa8: {  	_ =	swait.ge [sflag:s23], $0x1  }
0xa9: {  	[sflag:s23] =	ssyncset.done $0x0  }
0xaa: {  	s25 =	simm.s32 $0x1B8E;
	s24 =	sld [smem:$0x3FFE];
	[sflag:s23] =	ssyncadd.s32 $0xFFFFFFFF  }
0xab: {  	s26 =	simm.s32 $execute0_lowered;
	[smem:$0x3FD2] =	sst s25  }
0xac: {  	s5 =	sshll.u32 s26, $0x1;
	_ =	strace $0x80000046;
	[dreg:$0x1] =	wrdreg $0xFFFFFFFF  }
0xad: {  	s28 =	simm.s32 $_size_execute0_lowered;
	s3 =	sadd.s32 s3, s5;
	[dreg:$0x0] =	wrdreg $0x0  }
0xae: {  	s5 =	sshll.u32 s28, $0x1;
	[dreg:$0x2] =	wrdreg s3  }
0xaf: {  	[dreg:$0x3] =	wrdreg s5  }
0xb0: {  	[dreg:$0x4] =	wrdreg $0xC0  }
0xb1: {  	_ =	task [dreg:s7], $0x5FFFF  }
0xb2: {  	[dreg:$0x1] =	wrdreg $0xFFFFFFFF  }
0xb3: {  	[dreg:$0x0] =	wrdreg $0x60  }
0xb4: {  	[dreg:$0x2] =	wrdreg s24  }
0xb5: {  	[dreg:$0x3] =	wrdreg s16  }
0xb6: {  	[dreg:$0x4] =	wrdreg $0x9  }
0xb7: {  	_ =	task.clear_ibuf [dreg:s7], $0x5FFFF;
	_ =	strace $0x90000046  }
0xb8: {  	s29 =	simm.s32 $0x9;
	_ =	strace $0x80000048  }
0xb9: {  	_ =	swait.ge [sflag:s29], $0x1  }
0xba: {  	[sflag:s29] =	ssyncadd.s32 $0xFFFFFFFF  }
0xbb: {  	_ =	strace $0x90000048  }
0xbc: {  	_ =	sfence  }
0xbd: {  	s30 =	sld [smem:$0x0];
	_ =	sdelay $0x2  }
0xbe: {  	s31 =	sshll.u32 s1, $0xD;
	s1 =	sshrl.u32 s1, $0x2  }
0xbf: {  	s3 =	sand.u32 $0x4000, s31;
	s1 =	sadd.s32 s1, s30  }
0xc0: {  	s0 =	sor.u32 s3, s0;
	s1 =	sshll.u32 s1, $0x11  }
0xc1: {  	s0 =	sor.u32 s1, s0  }
0xc2: {  	s0 =	sadd.s32 $0x8F2B, s0  }
0xc3: {  	[sflag:s0] =	ssyncadd.remote.s32 $0x1  }
0xc4: {  	_ =	sfence.sel $0xFFFF  }
0xc5: {  	[dreg:$0x0] =	wrdreg $0xFFFFFFFF;
	(pc) =	sbr.abs _section_cstart, $3  }
0xc6: {  	[dreg:$0x1] =	wrdreg $0xFFFFFFFF  }
0xc7: {  	_ =	task.clear_ibuf [dreg:s7], $0x2FFFF;
	_ =	strace $0x9FFFFFFF  }
0xc8: {  	(tm) =	ssettm $0x7FFFFFFF  }
0xc9: {  	_ =	shalt  }
tec
execute0_lowered:
.L_overlay_start_1:
0x0: {  	(tag) =	ssettag $0x1  }
0x1: {  	s3 =	rddreg [dreg:$0x0]  }
0x2: {  	s4 =	rddreg [dreg:$0x1];
	s1 =	srdreg.scid  }
0x3: {  	s0 =	rddreg [dreg:$0x2];
	s5 =	sand.u32 $0x1, s1  }
0x4: {  	s2 =	simm.s32 $0x0;
	s1 =	stileid.u32;
	s7 =	smul.u32 $0x27800, s5  }
0x5: {  	[smem:$0x7FF] =	sst s2;
	s6 =	sshll.u32 s5, $0x4;
	s8 =	smul.u32 $0x2780, s1  }
0x6: {  	s5 =	ssub.s32 $0x2, s5;
	_ =	strace $0x80000047;
	s6 =	sor.u32 s1, s6  }
0x7: {  	s30 =	sshrl.u32 s5, $0x1;
	s6 =	smul.u32 $0x4E2, s6;
	s7 =	sadd.s32 s8, s7  }
0x8: {  	s5 =	ssub.s32 s5, s30;
	s8 =	simm.s32 $0x0;
	s31 =	sshrl.u32 s7, $0x3  }
0x9: {  	s5 =	smax.u32 s5, $0x1;
	s7 =	simm.s32 $0x2780;
	s3 =	sadd.s32 s6, s3  }
0xa: {  	v0 =	vimm.f32 $0.0e+00;
	v1 =	vimm.f32 $1.000000000e+00;
	s4 =	sadd.s32 s4, s31;
	s6 =	simm.s32 $0x1;
	s3 =	sadd.s32 $0x2600, s3  }
.LBB2_1:
0xb: {  	s9 =	simm.s32 $0x40;
	s10 =	simm.s32 $0x0  }
.LBB2_2:
0xc: {  	p0 =	sne.s32 s9, $0x9C00;
	[tilespmem:s10+$0x2780] =	vst v0;
	s10 =	smov.u32 s9;
	s9 =	sadd.s32 $0x40, s9  }
.Ltmp0:
0xd: {  	(pc) =	sbr.rel @p0 .LBB2_2-.Ltmp0, $2  }
0xe: {  	_ =	sdelay $0x2  }
0xf: {  	s10 =	sshra.s32 s10, $0x2  }
0x10: {  	[tilespmem:s10+$0x2780] =	vst v0;
	s9 =	simm.s32 $0x0  }
0x11: {  	[tilespmem:s9], [sflag:$0x1] =	stream.linear.gather [hbm4b:s3+s9], $0x2710, $0x38;
	[tilespmem:$0x4F00] =	vst v63  }
0x12: {  	_ =	swait.ge [sflag:s6], $0x2710  }
0x13: {  	[sflag:s6] =	ssyncset.done $0x0  }
0x14: {  	s10 =	simm.s32 $0x0;
	s9 =	simm.s32 $0x40;
	[sflag:s6] =	ssyncadd.s32 $0xFFFFD8F0  }
.LBB2_4:
0x15: {  	p0 =	sne.s32 s9, $0x9C00;
	v2 =	vld [tilespmem:s10+$0x0];
	_ =	sdelay $0x3  }
.Ltmp1:
0x16: {  	(pc) =	sbr.rel @p0 .LBB2_4-.Ltmp1, $2  }
0x17: {  	_ =	sdelay $0x2  }
0x18: {  	s10 =	sshra.s32 s9, $0x2;
	s9 =	sadd.s32 $0x40, s9;
	[tilespmem:v2+s7+$0x0] =	vst.idx.add.f32.msk $0xffff, v1  }
0x19: {  	v2 =	vld [tilespmem:s10+$0x0];
	_ =	sdelay $0x5  }
0x1a: {  	s8 =	sadd.s32 $0x1, s8  }
0x1b: {  	p0 =	sne.s32 s8, s5  }
.Ltmp2:
0x1c: {  	[tilespmem:v2+s7+$0x0] =	vst.idx.add.f32.msk $0xffff, v1;
	(pc) =	sbr.rel @p0 .LBB2_1-.Ltmp2, $4  }
0x1d: {  	[hbm4b:s4+s2] =	stream.linear.scatter [tilespmem:s7], [sflag:$0x1], $0x2780, $0x38;
	[tilespmem:$0x4F00] =	vst v63  }
0x1e: {  	_ =	swait.ge [sflag:s6], $0x2780  }
0x1f: {  	[sflag:s6] =	ssyncset.done $0x0  }
0x20: {  	[sflag:s6] =	ssyncadd.s32 $0xFFFFD880  }
0x21: {  	_ =	sfence.sel $0x180000  }
0x22: {  	[bflag:$0x0] =	sbarrier.arrive $0xFFFF  }
0x23: {  	p0 =	sne.s32 s1, $0x0;
	_ =	strace $0x90000047  }
0x24: {  	s0 =	sadd.s32 @!p0 $0x100000, s0;
	[bflag:$0x2] =	sbarrier.arrive $0xFFFF  }
0x25: {  	[sflag:s0] =	ssyncadd.tile.s32 @!p0 $0x1;
	_ =	shalt  }
.Lfunc_end2:
_tile_overlayer_lowered:
.L_overlay_start_2:
0x26: {  	(tag) =	ssettag $0x2  }
0x27: {  	s0 =	rddreg [dreg:$0x0];
	s2 =	stileid.u32  }
0x28: {  	s1 =	rddreg [dreg:$0x1];
	p0 =	sne.s32 s2, $0x0  }
0x29: {  	s3 =	rddreg [dreg:$0x2];
	[bflag:$0x3] =	sbarrier.arrive $0xFFFF;
	s2 =	simm.s32 @!p0 $0x1C01  }
0x2a: {  	[timem:s3], [sflag:s2] =	dma.local @!p0 [hbm:s0], s1  }
0x2b: {  	s0 =	simm.s32 @!p0 $0x1  }
0x2c: {  	_ =	swait.ge @!p0 [sflag:s0], s1  }
0x2d: {  	s1 =	ssub.s32 @!p0 $0x0, s1;
	[sflag:s0] =	ssyncset.done @!p0 $0x0  }
0x2e: {  	[sflag:s0] =	ssyncadd.s32 @!p0 s1  }
0x2f: {  	[bflag:$0x3] =	sbarrier.arrive $0xFFFF  }
0x30: {  	_ =	shalt  }

</sc_bundles>
